<compile_context>
chip_gen: v7x
topology: tpu7x:2x2x1
jax: 0.10.2.dev20260603
libtpu: 0.0.44.dev20260713+nightly
codegen_flags: <defaults>
</compile_context>

<pallas_src>
import functools

import jax
import jax.numpy as jnp
from jax import lax
from jax.experimental import pallas as pl
from jax.experimental.pallas import tpu as pltpu
from jax.experimental.pallas import tpu_sc as plsc

N_X = 5736
N_GENE = 4264
N = N_X + N_GENE
E = 160000
NREL = 5

B_EDGE = 512
R_NODE = 200
NB = N // R_NODE
E_PAD = ((E + B_EDGE - 1) // B_EDGE) * B_EDGE
NCH = E_PAD // B_EDGE



def _mm_body(a_ref, b_ref, o_ref):
    o_ref[...] = jnp.dot(a_ref[...], b_ref[...],
                         preferred_element_type=jnp.float32)


def _matmul(a, b, bm=200, bn=256):
    m, k = a.shape
    k2, n = b.shape
    assert k == k2 and m % bm == 0 and n % bn == 0
    return pl.pallas_call(
        _mm_body,
        grid=(m // bm, n // bn),
        in_specs=[
            pl.BlockSpec((bm, k), lambda i, j: (i, 0)),
            pl.BlockSpec((k, bn), lambda i, j: (0, j)),
        ],
        out_specs=pl.BlockSpec((bm, bn), lambda i, j: (i, j)),
        out_shape=jax.ShapeDtypeStruct((m, n), jnp.float32),
    )(a, b)



def _sc_gather(table, idx, d):
    info = plsc.get_sparse_core_info()
    nc, ns = info.num_cores, info.num_subcores
    nw = nc * ns
    b_per_w = E_PAD // nw
    chunk = 32
    nsteps = b_per_w // chunk
    mesh = plsc.VectorSubcoreMesh(core_axis_name="c", subcore_axis_name="s")

    @functools.partial(
        pl.kernel, mesh=mesh,
        out_type=jax.ShapeDtypeStruct((E_PAD, d), jnp.float32),
        scratch_types=[
            pltpu.VMEM((chunk,), jnp.int32),
            pltpu.VMEM((chunk, d), jnp.float32),
            pltpu.SemaphoreType.DMA,
        ],
    )
    def gather_k(table_hbm, idx_hbm, out_hbm, idx_v, rows_v, sem):
        wid = lax.axis_index("s") * nc + lax.axis_index("c")
        base = wid * b_per_w

        def body(i, carry):
            off = base + i * chunk
            pltpu.sync_copy(idx_hbm.at[pl.ds(off, chunk)], idx_v)
            pltpu.async_copy(table_hbm.at[idx_v], rows_v, sem).wait()
            pltpu.sync_copy(rows_v, out_hbm.at[pl.ds(off, chunk)])
            return carry

        lax.fori_loop(0, nsteps, body, 0)

    return gather_k(table, idx)



def _seg_body(offs_ref, msg_hbm, code_hbm, out0_ref, out_ref,
              code_v, msg_v, sem, *, dp):
    k = pl.program_id(0)
    lo = offs_ref[k]
    hi = offs_ref[k + 1]
    c_lo = lo // B_EDGE
    c_hi = (hi + B_EDGE - 1) // B_EDGE

    iota_col = lax.broadcasted_iota(jnp.int32, (R_NODE, B_EDGE), 0)

    def body(c, carry):
        s, cnt = carry
        pltpu.make_async_copy(code_hbm.at[c], code_v, sem).start()
        pltpu.make_async_copy(code_hbm.at[c], code_v, sem).wait()
        pltpu.make_async_copy(
            msg_hbm.at[(pl.ds(c * B_EDGE, B_EDGE), slice(None))], msg_v,
            sem).start()
        pltpu.make_async_copy(
            msg_hbm.at[(pl.ds(c * B_EDGE, B_EDGE), slice(None))], msg_v,
            sem).wait()
        code = code_v[...]
        dloc = code // 8 - k * R_NODE
        rel = code % 8
        dloc_b = jnp.broadcast_to(dloc, (R_NODE, B_EDGE))
        rel_b = jnp.broadcast_to(rel, (R_NODE, B_EDGE))
        msg = msg_v[...]
        s_new = []
        cnt_new = []
        for r in range(NREL):
            oht = jnp.where((dloc_b == iota_col) & (rel_b == r), 1.0, 0.0)
            s_new.append(s[r] + jnp.dot(oht, msg,
                                        preferred_element_type=jnp.float32))
            cnt_new.append(cnt[r] + jnp.sum(oht, axis=1, keepdims=True))
        return tuple(s_new), tuple(cnt_new)

    zero_s = tuple(jnp.zeros((R_NODE, dp), jnp.float32) for _ in range(NREL))
    zero_c = tuple(jnp.zeros((R_NODE, 1), jnp.float32) for _ in range(NREL))
    s, cnt = lax.fori_loop(c_lo, c_hi, body, (zero_s, zero_c))

    out = out0_ref[...]
    for r in range(NREL):
        out = out + s[r] / jnp.maximum(cnt[r], 1.0)
    out_ref[...] = jnp.maximum(out, 0.0)


def _seg_aggregate(offs, msg, code3d, out0, dp):
    grid_spec = pltpu.PrefetchScalarGridSpec(
        num_scalar_prefetch=1,
        grid=(NB,),
        in_specs=[
            pl.BlockSpec(memory_space=pltpu.MemorySpace.HBM),
            pl.BlockSpec(memory_space=pltpu.MemorySpace.HBM),
            pl.BlockSpec((R_NODE, dp), lambda k, offs: (k, 0)),
        ],
        out_specs=pl.BlockSpec((R_NODE, dp), lambda k, offs: (k, 0)),
        scratch_shapes=[
            pltpu.VMEM((1, B_EDGE), jnp.int32),
            pltpu.VMEM((B_EDGE, dp), jnp.float32),
            pltpu.SemaphoreType.DMA,
        ],
    )
    return pl.pallas_call(
        functools.partial(_seg_body, dp=dp),
        grid_spec=grid_spec,
        out_shape=jax.ShapeDtypeStruct((N, dp), jnp.float32),
    )(offs, msg, code3d, out0)



def _head_body(h_ref, lw1_ref, lb1_ref, lw2_ref, lb2_ref, logp_ref, emb_ref):
    z1 = jnp.maximum(
        jnp.dot(h_ref[...], lw1_ref[...], preferred_element_type=jnp.float32)
        + lb1_ref[...], 0.0)
    logits = jnp.dot(z1, lw2_ref[...],
                     preferred_element_type=jnp.float32) + lb2_ref[...]
    l0 = logits[:, 0:1]
    l1 = logits[:, 1:2]
    m = jnp.maximum(l0, l1)
    lse = m + jnp.log(jnp.exp(l0 - m) + jnp.exp(l1 - m))
    logp_ref[...] = logits - lse
    emb_ref[...] = z1


def _head(h, lw1p, lb1p, lw2p, lb2p, dp, d3p):
    return pl.pallas_call(
        _head_body,
        grid=(NB,),
        in_specs=[
            pl.BlockSpec((R_NODE, dp), lambda k: (k, 0)),
            pl.BlockSpec((dp, d3p), lambda k: (0, 0)),
            pl.BlockSpec((1, d3p), lambda k: (0, 0)),
            pl.BlockSpec((d3p, 128), lambda k: (0, 0)),
            pl.BlockSpec((1, 128), lambda k: (0, 0)),
        ],
        out_specs=(
            pl.BlockSpec((R_NODE, 128), lambda k: (k, 0)),
            pl.BlockSpec((R_NODE, d3p), lambda k: (k, 0)),
        ),
        out_shape=(
            jax.ShapeDtypeStruct((N, 128), jnp.float32),
            jax.ShapeDtypeStruct((N, d3p), jnp.float32),
        ),
    )(h, lw1p, lb1p, lw2p, lb2p)



def _pad2(a, rows, cols):
    return jnp.pad(a, ((0, rows - a.shape[0]), (0, cols - a.shape[1])))


def _rgcn_layer(h, w, root, b, gidx, code3d, offs, din_p, dout_p):
    blocks = [_pad2(w[r], din_p, dout_p) for r in range(NREL)]
    blocks.append(_pad2(root, din_p, dout_p))
    wcat = jnp.concatenate(blocks, axis=1)
    t = _matmul(h, wcat)
    table = t[:, :NREL * dout_p].reshape(N * NREL, dout_p)
    bp = jnp.pad(b, (0, dout_p - b.shape[0]))
    out0 = t[:, NREL * dout_p:] + bp[None, :]
    msg = _sc_gather(table, gidx, dout_p)
    return _seg_aggregate(offs, msg, code3d, out0, dout_p)


def kernel(x, edge_index, edge_type, gene_emb, w1, root1, b1, w2, root2, b2,
           lw1, lb1, lw2, lb2):
    h = jnp.concatenate([x, gene_emb], axis=0)
    h = jnp.pad(h, ((0, 0), (0, 3)))

    src = edge_index[0]
    dst = edge_index[1]
    perm = jnp.argsort(dst)
    sdst = dst[perm]
    ssrc = src[perm]
    srel = edge_type[perm]

    gidx = jnp.pad(ssrc * NREL + srel, (0, E_PAD - E)).astype(jnp.int32)
    code = jnp.pad(sdst * 8 + srel, (0, E_PAD - E),
                   constant_values=8 * N).astype(jnp.int32)
    code3d = code.reshape(NCH, 1, B_EDGE)
    offs = jnp.searchsorted(
        sdst, jnp.arange(NB + 1, dtype=jnp.int32) * R_NODE).astype(jnp.int32)

    d1p, d2p, d3p = 1408, 1024, 768
    w1l = [jnp.pad(w1[r], ((0, 3), (0, 0))) for r in range(NREL)]
    w1p = jnp.stack(w1l)
    root1p = jnp.pad(root1, ((0, 3), (0, 0)))
    h1 = _rgcn_layer(h, w1p, root1p, b1, gidx, code3d, offs, 1616, d1p)
    h2 = _rgcn_layer(h1, w2, root2, b2, gidx, code3d, offs, d1p, d2p)

    lw1p = _pad2(lw1, d2p, d3p)
    lb1p = jnp.pad(lb1, (0, d3p - lb1.shape[0]))[None, :]
    lw2p = _pad2(lw2, d3p, 128)
    lb2p = jnp.pad(lb2, (0, 128 - lb2.shape[0]))[None, :]
    logp_pad, emb_pad = _head(h2, lw1p, lb1p, lw2p, lb2p, d2p, d3p)
    return (logp_pad[:, :2], emb_pad[:, :740])

# --- scband reference (transcript-rebuilt; emitter-appended) ---
"""Pipeline reference for scband-net-8607114461800 (READ-ONLY COPY).

The authoritative reference and input builder live on the scoring server;
editing this copy changes nothing except your own understanding.
"""

import jax, jax.numpy as jnp
import numpy as np

N_X = 5736
N_GENE = 4264
N = N_X + N_GENE
E = 160000
IN = 1613
D1 = 1340
D2 = 920
D3 = 740
NREL = 5


def setup_inputs(seed: int = 0):
    key = jax.random.key(seed)
    ks = jax.random.split(key, 16)
    s = 0.02
    inp = {}
    inp["x"] = jax.random.normal(ks[0], (N_X, IN), dtype=jnp.float32)
    inp["edge_index"] = jax.random.randint(ks[1], (2, E), 0, N, dtype=jnp.int32)
    inp["edge_type"] = jax.random.randint(ks[2], (E,), 0, NREL, dtype=jnp.int32)
    # learned parameters
    inp["gene_emb"] = jax.random.normal(ks[3], (N_GENE, IN), dtype=jnp.float32)
    inp["w1"] = jax.random.normal(ks[4], (NREL, IN, D1), dtype=jnp.float32) * s
    inp["root1"] = jax.random.normal(ks[5], (IN, D1), dtype=jnp.float32) * s
    inp["b1"] = jnp.zeros((D1,), dtype=jnp.float32)
    inp["w2"] = jax.random.normal(ks[6], (NREL, D1, D2), dtype=jnp.float32) * s
    inp["root2"] = jax.random.normal(ks[7], (D1, D2), dtype=jnp.float32) * s
    inp["b2"] = jnp.zeros((D2,), dtype=jnp.float32)
    inp["lw1"] = jax.random.normal(ks[8], (D2, D3), dtype=jnp.float32) * s
    inp["lb1"] = jnp.zeros((D3,), dtype=jnp.float32)
    inp["lw2"] = jax.random.normal(ks[9], (D3, 2), dtype=jnp.float32) * s
    inp["lb2"] = jnp.zeros((2,), dtype=jnp.float32)
    return inp


def rgcn_conv(h, edge_index, edge_type, weight, root, bias):
    # RGCNConv with mean aggregation per relation (PyG default):
    # out_i = h_i @ root + bias + sum_r mean_{j in N_r(i)} (h_j @ W_r)
    src = edge_index[0]
    dst = edge_index[1]
    out = h @ root + bias
    for r in range(NREL):
        hr = h @ weight[r]                      # transform then gather
        msg = jnp.take(hr, src, axis=0)         # gather source features
        w = (edge_type == r).astype(h.dtype)    # select edges of relation r
        s = jax.ops.segment_sum(msg * w[:, None], dst, num_segments=N)
        cnt = jax.ops.segment_sum(w, dst, num_segments=N)
        out = out + s / jnp.maximum(cnt, 1.0)[:, None]
    return out


def reference(x, edge_index, edge_type, gene_emb, w1, root1, b1, w2, root2, b2, lw1, lb1, lw2, lb2):
    h = jnp.concatenate([x, gene_emb], axis=0)
    h = jax.nn.relu(rgcn_conv(h, edge_index, edge_type, w1, root1, b1))
    # dropout: eval mode -> identity
    h = jax.nn.relu(rgcn_conv(h, edge_index, edge_type, w2, root2, b2))
    h = jax.nn.relu(h @ lw1 + lb1)
    emb = h
    logits = h @ lw2 + lb2
    logp = logits - jax.scipy.special.logsumexp(logits, axis=-1, keepdims=True)
    return (logp, emb)

if __name__ == "__main__":
    import jax
    _d = setup_inputs()
    print(jax.jit(kernel)(*tuple(_d.values())))

</pallas_src>

<mosaic_0001>
#map = affine_map<(d0, d1) -> (0, 0)>
#map1 = affine_map<(d0, d1) -> (0)>
module attributes {stable_mosaic.version = 14 : i64} {
  func.func @gather_k(%arg0: i32, %arg1: i32, %arg2: memref<50000x1408xf32, #tpu.memory_space<hbm>>, %arg3: memref<160256xi32, #tpu.memory_space<hbm>>, %arg4: memref<160256x1408xf32, #tpu.memory_space<hbm>>, %arg5: memref<32xi32, #tpu.memory_space<vmem>>, %arg6: memref<32x1408xf32, #tpu.memory_space<vmem>>, %arg7: memref<!tpu.dma_semaphore, #tpu.memory_space<semaphore_mem>>) attributes {dimension_semantics = [#tpu.dimension_semantics<core_parallel>, #tpu.dimension_semantics<subcore_parallel>], iteration_bounds = array<i64: 2, 16>, scalar_prefetch = 0 : i64, scratch_operands = 3 : i64, tpu.core_type = #tpu.core_type<sc_vector_subcore>, window_params = [{transform_indices = #map}, {transform_indices = #map1}, {transform_indices = #map}]} {
    %mul3A = arith.constant 2 : i32
    %mul3A_0 = arith.muli %arg1, %mul3A : i32
    %add3A = arith.addi %mul3A_0, %arg0 : i32
    %mul3A_1 = arith.constant 5008 : i32
    %mul3A_2 = arith.muli %add3A, %mul3A_1 : i32
    %scan3A = arith.constant 0 : i32
    %scan3A_3 = arith.constant 0 : i32
    %scan3A_4 = arith.constant 156 : i32
    %scan3A_5 = arith.addi %scan3A_3, %scan3A_4 : i32
    %scan3A_6 = arith.constant 1 : i32
    scf.for %scan3A_8 = %scan3A_3 to %scan3A_5 step %scan3A_6  : i32 {
      %mul3A_9 = arith.constant 32 : i32
      %mul3A_10 = arith.muli %scan3A_8, %mul3A_9 : i32
      %add3A_11 = arith.addi %mul3A_2, %mul3A_10 : i32
      "tpu.region"() ({
        %run_scoped3A = tpu.sem_alloc : memref<!tpu.dma_semaphore, #tpu.memory_space<semaphore_mem>>
        %dma_start3A_16 = tpu.memref_slice %arg3[%add3A_11] : memref<160256xi32, #tpu.memory_space<hbm>> -> memref<32xi32, #tpu.memory_space<hbm>>
        %dma_start3A_17 = tpu.memref_slice %arg3[%add3A_11] : memref<160256xi32, #tpu.memory_space<hbm>> -> memref<32xi32, #tpu.memory_space<hbm>>
        tpu.enqueue_dma source(%dma_start3A_17 : memref<32xi32, #tpu.memory_space<hbm>>) target(%arg5 : memref<32xi32, #tpu.memory_space<vmem>>) target_semaphore(%run_scoped3A : memref<!tpu.dma_semaphore, #tpu.memory_space<semaphore_mem>>)
        %dma_wait3A_18 = tpu.memref_slice %arg3[%add3A_11] : memref<160256xi32, #tpu.memory_space<hbm>> -> memref<32xi32, #tpu.memory_space<hbm>>
        %dma_wait3A_19 = tpu.memref_slice %arg3[%add3A_11] : memref<160256xi32, #tpu.memory_space<hbm>> -> memref<32xi32, #tpu.memory_space<hbm>>
        tpu.wait_dma2 semaphore(%run_scoped3A : memref<!tpu.dma_semaphore, #tpu.memory_space<semaphore_mem>>) src(%dma_wait3A_19 : memref<32xi32, #tpu.memory_space<hbm>>) dst(%arg5 : memref<32xi32, #tpu.memory_space<vmem>>)
        tpu.yield
      }) : () -> ()
      %dma_start3A = arith.constant 0 : i32
      %dma_start3A_12 = arith.constant 0 : i32
      %dma_start3A_13 = tpu.memref_slice %arg2[%dma_start3A, %dma_start3A_12] : memref<50000x1408xf32, #tpu.memory_space<hbm>> -> memref<50000x1408xf32, #tpu.memory_space<hbm>>
      tpu.enqueue_indirect_dma source(%dma_start3A_13 : memref<50000x1408xf32, #tpu.memory_space<hbm>>) target(%arg6 : memref<32x1408xf32, #tpu.memory_space<vmem>>) offsets(%arg5 : memref<32xi32, #tpu.memory_space<vmem>>) semaphore(%arg7 : memref<!tpu.dma_semaphore, #tpu.memory_space<semaphore_mem>>)
      %dma_wait3A = arith.constant 0 : i32
      %dma_wait3A_14 = arith.constant 0 : i32
      %dma_wait3A_15 = tpu.memref_slice %arg2[%dma_wait3A, %dma_wait3A_14] : memref<50000x1408xf32, #tpu.memory_space<hbm>> -> memref<50000x1408xf32, #tpu.memory_space<hbm>>
      tpu.wait_indirect_dma semaphore(%arg7 : memref<!tpu.dma_semaphore, #tpu.memory_space<semaphore_mem>>) src(%dma_wait3A_15 : memref<50000x1408xf32, #tpu.memory_space<hbm>>) dst(%arg6 : memref<32x1408xf32, #tpu.memory_space<vmem>>)
      "tpu.region"() ({
        %run_scoped3A = tpu.sem_alloc : memref<!tpu.dma_semaphore, #tpu.memory_space<semaphore_mem>>
        %dma_start3A_16 = arith.constant 0 : i32
        %dma_start3A_17 = tpu.memref_slice %arg4[%add3A_11, %dma_start3A_16] : memref<160256x1408xf32, #tpu.memory_space<hbm>> -> memref<32x1408xf32, #tpu.memory_space<hbm>>
        %dma_start3A_18 = arith.constant 0 : i32
        %dma_start3A_19 = tpu.memref_slice %arg4[%add3A_11, %dma_start3A_18] : memref<160256x1408xf32, #tpu.memory_space<hbm>> -> memref<32x1408xf32, #tpu.memory_space<hbm>>
        tpu.enqueue_dma source(%arg6 : memref<32x1408xf32, #tpu.memory_space<vmem>>) target(%dma_start3A_19 : memref<32x1408xf32, #tpu.memory_space<hbm>>) target_semaphore(%run_scoped3A : memref<!tpu.dma_semaphore, #tpu.memory_space<semaphore_mem>>)
        %dma_wait3A_20 = arith.constant 0 : i32
        %dma_wait3A_21 = tpu.memref_slice %arg4[%add3A_11, %dma_wait3A_20] : memref<160256x1408xf32, #tpu.memory_space<hbm>> -> memref<32x1408xf32, #tpu.memory_space<hbm>>
        %dma_wait3A_22 = arith.constant 0 : i32
        %dma_wait3A_23 = tpu.memref_slice %arg4[%add3A_11, %dma_wait3A_22] : memref<160256x1408xf32, #tpu.memory_space<hbm>> -> memref<32x1408xf32, #tpu.memory_space<hbm>>
        tpu.wait_dma2 semaphore(%run_scoped3A : memref<!tpu.dma_semaphore, #tpu.memory_space<semaphore_mem>>) src(%arg6 : memref<32x1408xf32, #tpu.memory_space<vmem>>) dst(%dma_wait3A_23 : memref<32x1408xf32, #tpu.memory_space<hbm>>)
        tpu.yield
      }) : () -> ()
    }
    %scan3A_7 = arith.constant 156 : i32
    return
  }
}

#map = affine_map<(d0, d1) -> (0, 0)>
#map1 = affine_map<(d0, d1) -> (0)>
module attributes {stable_mosaic.version = 14 : i64} {
  func.func @gather_k(%arg0: i32, %arg1: i32, %arg2: memref<50000x1024xf32, #tpu.memory_space<hbm>>, %arg3: memref<160256xi32, #tpu.memory_space<hbm>>, %arg4: memref<160256x1024xf32, #tpu.memory_space<hbm>>, %arg5: memref<32xi32, #tpu.memory_space<vmem>>, %arg6: memref<32x1024xf32, #tpu.memory_space<vmem>>, %arg7: memref<!tpu.dma_semaphore, #tpu.memory_space<semaphore_mem>>) attributes {dimension_semantics = [#tpu.dimension_semantics<core_parallel>, #tpu.dimension_semantics<subcore_parallel>], iteration_bounds = array<i64: 2, 16>, scalar_prefetch = 0 : i64, scratch_operands = 3 : i64, tpu.core_type = #tpu.core_type<sc_vector_subcore>, window_params = [{transform_indices = #map}, {transform_indices = #map1}, {transform_indices = #map}]} {
    %mul3A = arith.constant 2 : i32
    %mul3A_0 = arith.muli %arg1, %mul3A : i32
    %add3A = arith.addi %mul3A_0, %arg0 : i32
    %mul3A_1 = arith.constant 5008 : i32
    %mul3A_2 = arith.muli %add3A, %mul3A_1 : i32
    %scan3A = arith.constant 0 : i32
    %scan3A_3 = arith.constant 0 : i32
    %scan3A_4 = arith.constant 156 : i32
    %scan3A_5 = arith.addi %scan3A_3, %scan3A_4 : i32
    %scan3A_6 = arith.constant 1 : i32
    scf.for %scan3A_8 = %scan3A_3 to %scan3A_5 step %scan3A_6  : i32 {
      %mul3A_9 = arith.constant 32 : i32
      %mul3A_10 = arith.muli %scan3A_8, %mul3A_9 : i32
      %add3A_11 = arith.addi %mul3A_2, %mul3A_10 : i32
      "tpu.region"() ({
        %run_scoped3A = tpu.sem_alloc : memref<!tpu.dma_semaphore, #tpu.memory_space<semaphore_mem>>
        %dma_start3A_16 = tpu.memref_slice %arg3[%add3A_11] : memref<160256xi32, #tpu.memory_space<hbm>> -> memref<32xi32, #tpu.memory_space<hbm>>
        %dma_start3A_17 = tpu.memref_slice %arg3[%add3A_11] : memref<160256xi32, #tpu.memory_space<hbm>> -> memref<32xi32, #tpu.memory_space<hbm>>
        tpu.enqueue_dma source(%dma_start3A_17 : memref<32xi32, #tpu.memory_space<hbm>>) target(%arg5 : memref<32xi32, #tpu.memory_space<vmem>>) target_semaphore(%run_scoped3A : memref<!tpu.dma_semaphore, #tpu.memory_space<semaphore_mem>>)
        %dma_wait3A_18 = tpu.memref_slice %arg3[%add3A_11] : memref<160256xi32, #tpu.memory_space<hbm>> -> memref<32xi32, #tpu.memory_space<hbm>>
        %dma_wait3A_19 = tpu.memref_slice %arg3[%add3A_11] : memref<160256xi32, #tpu.memory_space<hbm>> -> memref<32xi32, #tpu.memory_space<hbm>>
        tpu.wait_dma2 semaphore(%run_scoped3A : memref<!tpu.dma_semaphore, #tpu.memory_space<semaphore_mem>>) src(%dma_wait3A_19 : memref<32xi32, #tpu.memory_space<hbm>>) dst(%arg5 : memref<32xi32, #tpu.memory_space<vmem>>)
        tpu.yield
      }) : () -> ()
      %dma_start3A = arith.constant 0 : i32
      %dma_start3A_12 = arith.constant 0 : i32
      %dma_start3A_13 = tpu.memref_slice %arg2[%dma_start3A, %dma_start3A_12] : memref<50000x1024xf32, #tpu.memory_space<hbm>> -> memref<50000x1024xf32, #tpu.memory_space<hbm>>
      tpu.enqueue_indirect_dma source(%dma_start3A_13 : memref<50000x1024xf32, #tpu.memory_space<hbm>>) target(%arg6 : memref<32x1024xf32, #tpu.memory_space<vmem>>) offsets(%arg5 : memref<32xi32, #tpu.memory_space<vmem>>) semaphore(%arg7 : memref<!tpu.dma_semaphore, #tpu.memory_space<semaphore_mem>>)
      %dma_wait3A = arith.constant 0 : i32
      %dma_wait3A_14 = arith.constant 0 : i32
      %dma_wait3A_15 = tpu.memref_slice %arg2[%dma_wait3A, %dma_wait3A_14] : memref<50000x1024xf32, #tpu.memory_space<hbm>> -> memref<50000x1024xf32, #tpu.memory_space<hbm>>
      tpu.wait_indirect_dma semaphore(%arg7 : memref<!tpu.dma_semaphore, #tpu.memory_space<semaphore_mem>>) src(%dma_wait3A_15 : memref<50000x1024xf32, #tpu.memory_space<hbm>>) dst(%arg6 : memref<32x1024xf32, #tpu.memory_space<vmem>>)
      "tpu.region"() ({
        %run_scoped3A = tpu.sem_alloc : memref<!tpu.dma_semaphore, #tpu.memory_space<semaphore_mem>>
        %dma_start3A_16 = arith.constant 0 : i32
        %dma_start3A_17 = tpu.memref_slice %arg4[%add3A_11, %dma_start3A_16] : memref<160256x1024xf32, #tpu.memory_space<hbm>> -> memref<32x1024xf32, #tpu.memory_space<hbm>>
        %dma_start3A_18 = arith.constant 0 : i32
        %dma_start3A_19 = tpu.memref_slice %arg4[%add3A_11, %dma_start3A_18] : memref<160256x1024xf32, #tpu.memory_space<hbm>> -> memref<32x1024xf32, #tpu.memory_space<hbm>>
        tpu.enqueue_dma source(%arg6 : memref<32x1024xf32, #tpu.memory_space<vmem>>) target(%dma_start3A_19 : memref<32x1024xf32, #tpu.memory_space<hbm>>) target_semaphore(%run_scoped3A : memref<!tpu.dma_semaphore, #tpu.memory_space<semaphore_mem>>)
        %dma_wait3A_20 = arith.constant 0 : i32
        %dma_wait3A_21 = tpu.memref_slice %arg4[%add3A_11, %dma_wait3A_20] : memref<160256x1024xf32, #tpu.memory_space<hbm>> -> memref<32x1024xf32, #tpu.memory_space<hbm>>
        %dma_wait3A_22 = arith.constant 0 : i32
        %dma_wait3A_23 = tpu.memref_slice %arg4[%add3A_11, %dma_wait3A_22] : memref<160256x1024xf32, #tpu.memory_space<hbm>> -> memref<32x1024xf32, #tpu.memory_space<hbm>>
        tpu.wait_dma2 semaphore(%run_scoped3A : memref<!tpu.dma_semaphore, #tpu.memory_space<semaphore_mem>>) src(%arg6 : memref<32x1024xf32, #tpu.memory_space<vmem>>) dst(%dma_wait3A_23 : memref<32x1024xf32, #tpu.memory_space<hbm>>)
        tpu.yield
      }) : () -> ()
    }
    %scan3A_7 = arith.constant 156 : i32
    return
  }
}

module attributes {stable_mosaic.version = 14 : i64} {
  func.func @_mm_body(%arg0: i32, %arg1: i32, %arg2: memref<200x1616xf32, #tpu.memory_space<vmem>>, %arg3: memref<1616x256xf32, #tpu.memory_space<vmem>>, %arg4: memref<200x256xf32, #tpu.memory_space<vmem>>) attributes {dimension_semantics = [#tpu.dimension_semantics<arbitrary>, #tpu.dimension_semantics<arbitrary>], iteration_bounds = array<i64: 50, 33>, scalar_prefetch = 0 : i64, scratch_operands = 0 : i64, tpu.core_type = #tpu.core_type<tc>, window_params = [{transform_indices = @transform_0, window_bounds = array<i64: 200, 1616>}, {transform_indices = @transform_1, window_bounds = array<i64: 1616, 256>}, {transform_indices = @transform_2, window_bounds = array<i64: 200, 256>}]} {
    %get3A = arith.constant 0 : index
    %get3A_0 = arith.constant 0 : index
    %get3A_1 = vector.load %arg2[%get3A, %get3A_0] : memref<200x1616xf32, #tpu.memory_space<vmem>>, vector<200x1616xf32>
    %get3A_2 = arith.constant 0 : index
    %get3A_3 = arith.constant 0 : index
    %get3A_4 = vector.load %arg3[%get3A_2, %get3A_3] : memref<1616x256xf32, #tpu.memory_space<vmem>>, vector<1616x256xf32>
    %dot_general3A = arith.constant dense<0.000000e+00> : vector<200x256xf32>
    %dot_general3A_5 = tpu.matmul %get3A_1, %get3A_4, %dot_general3A {dimension_numbers = #tpu.dot_dimension_numbers<[1], [0], [0], [1], [0, 0, 1, 1], [], []>, transpose_lhs_hint = false} : vector<200x1616xf32>, vector<1616x256xf32>, vector<200x256xf32> -> vector<200x256xf32>
    %swap3A = arith.constant 0 : index
    %swap3A_6 = arith.constant 0 : index
    %swap3A_7 = vector.load %arg4[%swap3A, %swap3A_6] : memref<200x256xf32, #tpu.memory_space<vmem>>, vector<200x256xf32>
    tpu.vector_store %arg4[%swap3A, %swap3A_6], %dot_general3A_5 {strides = array<i32>} : memref<200x256xf32, #tpu.memory_space<vmem>>, vector<200x256xf32>,
    return
  }
  func.func @transform_0(%arg0: i32, %arg1: i32) -> (i32, i32) {
    %c0_i32 = arith.constant 0 : i32
    %c0_i32_0 = arith.constant 0 : i32
    return %arg0, %c0_i32 : i32, i32
  }
  func.func @transform_1(%arg0: i32, %arg1: i32) -> (i32, i32) {
    %c0_i32 = arith.constant 0 : i32
    %c0_i32_0 = arith.constant 0 : i32
    return %c0_i32, %arg1 : i32, i32
  }
  func.func @transform_2(%arg0: i32, %arg1: i32) -> (i32, i32) {
    %c0_i32 = arith.constant 0 : i32
    return %arg0, %arg1 : i32, i32
  }
}

module attributes {stable_mosaic.version = 14 : i64} {
  func.func @_mm_body(%arg0: i32, %arg1: i32, %arg2: memref<200x1408xf32, #tpu.memory_space<vmem>>, %arg3: memref<1408x256xf32, #tpu.memory_space<vmem>>, %arg4: memref<200x256xf32, #tpu.memory_space<vmem>>) attributes {dimension_semantics = [#tpu.dimension_semantics<arbitrary>, #tpu.dimension_semantics<arbitrary>], iteration_bounds = array<i64: 50, 24>, scalar_prefetch = 0 : i64, scratch_operands = 0 : i64, tpu.core_type = #tpu.core_type<tc>, window_params = [{transform_indices = @transform_0, window_bounds = array<i64: 200, 1408>}, {transform_indices = @transform_1, window_bounds = array<i64: 1408, 256>}, {transform_indices = @transform_2, window_bounds = array<i64: 200, 256>}]} {
    %get3A = arith.constant 0 : index
    %get3A_0 = arith.constant 0 : index
    %get3A_1 = vector.load %arg2[%get3A, %get3A_0] : memref<200x1408xf32, #tpu.memory_space<vmem>>, vector<200x1408xf32>
    %get3A_2 = arith.constant 0 : index
    %get3A_3 = arith.constant 0 : index
    %get3A_4 = vector.load %arg3[%get3A_2, %get3A_3] : memref<1408x256xf32, #tpu.memory_space<vmem>>, vector<1408x256xf32>
    %dot_general3A = arith.constant dense<0.000000e+00> : vector<200x256xf32>
    %dot_general3A_5 = tpu.matmul %get3A_1, %get3A_4, %dot_general3A {dimension_numbers = #tpu.dot_dimension_numbers<[1], [0], [0], [1], [0, 0, 1, 1], [], []>, transpose_lhs_hint = false} : vector<200x1408xf32>, vector<1408x256xf32>, vector<200x256xf32> -> vector<200x256xf32>
    %swap3A = arith.constant 0 : index
    %swap3A_6 = arith.constant 0 : index
    %swap3A_7 = vector.load %arg4[%swap3A, %swap3A_6] : memref<200x256xf32, #tpu.memory_space<vmem>>, vector<200x256xf32>
    tpu.vector_store %arg4[%swap3A, %swap3A_6], %dot_general3A_5 {strides = array<i32>} : memref<200x256xf32, #tpu.memory_space<vmem>>, vector<200x256xf32>,
    return
  }
  func.func @transform_0(%arg0: i32, %arg1: i32) -> (i32, i32) {
    %c0_i32 = arith.constant 0 : i32
    %c0_i32_0 = arith.constant 0 : i32
    return %arg0, %c0_i32 : i32, i32
  }
  func.func @transform_1(%arg0: i32, %arg1: i32) -> (i32, i32) {
    %c0_i32 = arith.constant 0 : i32
    %c0_i32_0 = arith.constant 0 : i32
    return %c0_i32, %arg1 : i32, i32
  }
  func.func @transform_2(%arg0: i32, %arg1: i32) -> (i32, i32) {
    %c0_i32 = arith.constant 0 : i32
    return %arg0, %arg1 : i32, i32
  }
}

module attributes {stable_mosaic.version = 14 : i64} {
  func.func @_seg_body(%arg0: i32, %arg1: memref<51xi32, #tpu.memory_space<smem>>, %arg2: memref<160256x1408xf32, #tpu.memory_space<hbm>>, %arg3: memref<313x1x512xi32, #tpu.memory_space<hbm>>, %arg4: memref<200x1408xf32, #tpu.memory_space<vmem>>, %arg5: memref<200x1408xf32, #tpu.memory_space<vmem>>, %arg6: memref<1x512xi32, #tpu.memory_space<vmem>>, %arg7: memref<512x1408xf32, #tpu.memory_space<vmem>>, %arg8: memref<!tpu.dma_semaphore, #tpu.memory_space<semaphore_mem>>) attributes {dimension_semantics = [#tpu.dimension_semantics<arbitrary>], iteration_bounds = array<i64: 50>, scalar_prefetch = 1 : i64, scratch_operands = 3 : i64, tpu.core_type = #tpu.core_type<tc>, window_params = [{}, {}, {transform_indices = @transform_2, window_bounds = array<i64: 200, 1408>}, {transform_indices = @transform_3, window_bounds = array<i64: 200, 1408>}]} {
    %get3A = arith.index_cast %arg0 : i32 to index
    %get3A_0 = memref.load %arg1[%get3A] : memref<51xi32, #tpu.memory_space<smem>>
    %add3A = arith.constant 1 : i32
    %add3A_1 = arith.addi %arg0, %add3A : i32
    %get3A_2 = arith.index_cast %add3A_1 : i32 to index
    %get3A_3 = memref.load %arg1[%get3A_2] : memref<51xi32, #tpu.memory_space<smem>>
    %jit3A = arith.constant 512 : i32
    %div3A = arith.divsi %get3A_0, %jit3A : i32
    %sign3A = arith.constant 0 : i32
    %sign3A_4 = arith.cmpi sgt, %get3A_0, %sign3A : i32
    %sign3A_5 = arith.extui %sign3A_4 : i1 to i32
    %sign3A_6 = arith.constant 0 : i32
    %sign3A_7 = arith.cmpi slt, %get3A_0, %sign3A_6 : i32
    %sign3A_8 = arith.extui %sign3A_7 : i1 to i32
    %sign3A_9 = arith.subi %sign3A_5, %sign3A_8 : i32
    %sign3A_10 = arith.constant 0 : i32
    %sign3A_11 = arith.cmpi sgt, %jit3A, %sign3A_10 : i32
    %sign3A_12 = arith.extui %sign3A_11 : i1 to i32
    %sign3A_13 = arith.constant 0 : i32
    %sign3A_14 = arith.cmpi slt, %jit3A, %sign3A_13 : i32
    %sign3A_15 = arith.extui %sign3A_14 : i1 to i32
    %sign3A_16 = arith.subi %sign3A_12, %sign3A_15 : i32
    %ne3A = arith.cmpi ne, %sign3A_9, %sign3A_16 : i32
    %rem3A = arith.remsi %get3A_0, %jit3A : i32
    %ne3A_17 = arith.constant 0 : i32
    %ne3A_18 = arith.cmpi ne, %rem3A, %ne3A_17 : i32
    %and3A = arith.andi %ne3A, %ne3A_18 : i1
    %sub3A = arith.constant 1 : i32
    %sub3A_19 = arith.subi %div3A, %sub3A : i32
    %select_n3A = arith.select %and3A, %sub3A_19, %div3A : i32
    %add3A_20 = arith.constant 512 : i32
    %add3A_21 = arith.addi %get3A_3, %add3A_20 : i32
    %sub3A_22 = arith.constant 1 : i32
    %sub3A_23 = arith.subi %add3A_21, %sub3A_22 : i32
    %jit3A_24 = arith.constant 512 : i32
    %div3A_25 = arith.divsi %sub3A_23, %jit3A_24 : i32
    %sign3A_26 = arith.constant 0 : i32
    %sign3A_27 = arith.cmpi sgt, %sub3A_23, %sign3A_26 : i32
    %sign3A_28 = arith.extui %sign3A_27 : i1 to i32
    %sign3A_29 = arith.constant 0 : i32
    %sign3A_30 = arith.cmpi slt, %sub3A_23, %sign3A_29 : i32
    %sign3A_31 = arith.extui %sign3A_30 : i1 to i32
    %sign3A_32 = arith.subi %sign3A_28, %sign3A_31 : i32
    %sign3A_33 = arith.constant 0 : i32
    %sign3A_34 = arith.cmpi sgt, %jit3A_24, %sign3A_33 : i32
    %sign3A_35 = arith.extui %sign3A_34 : i1 to i32
    %sign3A_36 = arith.constant 0 : i32
    %sign3A_37 = arith.cmpi slt, %jit3A_24, %sign3A_36 : i32
    %sign3A_38 = arith.extui %sign3A_37 : i1 to i32
    %sign3A_39 = arith.subi %sign3A_35, %sign3A_38 : i32
    %ne3A_40 = arith.cmpi ne, %sign3A_32, %sign3A_39 : i32
    %rem3A_41 = arith.remsi %sub3A_23, %jit3A_24 : i32
    %ne3A_42 = arith.constant 0 : i32
    %ne3A_43 = arith.cmpi ne, %rem3A_41, %ne3A_42 : i32
    %and3A_44 = arith.andi %ne3A_40, %ne3A_43 : i1
    %sub3A_45 = arith.constant 1 : i32
    %sub3A_46 = arith.subi %div3A_25, %sub3A_45 : i32
    %select_n3A_47 = arith.select %and3A_44, %sub3A_46, %div3A_25 : i32
    %iota3A = tpu.iota {dimensions = array<i32: 0>} : vector<200x512xi32>
    %broadcast_in_dim3A = arith.constant 0.000000e+00 : f32
    %broadcast_in_dim3A_48 = vector.broadcast %broadcast_in_dim3A : f32 to vector<200x1408xf32>
    %broadcast_in_dim3A_49 = arith.constant 0.000000e+00 : f32
    %broadcast_in_dim3A_50 = vector.broadcast %broadcast_in_dim3A_49 : f32 to vector<200x1408xf32>
    %broadcast_in_dim3A_51 = arith.constant 0.000000e+00 : f32
    %broadcast_in_dim3A_52 = vector.broadcast %broadcast_in_dim3A_51 : f32 to vector<200x1408xf32>
    %broadcast_in_dim3A_53 = arith.constant 0.000000e+00 : f32
    %broadcast_in_dim3A_54 = vector.broadcast %broadcast_in_dim3A_53 : f32 to vector<200x1408xf32>
    %broadcast_in_dim3A_55 = arith.constant 0.000000e+00 : f32
    %broadcast_in_dim3A_56 = vector.broadcast %broadcast_in_dim3A_55 : f32 to vector<200x1408xf32>
    %broadcast_in_dim3A_57 = arith.constant 0.000000e+00 : f32
    %broadcast_in_dim3A_58 = vector.broadcast %broadcast_in_dim3A_57 : f32 to vector<200x1xf32>
    %broadcast_in_dim3A_59 = arith.constant 0.000000e+00 : f32
    %broadcast_in_dim3A_60 = vector.broadcast %broadcast_in_dim3A_59 : f32 to vector<200x1xf32>
    %broadcast_in_dim3A_61 = arith.constant 0.000000e+00 : f32
    %broadcast_in_dim3A_62 = vector.broadcast %broadcast_in_dim3A_61 : f32 to vector<200x1xf32>
    %broadcast_in_dim3A_63 = arith.constant 0.000000e+00 : f32
    %broadcast_in_dim3A_64 = vector.broadcast %broadcast_in_dim3A_63 : f32 to vector<200x1xf32>
    %broadcast_in_dim3A_65 = arith.constant 0.000000e+00 : f32
    %broadcast_in_dim3A_66 = vector.broadcast %broadcast_in_dim3A_65 : f32 to vector<200x1xf32>
    %while3A = arith.subi %select_n3A_47, %select_n3A : i32
    %while3A_67 = arith.addi %select_n3A, %while3A : i32
    %while3A_68 = arith.constant 1 : i32
    %while3A_69 = arith.divsi %while3A, %while3A_68 : i32
    %while3A_70 = arith.muli %while3A_69, %while3A_68 : i32
    %while3A_71 = arith.addi %select_n3A, %while3A_70 : i32
    %while3A_72 = arith.constant 1 : i32
    %while3A_73:10 = scf.for %while3A_113 = %select_n3A to %while3A_71 step %while3A_72 iter_args(%while3A_114 = %broadcast_in_dim3A_48, %while3A_115 = %broadcast_in_dim3A_50, %while3A_116 = %broadcast_in_dim3A_52, %while3A_117 = %broadcast_in_dim3A_54, %while3A_118 = %broadcast_in_dim3A_56, %while3A_119 = %broadcast_in_dim3A_58, %while3A_120 = %broadcast_in_dim3A_60, %while3A_121 = %broadcast_in_dim3A_62, %while3A_122 = %broadcast_in_dim3A_64, %while3A_123 = %broadcast_in_dim3A_66) -> (vector<200x1408xf32>, vector<200x1408xf32>, vector<200x1408xf32>, vector<200x1408xf32>, vector<200x1408xf32>, vector<200x1xf32>, vector<200x1xf32>, vector<200x1xf32>, vector<200x1xf32>, vector<200x1xf32>)  : i32 {
      %dma_start3A = arith.constant 0 : i32
      %dma_start3A_124 = arith.constant 0 : i32
      %dma_start3A_125 = tpu.memref_slice %arg3[%while3A_113, %dma_start3A, %dma_start3A_124] : memref<313x1x512xi32, #tpu.memory_space<hbm>> -> memref<1x1x512xi32, #tpu.memory_space<hbm>>
      %dma_start3A_126 = tpu.memref_squeeze %dma_start3A_125 : memref<1x1x512xi32, #tpu.memory_space<hbm>> -> memref<1x512xi32, #tpu.memory_space<hbm>>
      tpu.enqueue_dma source(%dma_start3A_126 : memref<1x512xi32, #tpu.memory_space<hbm>>) target(%arg6 : memref<1x512xi32, #tpu.memory_space<vmem>>) target_semaphore(%arg8 : memref<!tpu.dma_semaphore, #tpu.memory_space<semaphore_mem>>)
      %dma_wait3A = arith.constant 0 : i32
      %dma_wait3A_127 = arith.constant 0 : i32
      %dma_wait3A_128 = tpu.memref_slice %arg3[%while3A_113, %dma_wait3A, %dma_wait3A_127] : memref<313x1x512xi32, #tpu.memory_space<hbm>> -> memref<1x1x512xi32, #tpu.memory_space<hbm>>
      %dma_wait3A_129 = tpu.memref_squeeze %dma_wait3A_128 : memref<1x1x512xi32, #tpu.memory_space<hbm>> -> memref<1x512xi32, #tpu.memory_space<hbm>>
      tpu.wait_dma2 semaphore(%arg8 : memref<!tpu.dma_semaphore, #tpu.memory_space<semaphore_mem>>) src(%dma_wait3A_129 : memref<1x512xi32, #tpu.memory_space<hbm>>) dst(%arg6 : memref<1x512xi32, #tpu.memory_space<vmem>>)
      %mul3A = arith.constant 512 : i32
      %mul3A_130 = arith.muli %while3A_113, %mul3A : i32
      %dma_start3A_131 = arith.constant 0 : i32
      %dma_start3A_132 = tpu.memref_slice %arg2[%mul3A_130, %dma_start3A_131] : memref<160256x1408xf32, #tpu.memory_space<hbm>> -> memref<512x1408xf32, #tpu.memory_space<hbm>>
      tpu.enqueue_dma source(%dma_start3A_132 : memref<512x1408xf32, #tpu.memory_space<hbm>>) target(%arg7 : memref<512x1408xf32, #tpu.memory_space<vmem>>) target_semaphore(%arg8 : memref<!tpu.dma_semaphore, #tpu.memory_space<semaphore_mem>>)
      %mul3A_133 = arith.constant 512 : i32
      %mul3A_134 = arith.muli %while3A_113, %mul3A_133 : i32
      %dma_wait3A_135 = arith.constant 0 : i32
      %dma_wait3A_136 = tpu.memref_slice %arg2[%mul3A_134, %dma_wait3A_135] : memref<160256x1408xf32, #tpu.memory_space<hbm>> -> memref<512x1408xf32, #tpu.memory_space<hbm>>
      tpu.wait_dma2 semaphore(%arg8 : memref<!tpu.dma_semaphore, #tpu.memory_space<semaphore_mem>>) src(%dma_wait3A_136 : memref<512x1408xf32, #tpu.memory_space<hbm>>) dst(%arg7 : memref<512x1408xf32, #tpu.memory_space<vmem>>)
      %get3A_137 = arith.constant 0 : index
      %get3A_138 = arith.constant 0 : index
      %get3A_139 = vector.load %arg6[%get3A_137, %get3A_138] : memref<1x512xi32, #tpu.memory_space<vmem>>, vector<1x512xi32>
      %jit3A_140 = arith.constant 8 : i32
      %div3A_141 = vector.broadcast %jit3A_140 : i32 to vector<1x512xi32>
      %div3A_142 = arith.divsi %get3A_139, %div3A_141 : vector<1x512xi32>
      %sign3A_143 = arith.constant 0 : i32
      %sign3A_144 = vector.broadcast %sign3A_143 : i32 to vector<1x512xi32>
      %sign3A_145 = arith.cmpi sgt, %get3A_139, %sign3A_144 : vector<1x512xi32>
      %sign3A_146 = arith.extui %sign3A_145 : vector<1x512xi1> to vector<1x512xi32>
      %sign3A_147 = arith.constant 0 : i32
      %sign3A_148 = vector.broadcast %sign3A_147 : i32 to vector<1x512xi32>
      %sign3A_149 = arith.cmpi slt, %get3A_139, %sign3A_148 : vector<1x512xi32>
      %sign3A_150 = arith.extui %sign3A_149 : vector<1x512xi1> to vector<1x512xi32>
      %sign3A_151 = arith.subi %sign3A_146, %sign3A_150 : vector<1x512xi32>
      %sign3A_152 = arith.constant 0 : i32
      %sign3A_153 = arith.cmpi sgt, %jit3A_140, %sign3A_152 : i32
      %sign3A_154 = arith.extui %sign3A_153 : i1 to i32
      %sign3A_155 = arith.constant 0 : i32
      %sign3A_156 = arith.cmpi slt, %jit3A_140, %sign3A_155 : i32
      %sign3A_157 = arith.extui %sign3A_156 : i1 to i32
      %sign3A_158 = arith.subi %sign3A_154, %sign3A_157 : i32
      %ne3A_159 = vector.broadcast %sign3A_158 : i32 to vector<1x512xi32>
      %ne3A_160 = arith.cmpi ne, %sign3A_151, %ne3A_159 : vector<1x512xi32>
      %rem3A_161 = vector.broadcast %jit3A_140 : i32 to vector<1x512xi32>
      %rem3A_162 = arith.remsi %get3A_139, %rem3A_161 : vector<1x512xi32>
      %ne3A_163 = arith.constant 0 : i32
      %ne3A_164 = vector.broadcast %ne3A_163 : i32 to vector<1x512xi32>
      %ne3A_165 = arith.cmpi ne, %rem3A_162, %ne3A_164 : vector<1x512xi32>
      %and3A_166 = arith.andi %ne3A_160, %ne3A_165 : vector<1x512xi1>
      %sub3A_167 = arith.constant 1 : i32
      %sub3A_168 = vector.broadcast %sub3A_167 : i32 to vector<1x512xi32>
      %sub3A_169 = arith.subi %div3A_142, %sub3A_168 : vector<1x512xi32>
      %select_n3A_170 = arith.select %and3A_166, %sub3A_169, %div3A_142 : vector<1x512xi1>, vector<1x512xi32>
      %mul3A_171 = arith.constant 200 : i32
      %mul3A_172 = arith.muli %arg0, %mul3A_171 : i32
      %sub3A_173 = vector.broadcast %mul3A_172 : i32 to vector<1x512xi32>
      %sub3A_174 = arith.subi %select_n3A_170, %sub3A_173 : vector<1x512xi32>
      %jit3A_175 = arith.constant 8 : i32
      %eq3A = arith.constant 0 : i32
      %eq3A_176 = arith.cmpi eq, %jit3A_175, %eq3A : i32
      %jit3A_177 = arith.constant 1 : i32
      %select_n3A_178 = arith.select %eq3A_176, %jit3A_177, %jit3A_175 : i32
      %rem3A_179 = vector.broadcast %select_n3A_178 : i32 to vector<1x512xi32>
      %rem3A_180 = arith.remsi %get3A_139, %rem3A_179 : vector<1x512xi32>
      %ne3A_181 = arith.constant 0 : i32
      %ne3A_182 = vector.broadcast %ne3A_181 : i32 to vector<1x512xi32>
      %ne3A_183 = arith.cmpi ne, %rem3A_180, %ne3A_182 : vector<1x512xi32>
      %lt3A = arith.constant 0 : i32
      %lt3A_184 = vector.broadcast %lt3A : i32 to vector<1x512xi32>
      %lt3A_185 = arith.cmpi slt, %rem3A_180, %lt3A_184 : vector<1x512xi32>
      %lt3A_186 = arith.constant 0 : i32
      %lt3A_187 = arith.cmpi slt, %select_n3A_178, %lt3A_186 : i32
      %ne3A_188 = vector.broadcast %lt3A_187 : i1 to vector<1x512xi1>
      %ne3A_189 = vector.broadcast %ne3A_188 : vector<1x512xi1> to vector<1x512xi1>
      %ne3A_190 = arith.xori %lt3A_185, %ne3A_189 : vector<1x512xi1>
      %and3A_191 = arith.andi %ne3A_190, %ne3A_183 : vector<1x512xi1>
      %add3A_192 = vector.broadcast %select_n3A_178 : i32 to vector<1x512xi32>
      %add3A_193 = arith.addi %rem3A_180, %add3A_192 : vector<1x512xi32>
      %select_n3A_194 = arith.select %and3A_191, %add3A_193, %rem3A_180 : vector<1x512xi1>, vector<1x512xi32>
      %broadcast_in_dim3A_195 = vector.shape_cast %sub3A_174 : vector<1x512xi32> to vector<1x512xi32>
      %broadcast_in_dim3A_196 = vector.broadcast %broadcast_in_dim3A_195 : vector<1x512xi32> to vector<200x512xi32>
      %broadcast_in_dim3A_197 = vector.shape_cast %select_n3A_194 : vector<1x512xi32> to vector<1x512xi32>
      %broadcast_in_dim3A_198 = vector.broadcast %broadcast_in_dim3A_197 : vector<1x512xi32> to vector<200x512xi32>
      %get3A_199 = arith.constant 0 : index
      %get3A_200 = arith.constant 0 : index
      %get3A_201 = vector.load %arg7[%get3A_199, %get3A_200] : memref<512x1408xf32, #tpu.memory_space<vmem>>, vector<512x1408xf32>
      %eq3A_202 = arith.cmpi eq, %broadcast_in_dim3A_196, %iota3A : vector<200x512xi32>
      %eq3A_203 = arith.constant 0 : i32
      %eq3A_204 = vector.broadcast %eq3A_203 : i32 to vector<200x512xi32>
      %eq3A_205 = arith.cmpi eq, %broadcast_in_dim3A_198, %eq3A_204 : vector<200x512xi32>
      %and3A_206 = arith.andi %eq3A_202, %eq3A_205 : vector<200x512xi1>
      %jit3A_207 = arith.constant 1.000000e+00 : f32
      %jit3A_208 = arith.constant 0.000000e+00 : f32
      %broadcast_in_dim3A_209 = vector.broadcast %jit3A_207 : f32 to vector<200x512xf32>
      %broadcast_in_dim3A_210 = vector.broadcast %jit3A_208 : f32 to vector<200x512xf32>
      %select_n3A_211 = arith.select %and3A_206, %broadcast_in_dim3A_209, %broadcast_in_dim3A_210 : vector<200x512xi1>, vector<200x512xf32>
      %dot_general3A = arith.constant dense<0.000000e+00> : vector<200x1408xf32>
      %dot_general3A_212 = tpu.matmul %select_n3A_211, %get3A_201, %dot_general3A {dimension_numbers = #tpu.dot_dimension_numbers<[1], [0], [0], [1], [0, 0, 1, 1], [], []>, transpose_lhs_hint = false} : vector<200x512xf32>, vector<512x1408xf32>, vector<200x1408xf32> -> vector<200x1408xf32>
      %add3A_213 = arith.addf %while3A_114, %dot_general3A_212 : vector<200x1408xf32>
      %reduce_sum3A = arith.constant dense<0.000000e+00> : vector<200xf32>
      %reduce_sum3A_214 = vector.multi_reduction <add>, %select_n3A_211, %reduce_sum3A [1] : vector<200x512xf32> to vector<200xf32>
      %broadcast_in_dim3A_215 = vector.shape_cast %reduce_sum3A_214 : vector<200xf32> to vector<200x1xf32>
      %add3A_216 = arith.addf %while3A_119, %broadcast_in_dim3A_215 : vector<200x1xf32>
      %eq3A_217 = arith.cmpi eq, %broadcast_in_dim3A_196, %iota3A : vector<200x512xi32>
      %eq3A_218 = arith.constant 1 : i32
      %eq3A_219 = vector.broadcast %eq3A_218 : i32 to vector<200x512xi32>
      %eq3A_220 = arith.cmpi eq, %broadcast_in_dim3A_198, %eq3A_219 : vector<200x512xi32>
      %and3A_221 = arith.andi %eq3A_217, %eq3A_220 : vector<200x512xi1>
      %jit3A_222 = arith.constant 1.000000e+00 : f32
      %jit3A_223 = arith.constant 0.000000e+00 : f32
      %broadcast_in_dim3A_224 = vector.broadcast %jit3A_222 : f32 to vector<200x512xf32>
      %broadcast_in_dim3A_225 = vector.broadcast %jit3A_223 : f32 to vector<200x512xf32>
      %select_n3A_226 = arith.select %and3A_221, %broadcast_in_dim3A_224, %broadcast_in_dim3A_225 : vector<200x512xi1>, vector<200x512xf32>
      %dot_general3A_227 = arith.constant dense<0.000000e+00> : vector<200x1408xf32>
      %dot_general3A_228 = tpu.matmul %select_n3A_226, %get3A_201, %dot_general3A_227 {dimension_numbers = #tpu.dot_dimension_numbers<[1], [0], [0], [1], [0, 0, 1, 1], [], []>, transpose_lhs_hint = false} : vector<200x512xf32>, vector<512x1408xf32>, vector<200x1408xf32> -> vector<200x1408xf32>
      %add3A_229 = arith.addf %while3A_115, %dot_general3A_228 : vector<200x1408xf32>
      %reduce_sum3A_230 = arith.constant dense<0.000000e+00> : vector<200xf32>
      %reduce_sum3A_231 = vector.multi_reduction <add>, %select_n3A_226, %reduce_sum3A_230 [1] : vector<200x512xf32> to vector<200xf32>
      %broadcast_in_dim3A_232 = vector.shape_cast %reduce_sum3A_231 : vector<200xf32> to vector<200x1xf32>
      %add3A_233 = arith.addf %while3A_120, %broadcast_in_dim3A_232 : vector<200x1xf32>
      %eq3A_234 = arith.cmpi eq, %broadcast_in_dim3A_196, %iota3A : vector<200x512xi32>
      %eq3A_235 = arith.constant 2 : i32
      %eq3A_236 = vector.broadcast %eq3A_235 : i32 to vector<200x512xi32>
      %eq3A_237 = arith.cmpi eq, %broadcast_in_dim3A_198, %eq3A_236 : vector<200x512xi32>
      %and3A_238 = arith.andi %eq3A_234, %eq3A_237 : vector<200x512xi1>
      %jit3A_239 = arith.constant 1.000000e+00 : f32
      %jit3A_240 = arith.constant 0.000000e+00 : f32
      %broadcast_in_dim3A_241 = vector.broadcast %jit3A_239 : f32 to vector<200x512xf32>
      %broadcast_in_dim3A_242 = vector.broadcast %jit3A_240 : f32 to vector<200x512xf32>
      %select_n3A_243 = arith.select %and3A_238, %broadcast_in_dim3A_241, %broadcast_in_dim3A_242 : vector<200x512xi1>, vector<200x512xf32>
      %dot_general3A_244 = arith.constant dense<0.000000e+00> : vector<200x1408xf32>
      %dot_general3A_245 = tpu.matmul %select_n3A_243, %get3A_201, %dot_general3A_244 {dimension_numbers = #tpu.dot_dimension_numbers<[1], [0], [0], [1], [0, 0, 1, 1], [], []>, transpose_lhs_hint = false} : vector<200x512xf32>, vector<512x1408xf32>, vector<200x1408xf32> -> vector<200x1408xf32>
      %add3A_246 = arith.addf %while3A_116, %dot_general3A_245 : vector<200x1408xf32>
      %reduce_sum3A_247 = arith.constant dense<0.000000e+00> : vector<200xf32>
      %reduce_sum3A_248 = vector.multi_reduction <add>, %select_n3A_243, %reduce_sum3A_247 [1] : vector<200x512xf32> to vector<200xf32>
      %broadcast_in_dim3A_249 = vector.shape_cast %reduce_sum3A_248 : vector<200xf32> to vector<200x1xf32>
      %add3A_250 = arith.addf %while3A_121, %broadcast_in_dim3A_249 : vector<200x1xf32>
      %eq3A_251 = arith.cmpi eq, %broadcast_in_dim3A_196, %iota3A : vector<200x512xi32>
      %eq3A_252 = arith.constant 3 : i32
      %eq3A_253 = vector.broadcast %eq3A_252 : i32 to vector<200x512xi32>
      %eq3A_254 = arith.cmpi eq, %broadcast_in_dim3A_198, %eq3A_253 : vector<200x512xi32>
      %and3A_255 = arith.andi %eq3A_251, %eq3A_254 : vector<200x512xi1>
      %jit3A_256 = arith.constant 1.000000e+00 : f32
      %jit3A_257 = arith.constant 0.000000e+00 : f32
      %broadcast_in_dim3A_258 = vector.broadcast %jit3A_256 : f32 to vector<200x512xf32>
      %broadcast_in_dim3A_259 = vector.broadcast %jit3A_257 : f32 to vector<200x512xf32>
      %select_n3A_260 = arith.select %and3A_255, %broadcast_in_dim3A_258, %broadcast_in_dim3A_259 : vector<200x512xi1>, vector<200x512xf32>
      %dot_general3A_261 = arith.constant dense<0.000000e+00> : vector<200x1408xf32>
      %dot_general3A_262 = tpu.matmul %select_n3A_260, %get3A_201, %dot_general3A_261 {dimension_numbers = #tpu.dot_dimension_numbers<[1], [0], [0], [1], [0, 0, 1, 1], [], []>, transpose_lhs_hint = false} : vector<200x512xf32>, vector<512x1408xf32>, vector<200x1408xf32> -> vector<200x1408xf32>
      %add3A_263 = arith.addf %while3A_117, %dot_general3A_262 : vector<200x1408xf32>
      %reduce_sum3A_264 = arith.constant dense<0.000000e+00> : vector<200xf32>
      %reduce_sum3A_265 = vector.multi_reduction <add>, %select_n3A_260, %reduce_sum3A_264 [1] : vector<200x512xf32> to vector<200xf32>
      %broadcast_in_dim3A_266 = vector.shape_cast %reduce_sum3A_265 : vector<200xf32> to vector<200x1xf32>
      %add3A_267 = arith.addf %while3A_122, %broadcast_in_dim3A_266 : vector<200x1xf32>
      %eq3A_268 = arith.cmpi eq, %broadcast_in_dim3A_196, %iota3A : vector<200x512xi32>
      %eq3A_269 = arith.constant 4 : i32
      %eq3A_270 = vector.broadcast %eq3A_269 : i32 to vector<200x512xi32>
      %eq3A_271 = arith.cmpi eq, %broadcast_in_dim3A_198, %eq3A_270 : vector<200x512xi32>
      %and3A_272 = arith.andi %eq3A_268, %eq3A_271 : vector<200x512xi1>
      %jit3A_273 = arith.constant 1.000000e+00 : f32
      %jit3A_274 = arith.constant 0.000000e+00 : f32
      %broadcast_in_dim3A_275 = vector.broadcast %jit3A_273 : f32 to vector<200x512xf32>
      %broadcast_in_dim3A_276 = vector.broadcast %jit3A_274 : f32 to vector<200x512xf32>
      %select_n3A_277 = arith.select %and3A_272, %broadcast_in_dim3A_275, %broadcast_in_dim3A_276 : vector<200x512xi1>, vector<200x512xf32>
      %dot_general3A_278 = arith.constant dense<0.000000e+00> : vector<200x1408xf32>
      %dot_general3A_279 = tpu.matmul %select_n3A_277, %get3A_201, %dot_general3A_278 {dimension_numbers = #tpu.dot_dimension_numbers<[1], [0], [0], [1], [0, 0, 1, 1], [], []>, transpose_lhs_hint = false} : vector<200x512xf32>, vector<512x1408xf32>, vector<200x1408xf32> -> vector<200x1408xf32>
      %add3A_280 = arith.addf %while3A_118, %dot_general3A_279 : vector<200x1408xf32>
      %reduce_sum3A_281 = arith.constant dense<0.000000e+00> : vector<200xf32>
      %reduce_sum3A_282 = vector.multi_reduction <add>, %select_n3A_277, %reduce_sum3A_281 [1] : vector<200x512xf32> to vector<200xf32>
      %broadcast_in_dim3A_283 = vector.shape_cast %reduce_sum3A_282 : vector<200xf32> to vector<200x1xf32>
      %add3A_284 = arith.addf %while3A_123, %broadcast_in_dim3A_283 : vector<200x1xf32>
      scf.yield %add3A_213, %add3A_229, %add3A_246, %add3A_263, %add3A_280, %add3A_216, %add3A_233, %add3A_250, %add3A_267, %add3A_284 : vector<200x1408xf32>, vector<200x1408xf32>, vector<200x1408xf32>, vector<200x1408xf32>, vector<200x1408xf32>, vector<200x1xf32>, vector<200x1xf32>, vector<200x1xf32>, vector<200x1xf32>, vector<200x1xf32>
    }
    %while3A_74 = arith.constant 1 : i32
    %while3A_75:10 = scf.for %while3A_113 = %while3A_71 to %while3A_67 step %while3A_74 iter_args(%while3A_114 = %while3A_73#0, %while3A_115 = %while3A_73#1, %while3A_116 = %while3A_73#2, %while3A_117 = %while3A_73#3, %while3A_118 = %while3A_73#4, %while3A_119 = %while3A_73#5, %while3A_120 = %while3A_73#6, %while3A_121 = %while3A_73#7, %while3A_122 = %while3A_73#8, %while3A_123 = %while3A_73#9) -> (vector<200x1408xf32>, vector<200x1408xf32>, vector<200x1408xf32>, vector<200x1408xf32>, vector<200x1408xf32>, vector<200x1xf32>, vector<200x1xf32>, vector<200x1xf32>, vector<200x1xf32>, vector<200x1xf32>)  : i32 {
      %dma_start3A = arith.constant 0 : i32
      %dma_start3A_124 = arith.constant 0 : i32
      %dma_start3A_125 = tpu.memref_slice %arg3[%while3A_113, %dma_start3A, %dma_start3A_124] : memref<313x1x512xi32, #tpu.memory_space<hbm>> -> memref<1x1x512xi32, #tpu.memory_space<hbm>>
      %dma_start3A_126 = tpu.memref_squeeze %dma_start3A_125 : memref<1x1x512xi32, #tpu.memory_space<hbm>> -> memref<1x512xi32, #tpu.memory_space<hbm>>
      tpu.enqueue_dma source(%dma_start3A_126 : memref<1x512xi32, #tpu.memory_space<hbm>>) target(%arg6 : memref<1x512xi32, #tpu.memory_space<vmem>>) target_semaphore(%arg8 : memref<!tpu.dma_semaphore, #tpu.memory_space<semaphore_mem>>)
      %dma_wait3A = arith.constant 0 : i32
      %dma_wait3A_127 = arith.constant 0 : i32
      %dma_wait3A_128 = tpu.memref_slice %arg3[%while3A_113, %dma_wait3A, %dma_wait3A_127] : memref<313x1x512xi32, #tpu.memory_space<hbm>> -> memref<1x1x512xi32, #tpu.memory_space<hbm>>
      %dma_wait3A_129 = tpu.memref_squeeze %dma_wait3A_128 : memref<1x1x512xi32, #tpu.memory_space<hbm>> -> memref<1x512xi32, #tpu.memory_space<hbm>>
      tpu.wait_dma2 semaphore(%arg8 : memref<!tpu.dma_semaphore, #tpu.memory_space<semaphore_mem>>) src(%dma_wait3A_129 : memref<1x512xi32, #tpu.memory_space<hbm>>) dst(%arg6 : memref<1x512xi32, #tpu.memory_space<vmem>>)
      %mul3A = arith.constant 512 : i32
      %mul3A_130 = arith.muli %while3A_113, %mul3A : i32
      %dma_start3A_131 = arith.constant 0 : i32
      %dma_start3A_132 = tpu.memref_slice %arg2[%mul3A_130, %dma_start3A_131] : memref<160256x1408xf32, #tpu.memory_space<hbm>> -> memref<512x1408xf32, #tpu.memory_space<hbm>>
      tpu.enqueue_dma source(%dma_start3A_132 : memref<512x1408xf32, #tpu.memory_space<hbm>>) target(%arg7 : memref<512x1408xf32, #tpu.memory_space<vmem>>) target_semaphore(%arg8 : memref<!tpu.dma_semaphore, #tpu.memory_space<semaphore_mem>>)
      %mul3A_133 = arith.constant 512 : i32
      %mul3A_134 = arith.muli %while3A_113, %mul3A_133 : i32
      %dma_wait3A_135 = arith.constant 0 : i32
      %dma_wait3A_136 = tpu.memref_slice %arg2[%mul3A_134, %dma_wait3A_135] : memref<160256x1408xf32, #tpu.memory_space<hbm>> -> memref<512x1408xf32, #tpu.memory_space<hbm>>
      tpu.wait_dma2 semaphore(%arg8 : memref<!tpu.dma_semaphore, #tpu.memory_space<semaphore_mem>>) src(%dma_wait3A_136 : memref<512x1408xf32, #tpu.memory_space<hbm>>) dst(%arg7 : memref<512x1408xf32, #tpu.memory_space<vmem>>)
      %get3A_137 = arith.constant 0 : index
      %get3A_138 = arith.constant 0 : index
      %get3A_139 = vector.load %arg6[%get3A_137, %get3A_138] : memref<1x512xi32, #tpu.memory_space<vmem>>, vector<1x512xi32>
      %jit3A_140 = arith.constant 8 : i32
      %div3A_141 = vector.broadcast %jit3A_140 : i32 to vector<1x512xi32>
      %div3A_142 = arith.divsi %get3A_139, %div3A_141 : vector<1x512xi32>
      %sign3A_143 = arith.constant 0 : i32
      %sign3A_144 = vector.broadcast %sign3A_143 : i32 to vector<1x512xi32>
      %sign3A_145 = arith.cmpi sgt, %get3A_139, %sign3A_144 : vector<1x512xi32>
      %sign3A_146 = arith.extui %sign3A_145 : vector<1x512xi1> to vector<1x512xi32>
      %sign3A_147 = arith.constant 0 : i32
      %sign3A_148 = vector.broadcast %sign3A_147 : i32 to vector<1x512xi32>
      %sign3A_149 = arith.cmpi slt, %get3A_139, %sign3A_148 : vector<1x512xi32>
      %sign3A_150 = arith.extui %sign3A_149 : vector<1x512xi1> to vector<1x512xi32>
      %sign3A_151 = arith.subi %sign3A_146, %sign3A_150 : vector<1x512xi32>
      %sign3A_152 = arith.constant 0 : i32
      %sign3A_153 = arith.cmpi sgt, %jit3A_140, %sign3A_152 : i32
      %sign3A_154 = arith.extui %sign3A_153 : i1 to i32
      %sign3A_155 = arith.constant 0 : i32
      %sign3A_156 = arith.cmpi slt, %jit3A_140, %sign3A_155 : i32
      %sign3A_157 = arith.extui %sign3A_156 : i1 to i32
      %sign3A_158 = arith.subi %sign3A_154, %sign3A_157 : i32
      %ne3A_159 = vector.broadcast %sign3A_158 : i32 to vector<1x512xi32>
      %ne3A_160 = arith.cmpi ne, %sign3A_151, %ne3A_159 : vector<1x512xi32>
      %rem3A_161 = vector.broadcast %jit3A_140 : i32 to vector<1x512xi32>
      %rem3A_162 = arith.remsi %get3A_139, %rem3A_161 : vector<1x512xi32>
      %ne3A_163 = arith.constant 0 : i32
      %ne3A_164 = vector.broadcast %ne3A_163 : i32 to vector<1x512xi32>
      %ne3A_165 = arith.cmpi ne, %rem3A_162, %ne3A_164 : vector<1x512xi32>
      %and3A_166 = arith.andi %ne3A_160, %ne3A_165 : vector<1x512xi1>
      %sub3A_167 = arith.constant 1 : i32
      %sub3A_168 = vector.broadcast %sub3A_167 : i32 to vector<1x512xi32>
      %sub3A_169 = arith.subi %div3A_142, %sub3A_168 : vector<1x512xi32>
      %select_n3A_170 = arith.select %and3A_166, %sub3A_169, %div3A_142 : vector<1x512xi1>, vector<1x512xi32>
      %mul3A_171 = arith.constant 200 : i32
      %mul3A_172 = arith.muli %arg0, %mul3A_171 : i32
      %sub3A_173 = vector.broadcast %mul3A_172 : i32 to vector<1x512xi32>
      %sub3A_174 = arith.subi %select_n3A_170, %sub3A_173 : vector<1x512xi32>
      %jit3A_175 = arith.constant 8 : i32
      %eq3A = arith.constant 0 : i32
      %eq3A_176 = arith.cmpi eq, %jit3A_175, %eq3A : i32
      %jit3A_177 = arith.constant 1 : i32
      %select_n3A_178 = arith.select %eq3A_176, %jit3A_177, %jit3A_175 : i32
      %rem3A_179 = vector.broadcast %select_n3A_178 : i32 to vector<1x512xi32>
      %rem3A_180 = arith.remsi %get3A_139, %rem3A_179 : vector<1x512xi32>
      %ne3A_181 = arith.constant 0 : i32
      %ne3A_182 = vector.broadcast %ne3A_181 : i32 to vector<1x512xi32>
      %ne3A_183 = arith.cmpi ne, %rem3A_180, %ne3A_182 : vector<1x512xi32>
      %lt3A = arith.constant 0 : i32
      %lt3A_184 = vector.broadcast %lt3A : i32 to vector<1x512xi32>
      %lt3A_185 = arith.cmpi slt, %rem3A_180, %lt3A_184 : vector<1x512xi32>
      %lt3A_186 = arith.constant 0 : i32
      %lt3A_187 = arith.cmpi slt, %select_n3A_178, %lt3A_186 : i32
      %ne3A_188 = vector.broadcast %lt3A_187 : i1 to vector<1x512xi1>
      %ne3A_189 = vector.broadcast %ne3A_188 : vector<1x512xi1> to vector<1x512xi1>
      %ne3A_190 = arith.xori %lt3A_185, %ne3A_189 : vector<1x512xi1>
      %and3A_191 = arith.andi %ne3A_190, %ne3A_183 : vector<1x512xi1>
      %add3A_192 = vector.broadcast %select_n3A_178 : i32 to vector<1x512xi32>
      %add3A_193 = arith.addi %rem3A_180, %add3A_192 : vector<1x512xi32>
      %select_n3A_194 = arith.select %and3A_191, %add3A_193, %rem3A_180 : vector<1x512xi1>, vector<1x512xi32>
      %broadcast_in_dim3A_195 = vector.shape_cast %sub3A_174 : vector<1x512xi32> to vector<1x512xi32>
      %broadcast_in_dim3A_196 = vector.broadcast %broadcast_in_dim3A_195 : vector<1x512xi32> to vector<200x512xi32>
      %broadcast_in_dim3A_197 = vector.shape_cast %select_n3A_194 : vector<1x512xi32> to vector<1x512xi32>
      %broadcast_in_dim3A_198 = vector.broadcast %broadcast_in_dim3A_197 : vector<1x512xi32> to vector<200x512xi32>
      %get3A_199 = arith.constant 0 : index
      %get3A_200 = arith.constant 0 : index
      %get3A_201 = vector.load %arg7[%get3A_199, %get3A_200] : memref<512x1408xf32, #tpu.memory_space<vmem>>, vector<512x1408xf32>
      %eq3A_202 = arith.cmpi eq, %broadcast_in_dim3A_196, %iota3A : vector<200x512xi32>
      %eq3A_203 = arith.constant 0 : i32
      %eq3A_204 = vector.broadcast %eq3A_203 : i32 to vector<200x512xi32>
      %eq3A_205 = arith.cmpi eq, %broadcast_in_dim3A_198, %eq3A_204 : vector<200x512xi32>
      %and3A_206 = arith.andi %eq3A_202, %eq3A_205 : vector<200x512xi1>
      %jit3A_207 = arith.constant 1.000000e+00 : f32
      %jit3A_208 = arith.constant 0.000000e+00 : f32
      %broadcast_in_dim3A_209 = vector.broadcast %jit3A_207 : f32 to vector<200x512xf32>
      %broadcast_in_dim3A_210 = vector.broadcast %jit3A_208 : f32 to vector<200x512xf32>
      %select_n3A_211 = arith.select %and3A_206, %broadcast_in_dim3A_209, %broadcast_in_dim3A_210 : vector<200x512xi1>, vector<200x512xf32>
      %dot_general3A = arith.constant dense<0.000000e+00> : vector<200x1408xf32>
      %dot_general3A_212 = tpu.matmul %select_n3A_211, %get3A_201, %dot_general3A {dimension_numbers = #tpu.dot_dimension_numbers<[1], [0], [0], [1], [0, 0, 1, 1], [], []>, transpose_lhs_hint = false} : vector<200x512xf32>, vector<512x1408xf32>, vector<200x1408xf32> -> vector<200x1408xf32>
      %add3A_213 = arith.addf %while3A_114, %dot_general3A_212 : vector<200x1408xf32>
      %reduce_sum3A = arith.constant dense<0.000000e+00> : vector<200xf32>
      %reduce_sum3A_214 = vector.multi_reduction <add>, %select_n3A_211, %reduce_sum3A [1] : vector<200x512xf32> to vector<200xf32>
      %broadcast_in_dim3A_215 = vector.shape_cast %reduce_sum3A_214 : vector<200xf32> to vector<200x1xf32>
      %add3A_216 = arith.addf %while3A_119, %broadcast_in_dim3A_215 : vector<200x1xf32>
      %eq3A_217 = arith.cmpi eq, %broadcast_in_dim3A_196, %iota3A : vector<200x512xi32>
      %eq3A_218 = arith.constant 1 : i32
      %eq3A_219 = vector.broadcast %eq3A_218 : i32 to vector<200x512xi32>
      %eq3A_220 = arith.cmpi eq, %broadcast_in_dim3A_198, %eq3A_219 : vector<200x512xi32>
      %and3A_221 = arith.andi %eq3A_217, %eq3A_220 : vector<200x512xi1>
      %jit3A_222 = arith.constant 1.000000e+00 : f32
      %jit3A_223 = arith.constant 0.000000e+00 : f32
      %broadcast_in_dim3A_224 = vector.broadcast %jit3A_222 : f32 to vector<200x512xf32>
      %broadcast_in_dim3A_225 = vector.broadcast %jit3A_223 : f32 to vector<200x512xf32>
      %select_n3A_226 = arith.select %and3A_221, %broadcast_in_dim3A_224, %broadcast_in_dim3A_225 : vector<200x512xi1>, vector<200x512xf32>
      %dot_general3A_227 = arith.constant dense<0.000000e+00> : vector<200x1408xf32>
      %dot_general3A_228 = tpu.matmul %select_n3A_226, %get3A_201, %dot_general3A_227 {dimension_numbers = #tpu.dot_dimension_numbers<[1], [0], [0], [1], [0, 0, 1, 1], [], []>, transpose_lhs_hint = false} : vector<200x512xf32>, vector<512x1408xf32>, vector<200x1408xf32> -> vector<200x1408xf32>
      %add3A_229 = arith.addf %while3A_115, %dot_general3A_228 : vector<200x1408xf32>
      %reduce_sum3A_230 = arith.constant dense<0.000000e+00> : vector<200xf32>
      %reduce_sum3A_231 = vector.multi_reduction <add>, %select_n3A_226, %reduce_sum3A_230 [1] : vector<200x512xf32> to vector<200xf32>
      %broadcast_in_dim3A_232 = vector.shape_cast %reduce_sum3A_231 : vector<200xf32> to vector<200x1xf32>
      %add3A_233 = arith.addf %while3A_120, %broadcast_in_dim3A_232 : vector<200x1xf32>
      %eq3A_234 = arith.cmpi eq, %broadcast_in_dim3A_196, %iota3A : vector<200x512xi32>
      %eq3A_235 = arith.constant 2 : i32
      %eq3A_236 = vector.broadcast %eq3A_235 : i32 to vector<200x512xi32>
      %eq3A_237 = arith.cmpi eq, %broadcast_in_dim3A_198, %eq3A_236 : vector<200x512xi32>
      %and3A_238 = arith.andi %eq3A_234, %eq3A_237 : vector<200x512xi1>
      %jit3A_239 = arith.constant 1.000000e+00 : f32
      %jit3A_240 = arith.constant 0.000000e+00 : f32
      %broadcast_in_dim3A_241 = vector.broadcast %jit3A_239 : f32 to vector<200x512xf32>
      %broadcast_in_dim3A_242 = vector.broadcast %jit3A_240 : f32 to vector<200x512xf32>
      %select_n3A_243 = arith.select %and3A_238, %broadcast_in_dim3A_241, %broadcast_in_dim3A_242 : vector<200x512xi1>, vector<200x512xf32>
      %dot_general3A_244 = arith.constant dense<0.000000e+00> : vector<200x1408xf32>
      %dot_general3A_245 = tpu.matmul %select_n3A_243, %get3A_201, %dot_general3A_244 {dimension_numbers = #tpu.dot_dimension_numbers<[1], [0], [0], [1], [0, 0, 1, 1], [], []>, transpose_lhs_hint = false} : vector<200x512xf32>, vector<512x1408xf32>, vector<200x1408xf32> -> vector<200x1408xf32>
      %add3A_246 = arith.addf %while3A_116, %dot_general3A_245 : vector<200x1408xf32>
      %reduce_sum3A_247 = arith.constant dense<0.000000e+00> : vector<200xf32>
      %reduce_sum3A_248 = vector.multi_reduction <add>, %select_n3A_243, %reduce_sum3A_247 [1] : vector<200x512xf32> to vector<200xf32>
      %broadcast_in_dim3A_249 = vector.shape_cast %reduce_sum3A_248 : vector<200xf32> to vector<200x1xf32>
      %add3A_250 = arith.addf %while3A_121, %broadcast_in_dim3A_249 : vector<200x1xf32>
      %eq3A_251 = arith.cmpi eq, %broadcast_in_dim3A_196, %iota3A : vector<200x512xi32>
      %eq3A_252 = arith.constant 3 : i32
      %eq3A_253 = vector.broadcast %eq3A_252 : i32 to vector<200x512xi32>
      %eq3A_254 = arith.cmpi eq, %broadcast_in_dim3A_198, %eq3A_253 : vector<200x512xi32>
      %and3A_255 = arith.andi %eq3A_251, %eq3A_254 : vector<200x512xi1>
      %jit3A_256 = arith.constant 1.000000e+00 : f32
      %jit3A_257 = arith.constant 0.000000e+00 : f32
      %broadcast_in_dim3A_258 = vector.broadcast %jit3A_256 : f32 to vector<200x512xf32>
      %broadcast_in_dim3A_259 = vector.broadcast %jit3A_257 : f32 to vector<200x512xf32>
      %select_n3A_260 = arith.select %and3A_255, %broadcast_in_dim3A_258, %broadcast_in_dim3A_259 : vector<200x512xi1>, vector<200x512xf32>
      %dot_general3A_261 = arith.constant dense<0.000000e+00> : vector<200x1408xf32>
      %dot_general3A_262 = tpu.matmul %select_n3A_260, %get3A_201, %dot_general3A_261 {dimension_numbers = #tpu.dot_dimension_numbers<[1], [0], [0], [1], [0, 0, 1, 1], [], []>, transpose_lhs_hint = false} : vector<200x512xf32>, vector<512x1408xf32>, vector<200x1408xf32> -> vector<200x1408xf32>
      %add3A_263 = arith.addf %while3A_117, %dot_general3A_262 : vector<200x1408xf32>
      %reduce_sum3A_264 = arith.constant dense<0.000000e+00> : vector<200xf32>
      %reduce_sum3A_265 = vector.multi_reduction <add>, %select_n3A_260, %reduce_sum3A_264 [1] : vector<200x512xf32> to vector<200xf32>
      %broadcast_in_dim3A_266 = vector.shape_cast %reduce_sum3A_265 : vector<200xf32> to vector<200x1xf32>
      %add3A_267 = arith.addf %while3A_122, %broadcast_in_dim3A_266 : vector<200x1xf32>
      %eq3A_268 = arith.cmpi eq, %broadcast_in_dim3A_196, %iota3A : vector<200x512xi32>
      %eq3A_269 = arith.constant 4 : i32
      %eq3A_270 = vector.broadcast %eq3A_269 : i32 to vector<200x512xi32>
      %eq3A_271 = arith.cmpi eq, %broadcast_in_dim3A_198, %eq3A_270 : vector<200x512xi32>
      %and3A_272 = arith.andi %eq3A_268, %eq3A_271 : vector<200x512xi1>
      %jit3A_273 = arith.constant 1.000000e+00 : f32
      %jit3A_274 = arith.constant 0.000000e+00 : f32
      %broadcast_in_dim3A_275 = vector.broadcast %jit3A_273 : f32 to vector<200x512xf32>
      %broadcast_in_dim3A_276 = vector.broadcast %jit3A_274 : f32 to vector<200x512xf32>
      %select_n3A_277 = arith.select %and3A_272, %broadcast_in_dim3A_275, %broadcast_in_dim3A_276 : vector<200x512xi1>, vector<200x512xf32>
      %dot_general3A_278 = arith.constant dense<0.000000e+00> : vector<200x1408xf32>
      %dot_general3A_279 = tpu.matmul %select_n3A_277, %get3A_201, %dot_general3A_278 {dimension_numbers = #tpu.dot_dimension_numbers<[1], [0], [0], [1], [0, 0, 1, 1], [], []>, transpose_lhs_hint = false} : vector<200x512xf32>, vector<512x1408xf32>, vector<200x1408xf32> -> vector<200x1408xf32>
      %add3A_280 = arith.addf %while3A_118, %dot_general3A_279 : vector<200x1408xf32>
      %reduce_sum3A_281 = arith.constant dense<0.000000e+00> : vector<200xf32>
      %reduce_sum3A_282 = vector.multi_reduction <add>, %select_n3A_277, %reduce_sum3A_281 [1] : vector<200x512xf32> to vector<200xf32>
      %broadcast_in_dim3A_283 = vector.shape_cast %reduce_sum3A_282 : vector<200xf32> to vector<200x1xf32>
      %add3A_284 = arith.addf %while3A_123, %broadcast_in_dim3A_283 : vector<200x1xf32>
      scf.yield %add3A_213, %add3A_229, %add3A_246, %add3A_263, %add3A_280, %add3A_216, %add3A_233, %add3A_250, %add3A_267, %add3A_284 : vector<200x1408xf32>, vector<200x1408xf32>, vector<200x1408xf32>, vector<200x1408xf32>, vector<200x1408xf32>, vector<200x1xf32>, vector<200x1xf32>, vector<200x1xf32>, vector<200x1xf32>, vector<200x1xf32>
    }
    %get3A_76 = arith.constant 0 : index
    %get3A_77 = arith.constant 0 : index
    %get3A_78 = vector.load %arg4[%get3A_76, %get3A_77] : memref<200x1408xf32, #tpu.memory_space<vmem>>, vector<200x1408xf32>
    %max3A = arith.constant 1.000000e+00 : f32
    %max3A_79 = vector.broadcast %max3A : f32 to vector<200x1xf32>
    %max3A_80 = arith.maximumf %while3A_75#5, %max3A_79 : vector<200x1xf32>
    %div3A_81 = vector.broadcast %max3A_80 : vector<200x1xf32> to vector<200x1408xf32>
    %div3A_82 = arith.divf %while3A_75#0, %div3A_81 : vector<200x1408xf32>
    %add3A_83 = arith.addf %get3A_78, %div3A_82 : vector<200x1408xf32>
    %max3A_84 = arith.constant 1.000000e+00 : f32
    %max3A_85 = vector.broadcast %max3A_84 : f32 to vector<200x1xf32>
    %max3A_86 = arith.maximumf %while3A_75#6, %max3A_85 : vector<200x1xf32>
    %div3A_87 = vector.broadcast %max3A_86 : vector<200x1xf32> to vector<200x1408xf32>
    %div3A_88 = arith.divf %while3A_75#1, %div3A_87 : vector<200x1408xf32>
    %add3A_89 = arith.addf %add3A_83, %div3A_88 : vector<200x1408xf32>
    %max3A_90 = arith.constant 1.000000e+00 : f32
    %max3A_91 = vector.broadcast %max3A_90 : f32 to vector<200x1xf32>
    %max3A_92 = arith.maximumf %while3A_75#7, %max3A_91 : vector<200x1xf32>
    %div3A_93 = vector.broadcast %max3A_92 : vector<200x1xf32> to vector<200x1408xf32>
    %div3A_94 = arith.divf %while3A_75#2, %div3A_93 : vector<200x1408xf32>
    %add3A_95 = arith.addf %add3A_89, %div3A_94 : vector<200x1408xf32>
    %max3A_96 = arith.constant 1.000000e+00 : f32
    %max3A_97 = vector.broadcast %max3A_96 : f32 to vector<200x1xf32>
    %max3A_98 = arith.maximumf %while3A_75#8, %max3A_97 : vector<200x1xf32>
    %div3A_99 = vector.broadcast %max3A_98 : vector<200x1xf32> to vector<200x1408xf32>
    %div3A_100 = arith.divf %while3A_75#3, %div3A_99 : vector<200x1408xf32>
    %add3A_101 = arith.addf %add3A_95, %div3A_100 : vector<200x1408xf32>
    %max3A_102 = arith.constant 1.000000e+00 : f32
    %max3A_103 = vector.broadcast %max3A_102 : f32 to vector<200x1xf32>
    %max3A_104 = arith.maximumf %while3A_75#9, %max3A_103 : vector<200x1xf32>
    %div3A_105 = vector.broadcast %max3A_104 : vector<200x1xf32> to vector<200x1408xf32>
    %div3A_106 = arith.divf %while3A_75#4, %div3A_105 : vector<200x1408xf32>
    %add3A_107 = arith.addf %add3A_101, %div3A_106 : vector<200x1408xf32>
    %max3A_108 = arith.constant 0.000000e+00 : f32
    %max3A_109 = vector.broadcast %max3A_108 : f32 to vector<200x1408xf32>
    %max3A_110 = arith.maximumf %add3A_107, %max3A_109 : vector<200x1408xf32>
    %swap3A = arith.constant 0 : index
    %swap3A_111 = arith.constant 0 : index
    %swap3A_112 = vector.load %arg5[%swap3A, %swap3A_111] : memref<200x1408xf32, #tpu.memory_space<vmem>>, vector<200x1408xf32>
    tpu.vector_store %arg5[%swap3A, %swap3A_111], %max3A_110 {strides = array<i32>} : memref<200x1408xf32, #tpu.memory_space<vmem>>, vector<200x1408xf32>,
    return
  }
  func.func @transform_2(%arg0: i32, %arg1: memref<51xi32, #tpu.memory_space<smem>>) -> (i32, i32) {
    %c0_i32 = arith.constant 0 : i32
    %c0_i32_0 = arith.constant 0 : i32
    return %arg0, %c0_i32 : i32, i32
  }
  func.func @transform_3(%arg0: i32, %arg1: memref<51xi32, #tpu.memory_space<smem>>) -> (i32, i32) {
    %c0_i32 = arith.constant 0 : i32
    %c0_i32_0 = arith.constant 0 : i32
    return %arg0, %c0_i32 : i32, i32
  }
}

module attributes {stable_mosaic.version = 14 : i64} {
  func.func @_seg_body(%arg0: i32, %arg1: memref<51xi32, #tpu.memory_space<smem>>, %arg2: memref<160256x1024xf32, #tpu.memory_space<hbm>>, %arg3: memref<313x1x512xi32, #tpu.memory_space<hbm>>, %arg4: memref<200x1024xf32, #tpu.memory_space<vmem>>, %arg5: memref<200x1024xf32, #tpu.memory_space<vmem>>, %arg6: memref<1x512xi32, #tpu.memory_space<vmem>>, %arg7: memref<512x1024xf32, #tpu.memory_space<vmem>>, %arg8: memref<!tpu.dma_semaphore, #tpu.memory_space<semaphore_mem>>) attributes {dimension_semantics = [#tpu.dimension_semantics<arbitrary>], iteration_bounds = array<i64: 50>, scalar_prefetch = 1 : i64, scratch_operands = 3 : i64, tpu.core_type = #tpu.core_type<tc>, window_params = [{}, {}, {transform_indices = @transform_2, window_bounds = array<i64: 200, 1024>}, {transform_indices = @transform_3, window_bounds = array<i64: 200, 1024>}]} {
    %get3A = arith.index_cast %arg0 : i32 to index
    %get3A_0 = memref.load %arg1[%get3A] : memref<51xi32, #tpu.memory_space<smem>>
    %add3A = arith.constant 1 : i32
    %add3A_1 = arith.addi %arg0, %add3A : i32
    %get3A_2 = arith.index_cast %add3A_1 : i32 to index
    %get3A_3 = memref.load %arg1[%get3A_2] : memref<51xi32, #tpu.memory_space<smem>>
    %jit3A = arith.constant 512 : i32
    %div3A = arith.divsi %get3A_0, %jit3A : i32
    %sign3A = arith.constant 0 : i32
    %sign3A_4 = arith.cmpi sgt, %get3A_0, %sign3A : i32
    %sign3A_5 = arith.extui %sign3A_4 : i1 to i32
    %sign3A_6 = arith.constant 0 : i32
    %sign3A_7 = arith.cmpi slt, %get3A_0, %sign3A_6 : i32
    %sign3A_8 = arith.extui %sign3A_7 : i1 to i32
    %sign3A_9 = arith.subi %sign3A_5, %sign3A_8 : i32
    %sign3A_10 = arith.constant 0 : i32
    %sign3A_11 = arith.cmpi sgt, %jit3A, %sign3A_10 : i32
    %sign3A_12 = arith.extui %sign3A_11 : i1 to i32
    %sign3A_13 = arith.constant 0 : i32
    %sign3A_14 = arith.cmpi slt, %jit3A, %sign3A_13 : i32
    %sign3A_15 = arith.extui %sign3A_14 : i1 to i32
    %sign3A_16 = arith.subi %sign3A_12, %sign3A_15 : i32
    %ne3A = arith.cmpi ne, %sign3A_9, %sign3A_16 : i32
    %rem3A = arith.remsi %get3A_0, %jit3A : i32
    %ne3A_17 = arith.constant 0 : i32
    %ne3A_18 = arith.cmpi ne, %rem3A, %ne3A_17 : i32
    %and3A = arith.andi %ne3A, %ne3A_18 : i1
    %sub3A = arith.constant 1 : i32
    %sub3A_19 = arith.subi %div3A, %sub3A : i32
    %select_n3A = arith.select %and3A, %sub3A_19, %div3A : i32
    %add3A_20 = arith.constant 512 : i32
    %add3A_21 = arith.addi %get3A_3, %add3A_20 : i32
    %sub3A_22 = arith.constant 1 : i32
    %sub3A_23 = arith.subi %add3A_21, %sub3A_22 : i32
    %jit3A_24 = arith.constant 512 : i32
    %div3A_25 = arith.divsi %sub3A_23, %jit3A_24 : i32
    %sign3A_26 = arith.constant 0 : i32
    %sign3A_27 = arith.cmpi sgt, %sub3A_23, %sign3A_26 : i32
    %sign3A_28 = arith.extui %sign3A_27 : i1 to i32
    %sign3A_29 = arith.constant 0 : i32
    %sign3A_30 = arith.cmpi slt, %sub3A_23, %sign3A_29 : i32
    %sign3A_31 = arith.extui %sign3A_30 : i1 to i32
    %sign3A_32 = arith.subi %sign3A_28, %sign3A_31 : i32
    %sign3A_33 = arith.constant 0 : i32
    %sign3A_34 = arith.cmpi sgt, %jit3A_24, %sign3A_33 : i32
    %sign3A_35 = arith.extui %sign3A_34 : i1 to i32
    %sign3A_36 = arith.constant 0 : i32
    %sign3A_37 = arith.cmpi slt, %jit3A_24, %sign3A_36 : i32
    %sign3A_38 = arith.extui %sign3A_37 : i1 to i32
    %sign3A_39 = arith.subi %sign3A_35, %sign3A_38 : i32
    %ne3A_40 = arith.cmpi ne, %sign3A_32, %sign3A_39 : i32
    %rem3A_41 = arith.remsi %sub3A_23, %jit3A_24 : i32
    %ne3A_42 = arith.constant 0 : i32
    %ne3A_43 = arith.cmpi ne, %rem3A_41, %ne3A_42 : i32
    %and3A_44 = arith.andi %ne3A_40, %ne3A_43 : i1
    %sub3A_45 = arith.constant 1 : i32
    %sub3A_46 = arith.subi %div3A_25, %sub3A_45 : i32
    %select_n3A_47 = arith.select %and3A_44, %sub3A_46, %div3A_25 : i32
    %iota3A = tpu.iota {dimensions = array<i32: 0>} : vector<200x512xi32>
    %broadcast_in_dim3A = arith.constant 0.000000e+00 : f32
    %broadcast_in_dim3A_48 = vector.broadcast %broadcast_in_dim3A : f32 to vector<200x1024xf32>
    %broadcast_in_dim3A_49 = arith.constant 0.000000e+00 : f32
    %broadcast_in_dim3A_50 = vector.broadcast %broadcast_in_dim3A_49 : f32 to vector<200x1024xf32>
    %broadcast_in_dim3A_51 = arith.constant 0.000000e+00 : f32
    %broadcast_in_dim3A_52 = vector.broadcast %broadcast_in_dim3A_51 : f32 to vector<200x1024xf32>
    %broadcast_in_dim3A_53 = arith.constant 0.000000e+00 : f32
    %broadcast_in_dim3A_54 = vector.broadcast %broadcast_in_dim3A_53 : f32 to vector<200x1024xf32>
    %broadcast_in_dim3A_55 = arith.constant 0.000000e+00 : f32
    %broadcast_in_dim3A_56 = vector.broadcast %broadcast_in_dim3A_55 : f32 to vector<200x1024xf32>
    %broadcast_in_dim3A_57 = arith.constant 0.000000e+00 : f32
    %broadcast_in_dim3A_58 = vector.broadcast %broadcast_in_dim3A_57 : f32 to vector<200x1xf32>
    %broadcast_in_dim3A_59 = arith.constant 0.000000e+00 : f32
    %broadcast_in_dim3A_60 = vector.broadcast %broadcast_in_dim3A_59 : f32 to vector<200x1xf32>
    %broadcast_in_dim3A_61 = arith.constant 0.000000e+00 : f32
    %broadcast_in_dim3A_62 = vector.broadcast %broadcast_in_dim3A_61 : f32 to vector<200x1xf32>
    %broadcast_in_dim3A_63 = arith.constant 0.000000e+00 : f32
    %broadcast_in_dim3A_64 = vector.broadcast %broadcast_in_dim3A_63 : f32 to vector<200x1xf32>
    %broadcast_in_dim3A_65 = arith.constant 0.000000e+00 : f32
    %broadcast_in_dim3A_66 = vector.broadcast %broadcast_in_dim3A_65 : f32 to vector<200x1xf32>
    %while3A = arith.subi %select_n3A_47, %select_n3A : i32
    %while3A_67 = arith.addi %select_n3A, %while3A : i32
    %while3A_68 = arith.constant 1 : i32
    %while3A_69 = arith.divsi %while3A, %while3A_68 : i32
    %while3A_70 = arith.muli %while3A_69, %while3A_68 : i32
    %while3A_71 = arith.addi %select_n3A, %while3A_70 : i32
    %while3A_72 = arith.constant 1 : i32
    %while3A_73:10 = scf.for %while3A_113 = %select_n3A to %while3A_71 step %while3A_72 iter_args(%while3A_114 = %broadcast_in_dim3A_48, %while3A_115 = %broadcast_in_dim3A_50, %while3A_116 = %broadcast_in_dim3A_52, %while3A_117 = %broadcast_in_dim3A_54, %while3A_118 = %broadcast_in_dim3A_56, %while3A_119 = %broadcast_in_dim3A_58, %while3A_120 = %broadcast_in_dim3A_60, %while3A_121 = %broadcast_in_dim3A_62, %while3A_122 = %broadcast_in_dim3A_64, %while3A_123 = %broadcast_in_dim3A_66) -> (vector<200x1024xf32>, vector<200x1024xf32>, vector<200x1024xf32>, vector<200x1024xf32>, vector<200x1024xf32>, vector<200x1xf32>, vector<200x1xf32>, vector<200x1xf32>, vector<200x1xf32>, vector<200x1xf32>)  : i32 {
      %dma_start3A = arith.constant 0 : i32
      %dma_start3A_124 = arith.constant 0 : i32
      %dma_start3A_125 = tpu.memref_slice %arg3[%while3A_113, %dma_start3A, %dma_start3A_124] : memref<313x1x512xi32, #tpu.memory_space<hbm>> -> memref<1x1x512xi32, #tpu.memory_space<hbm>>
      %dma_start3A_126 = tpu.memref_squeeze %dma_start3A_125 : memref<1x1x512xi32, #tpu.memory_space<hbm>> -> memref<1x512xi32, #tpu.memory_space<hbm>>
      tpu.enqueue_dma source(%dma_start3A_126 : memref<1x512xi32, #tpu.memory_space<hbm>>) target(%arg6 : memref<1x512xi32, #tpu.memory_space<vmem>>) target_semaphore(%arg8 : memref<!tpu.dma_semaphore, #tpu.memory_space<semaphore_mem>>)
      %dma_wait3A = arith.constant 0 : i32
      %dma_wait3A_127 = arith.constant 0 : i32
      %dma_wait3A_128 = tpu.memref_slice %arg3[%while3A_113, %dma_wait3A, %dma_wait3A_127] : memref<313x1x512xi32, #tpu.memory_space<hbm>> -> memref<1x1x512xi32, #tpu.memory_space<hbm>>
      %dma_wait3A_129 = tpu.memref_squeeze %dma_wait3A_128 : memref<1x1x512xi32, #tpu.memory_space<hbm>> -> memref<1x512xi32, #tpu.memory_space<hbm>>
      tpu.wait_dma2 semaphore(%arg8 : memref<!tpu.dma_semaphore, #tpu.memory_space<semaphore_mem>>) src(%dma_wait3A_129 : memref<1x512xi32, #tpu.memory_space<hbm>>) dst(%arg6 : memref<1x512xi32, #tpu.memory_space<vmem>>)
      %mul3A = arith.constant 512 : i32
      %mul3A_130 = arith.muli %while3A_113, %mul3A : i32
      %dma_start3A_131 = arith.constant 0 : i32
      %dma_start3A_132 = tpu.memref_slice %arg2[%mul3A_130, %dma_start3A_131] : memref<160256x1024xf32, #tpu.memory_space<hbm>> -> memref<512x1024xf32, #tpu.memory_space<hbm>>
      tpu.enqueue_dma source(%dma_start3A_132 : memref<512x1024xf32, #tpu.memory_space<hbm>>) target(%arg7 : memref<512x1024xf32, #tpu.memory_space<vmem>>) target_semaphore(%arg8 : memref<!tpu.dma_semaphore, #tpu.memory_space<semaphore_mem>>)
      %mul3A_133 = arith.constant 512 : i32
      %mul3A_134 = arith.muli %while3A_113, %mul3A_133 : i32
      %dma_wait3A_135 = arith.constant 0 : i32
      %dma_wait3A_136 = tpu.memref_slice %arg2[%mul3A_134, %dma_wait3A_135] : memref<160256x1024xf32, #tpu.memory_space<hbm>> -> memref<512x1024xf32, #tpu.memory_space<hbm>>
      tpu.wait_dma2 semaphore(%arg8 : memref<!tpu.dma_semaphore, #tpu.memory_space<semaphore_mem>>) src(%dma_wait3A_136 : memref<512x1024xf32, #tpu.memory_space<hbm>>) dst(%arg7 : memref<512x1024xf32, #tpu.memory_space<vmem>>)
      %get3A_137 = arith.constant 0 : index
      %get3A_138 = arith.constant 0 : index
      %get3A_139 = vector.load %arg6[%get3A_137, %get3A_138] : memref<1x512xi32, #tpu.memory_space<vmem>>, vector<1x512xi32>
      %jit3A_140 = arith.constant 8 : i32
      %div3A_141 = vector.broadcast %jit3A_140 : i32 to vector<1x512xi32>
      %div3A_142 = arith.divsi %get3A_139, %div3A_141 : vector<1x512xi32>
      %sign3A_143 = arith.constant 0 : i32
      %sign3A_144 = vector.broadcast %sign3A_143 : i32 to vector<1x512xi32>
      %sign3A_145 = arith.cmpi sgt, %get3A_139, %sign3A_144 : vector<1x512xi32>
      %sign3A_146 = arith.extui %sign3A_145 : vector<1x512xi1> to vector<1x512xi32>
      %sign3A_147 = arith.constant 0 : i32
      %sign3A_148 = vector.broadcast %sign3A_147 : i32 to vector<1x512xi32>
      %sign3A_149 = arith.cmpi slt, %get3A_139, %sign3A_148 : vector<1x512xi32>
      %sign3A_150 = arith.extui %sign3A_149 : vector<1x512xi1> to vector<1x512xi32>
      %sign3A_151 = arith.subi %sign3A_146, %sign3A_150 : vector<1x512xi32>
      %sign3A_152 = arith.constant 0 : i32
      %sign3A_153 = arith.cmpi sgt, %jit3A_140, %sign3A_152 : i32
      %sign3A_154 = arith.extui %sign3A_153 : i1 to i32
      %sign3A_155 = arith.constant 0 : i32
      %sign3A_156 = arith.cmpi slt, %jit3A_140, %sign3A_155 : i32
      %sign3A_157 = arith.extui %sign3A_156 : i1 to i32
      %sign3A_158 = arith.subi %sign3A_154, %sign3A_157 : i32
      %ne3A_159 = vector.broadcast %sign3A_158 : i32 to vector<1x512xi32>
      %ne3A_160 = arith.cmpi ne, %sign3A_151, %ne3A_159 : vector<1x512xi32>
      %rem3A_161 = vector.broadcast %jit3A_140 : i32 to vector<1x512xi32>
      %rem3A_162 = arith.remsi %get3A_139, %rem3A_161 : vector<1x512xi32>
      %ne3A_163 = arith.constant 0 : i32
      %ne3A_164 = vector.broadcast %ne3A_163 : i32 to vector<1x512xi32>
      %ne3A_165 = arith.cmpi ne, %rem3A_162, %ne3A_164 : vector<1x512xi32>
      %and3A_166 = arith.andi %ne3A_160, %ne3A_165 : vector<1x512xi1>
      %sub3A_167 = arith.constant 1 : i32
      %sub3A_168 = vector.broadcast %sub3A_167 : i32 to vector<1x512xi32>
      %sub3A_169 = arith.subi %div3A_142, %sub3A_168 : vector<1x512xi32>
      %select_n3A_170 = arith.select %and3A_166, %sub3A_169, %div3A_142 : vector<1x512xi1>, vector<1x512xi32>
      %mul3A_171 = arith.constant 200 : i32
      %mul3A_172 = arith.muli %arg0, %mul3A_171 : i32
      %sub3A_173 = vector.broadcast %mul3A_172 : i32 to vector<1x512xi32>
      %sub3A_174 = arith.subi %select_n3A_170, %sub3A_173 : vector<1x512xi32>
      %jit3A_175 = arith.constant 8 : i32
      %eq3A = arith.constant 0 : i32
      %eq3A_176 = arith.cmpi eq, %jit3A_175, %eq3A : i32
      %jit3A_177 = arith.constant 1 : i32
      %select_n3A_178 = arith.select %eq3A_176, %jit3A_177, %jit3A_175 : i32
      %rem3A_179 = vector.broadcast %select_n3A_178 : i32 to vector<1x512xi32>
      %rem3A_180 = arith.remsi %get3A_139, %rem3A_179 : vector<1x512xi32>
      %ne3A_181 = arith.constant 0 : i32
      %ne3A_182 = vector.broadcast %ne3A_181 : i32 to vector<1x512xi32>
      %ne3A_183 = arith.cmpi ne, %rem3A_180, %ne3A_182 : vector<1x512xi32>
      %lt3A = arith.constant 0 : i32
      %lt3A_184 = vector.broadcast %lt3A : i32 to vector<1x512xi32>
      %lt3A_185 = arith.cmpi slt, %rem3A_180, %lt3A_184 : vector<1x512xi32>
      %lt3A_186 = arith.constant 0 : i32
      %lt3A_187 = arith.cmpi slt, %select_n3A_178, %lt3A_186 : i32
      %ne3A_188 = vector.broadcast %lt3A_187 : i1 to vector<1x512xi1>
      %ne3A_189 = vector.broadcast %ne3A_188 : vector<1x512xi1> to vector<1x512xi1>
      %ne3A_190 = arith.xori %lt3A_185, %ne3A_189 : vector<1x512xi1>
      %and3A_191 = arith.andi %ne3A_190, %ne3A_183 : vector<1x512xi1>
      %add3A_192 = vector.broadcast %select_n3A_178 : i32 to vector<1x512xi32>
      %add3A_193 = arith.addi %rem3A_180, %add3A_192 : vector<1x512xi32>
      %select_n3A_194 = arith.select %and3A_191, %add3A_193, %rem3A_180 : vector<1x512xi1>, vector<1x512xi32>
      %broadcast_in_dim3A_195 = vector.shape_cast %sub3A_174 : vector<1x512xi32> to vector<1x512xi32>
      %broadcast_in_dim3A_196 = vector.broadcast %broadcast_in_dim3A_195 : vector<1x512xi32> to vector<200x512xi32>
      %broadcast_in_dim3A_197 = vector.shape_cast %select_n3A_194 : vector<1x512xi32> to vector<1x512xi32>
      %broadcast_in_dim3A_198 = vector.broadcast %broadcast_in_dim3A_197 : vector<1x512xi32> to vector<200x512xi32>
      %get3A_199 = arith.constant 0 : index
      %get3A_200 = arith.constant 0 : index
      %get3A_201 = vector.load %arg7[%get3A_199, %get3A_200] : memref<512x1024xf32, #tpu.memory_space<vmem>>, vector<512x1024xf32>
      %eq3A_202 = arith.cmpi eq, %broadcast_in_dim3A_196, %iota3A : vector<200x512xi32>
      %eq3A_203 = arith.constant 0 : i32
      %eq3A_204 = vector.broadcast %eq3A_203 : i32 to vector<200x512xi32>
      %eq3A_205 = arith.cmpi eq, %broadcast_in_dim3A_198, %eq3A_204 : vector<200x512xi32>
      %and3A_206 = arith.andi %eq3A_202, %eq3A_205 : vector<200x512xi1>
      %jit3A_207 = arith.constant 1.000000e+00 : f32
      %jit3A_208 = arith.constant 0.000000e+00 : f32
      %broadcast_in_dim3A_209 = vector.broadcast %jit3A_207 : f32 to vector<200x512xf32>
      %broadcast_in_dim3A_210 = vector.broadcast %jit3A_208 : f32 to vector<200x512xf32>
      %select_n3A_211 = arith.select %and3A_206, %broadcast_in_dim3A_209, %broadcast_in_dim3A_210 : vector<200x512xi1>, vector<200x512xf32>
      %dot_general3A = arith.constant dense<0.000000e+00> : vector<200x1024xf32>
      %dot_general3A_212 = tpu.matmul %select_n3A_211, %get3A_201, %dot_general3A {dimension_numbers = #tpu.dot_dimension_numbers<[1], [0], [0], [1], [0, 0, 1, 1], [], []>, transpose_lhs_hint = false} : vector<200x512xf32>, vector<512x1024xf32>, vector<200x1024xf32> -> vector<200x1024xf32>
      %add3A_213 = arith.addf %while3A_114, %dot_general3A_212 : vector<200x1024xf32>
      %reduce_sum3A = arith.constant dense<0.000000e+00> : vector<200xf32>
      %reduce_sum3A_214 = vector.multi_reduction <add>, %select_n3A_211, %reduce_sum3A [1] : vector<200x512xf32> to vector<200xf32>
      %broadcast_in_dim3A_215 = vector.shape_cast %reduce_sum3A_214 : vector<200xf32> to vector<200x1xf32>
      %add3A_216 = arith.addf %while3A_119, %broadcast_in_dim3A_215 : vector<200x1xf32>
      %eq3A_217 = arith.cmpi eq, %broadcast_in_dim3A_196, %iota3A : vector<200x512xi32>
      %eq3A_218 = arith.constant 1 : i32
      %eq3A_219 = vector.broadcast %eq3A_218 : i32 to vector<200x512xi32>
      %eq3A_220 = arith.cmpi eq, %broadcast_in_dim3A_198, %eq3A_219 : vector<200x512xi32>
      %and3A_221 = arith.andi %eq3A_217, %eq3A_220 : vector<200x512xi1>
      %jit3A_222 = arith.constant 1.000000e+00 : f32
      %jit3A_223 = arith.constant 0.000000e+00 : f32
      %broadcast_in_dim3A_224 = vector.broadcast %jit3A_222 : f32 to vector<200x512xf32>
      %broadcast_in_dim3A_225 = vector.broadcast %jit3A_223 : f32 to vector<200x512xf32>
      %select_n3A_226 = arith.select %and3A_221, %broadcast_in_dim3A_224, %broadcast_in_dim3A_225 : vector<200x512xi1>, vector<200x512xf32>
      %dot_general3A_227 = arith.constant dense<0.000000e+00> : vector<200x1024xf32>
      %dot_general3A_228 = tpu.matmul %select_n3A_226, %get3A_201, %dot_general3A_227 {dimension_numbers = #tpu.dot_dimension_numbers<[1], [0], [0], [1], [0, 0, 1, 1], [], []>, transpose_lhs_hint = false} : vector<200x512xf32>, vector<512x1024xf32>, vector<200x1024xf32> -> vector<200x1024xf32>
      %add3A_229 = arith.addf %while3A_115, %dot_general3A_228 : vector<200x1024xf32>
      %reduce_sum3A_230 = arith.constant dense<0.000000e+00> : vector<200xf32>
      %reduce_sum3A_231 = vector.multi_reduction <add>, %select_n3A_226, %reduce_sum3A_230 [1] : vector<200x512xf32> to vector<200xf32>
      %broadcast_in_dim3A_232 = vector.shape_cast %reduce_sum3A_231 : vector<200xf32> to vector<200x1xf32>
      %add3A_233 = arith.addf %while3A_120, %broadcast_in_dim3A_232 : vector<200x1xf32>
      %eq3A_234 = arith.cmpi eq, %broadcast_in_dim3A_196, %iota3A : vector<200x512xi32>
      %eq3A_235 = arith.constant 2 : i32
      %eq3A_236 = vector.broadcast %eq3A_235 : i32 to vector<200x512xi32>
      %eq3A_237 = arith.cmpi eq, %broadcast_in_dim3A_198, %eq3A_236 : vector<200x512xi32>
      %and3A_238 = arith.andi %eq3A_234, %eq3A_237 : vector<200x512xi1>
      %jit3A_239 = arith.constant 1.000000e+00 : f32
      %jit3A_240 = arith.constant 0.000000e+00 : f32
      %broadcast_in_dim3A_241 = vector.broadcast %jit3A_239 : f32 to vector<200x512xf32>
      %broadcast_in_dim3A_242 = vector.broadcast %jit3A_240 : f32 to vector<200x512xf32>
      %select_n3A_243 = arith.select %and3A_238, %broadcast_in_dim3A_241, %broadcast_in_dim3A_242 : vector<200x512xi1>, vector<200x512xf32>
      %dot_general3A_244 = arith.constant dense<0.000000e+00> : vector<200x1024xf32>
      %dot_general3A_245 = tpu.matmul %select_n3A_243, %get3A_201, %dot_general3A_244 {dimension_numbers = #tpu.dot_dimension_numbers<[1], [0], [0], [1], [0, 0, 1, 1], [], []>, transpose_lhs_hint = false} : vector<200x512xf32>, vector<512x1024xf32>, vector<200x1024xf32> -> vector<200x1024xf32>
      %add3A_246 = arith.addf %while3A_116, %dot_general3A_245 : vector<200x1024xf32>
      %reduce_sum3A_247 = arith.constant dense<0.000000e+00> : vector<200xf32>
      %reduce_sum3A_248 = vector.multi_reduction <add>, %select_n3A_243, %reduce_sum3A_247 [1] : vector<200x512xf32> to vector<200xf32>
      %broadcast_in_dim3A_249 = vector.shape_cast %reduce_sum3A_248 : vector<200xf32> to vector<200x1xf32>
      %add3A_250 = arith.addf %while3A_121, %broadcast_in_dim3A_249 : vector<200x1xf32>
      %eq3A_251 = arith.cmpi eq, %broadcast_in_dim3A_196, %iota3A : vector<200x512xi32>
      %eq3A_252 = arith.constant 3 : i32
      %eq3A_253 = vector.broadcast %eq3A_252 : i32 to vector<200x512xi32>
      %eq3A_254 = arith.cmpi eq, %broadcast_in_dim3A_198, %eq3A_253 : vector<200x512xi32>
      %and3A_255 = arith.andi %eq3A_251, %eq3A_254 : vector<200x512xi1>
      %jit3A_256 = arith.constant 1.000000e+00 : f32
      %jit3A_257 = arith.constant 0.000000e+00 : f32
      %broadcast_in_dim3A_258 = vector.broadcast %jit3A_256 : f32 to vector<200x512xf32>
      %broadcast_in_dim3A_259 = vector.broadcast %jit3A_257 : f32 to vector<200x512xf32>
      %select_n3A_260 = arith.select %and3A_255, %broadcast_in_dim3A_258, %broadcast_in_dim3A_259 : vector<200x512xi1>, vector<200x512xf32>
      %dot_general3A_261 = arith.constant dense<0.000000e+00> : vector<200x1024xf32>
      %dot_general3A_262 = tpu.matmul %select_n3A_260, %get3A_201, %dot_general3A_261 {dimension_numbers = #tpu.dot_dimension_numbers<[1], [0], [0], [1], [0, 0, 1, 1], [], []>, transpose_lhs_hint = false} : vector<200x512xf32>, vector<512x1024xf32>, vector<200x1024xf32> -> vector<200x1024xf32>
      %add3A_263 = arith.addf %while3A_117, %dot_general3A_262 : vector<200x1024xf32>
      %reduce_sum3A_264 = arith.constant dense<0.000000e+00> : vector<200xf32>
      %reduce_sum3A_265 = vector.multi_reduction <add>, %select_n3A_260, %reduce_sum3A_264 [1] : vector<200x512xf32> to vector<200xf32>
      %broadcast_in_dim3A_266 = vector.shape_cast %reduce_sum3A_265 : vector<200xf32> to vector<200x1xf32>
      %add3A_267 = arith.addf %while3A_122, %broadcast_in_dim3A_266 : vector<200x1xf32>
      %eq3A_268 = arith.cmpi eq, %broadcast_in_dim3A_196, %iota3A : vector<200x512xi32>
      %eq3A_269 = arith.constant 4 : i32
      %eq3A_270 = vector.broadcast %eq3A_269 : i32 to vector<200x512xi32>
      %eq3A_271 = arith.cmpi eq, %broadcast_in_dim3A_198, %eq3A_270 : vector<200x512xi32>
      %and3A_272 = arith.andi %eq3A_268, %eq3A_271 : vector<200x512xi1>
      %jit3A_273 = arith.constant 1.000000e+00 : f32
      %jit3A_274 = arith.constant 0.000000e+00 : f32
      %broadcast_in_dim3A_275 = vector.broadcast %jit3A_273 : f32 to vector<200x512xf32>
      %broadcast_in_dim3A_276 = vector.broadcast %jit3A_274 : f32 to vector<200x512xf32>
      %select_n3A_277 = arith.select %and3A_272, %broadcast_in_dim3A_275, %broadcast_in_dim3A_276 : vector<200x512xi1>, vector<200x512xf32>
      %dot_general3A_278 = arith.constant dense<0.000000e+00> : vector<200x1024xf32>
      %dot_general3A_279 = tpu.matmul %select_n3A_277, %get3A_201, %dot_general3A_278 {dimension_numbers = #tpu.dot_dimension_numbers<[1], [0], [0], [1], [0, 0, 1, 1], [], []>, transpose_lhs_hint = false} : vector<200x512xf32>, vector<512x1024xf32>, vector<200x1024xf32> -> vector<200x1024xf32>
      %add3A_280 = arith.addf %while3A_118, %dot_general3A_279 : vector<200x1024xf32>
      %reduce_sum3A_281 = arith.constant dense<0.000000e+00> : vector<200xf32>
      %reduce_sum3A_282 = vector.multi_reduction <add>, %select_n3A_277, %reduce_sum3A_281 [1] : vector<200x512xf32> to vector<200xf32>
      %broadcast_in_dim3A_283 = vector.shape_cast %reduce_sum3A_282 : vector<200xf32> to vector<200x1xf32>
      %add3A_284 = arith.addf %while3A_123, %broadcast_in_dim3A_283 : vector<200x1xf32>
      scf.yield %add3A_213, %add3A_229, %add3A_246, %add3A_263, %add3A_280, %add3A_216, %add3A_233, %add3A_250, %add3A_267, %add3A_284 : vector<200x1024xf32>, vector<200x1024xf32>, vector<200x1024xf32>, vector<200x1024xf32>, vector<200x1024xf32>, vector<200x1xf32>, vector<200x1xf32>, vector<200x1xf32>, vector<200x1xf32>, vector<200x1xf32>
    }
    %while3A_74 = arith.constant 1 : i32
    %while3A_75:10 = scf.for %while3A_113 = %while3A_71 to %while3A_67 step %while3A_74 iter_args(%while3A_114 = %while3A_73#0, %while3A_115 = %while3A_73#1, %while3A_116 = %while3A_73#2, %while3A_117 = %while3A_73#3, %while3A_118 = %while3A_73#4, %while3A_119 = %while3A_73#5, %while3A_120 = %while3A_73#6, %while3A_121 = %while3A_73#7, %while3A_122 = %while3A_73#8, %while3A_123 = %while3A_73#9) -> (vector<200x1024xf32>, vector<200x1024xf32>, vector<200x1024xf32>, vector<200x1024xf32>, vector<200x1024xf32>, vector<200x1xf32>, vector<200x1xf32>, vector<200x1xf32>, vector<200x1xf32>, vector<200x1xf32>)  : i32 {
      %dma_start3A = arith.constant 0 : i32
      %dma_start3A_124 = arith.constant 0 : i32
      %dma_start3A_125 = tpu.memref_slice %arg3[%while3A_113, %dma_start3A, %dma_start3A_124] : memref<313x1x512xi32, #tpu.memory_space<hbm>> -> memref<1x1x512xi32, #tpu.memory_space<hbm>>
      %dma_start3A_126 = tpu.memref_squeeze %dma_start3A_125 : memref<1x1x512xi32, #tpu.memory_space<hbm>> -> memref<1x512xi32, #tpu.memory_space<hbm>>
      tpu.enqueue_dma source(%dma_start3A_126 : memref<1x512xi32, #tpu.memory_space<hbm>>) target(%arg6 : memref<1x512xi32, #tpu.memory_space<vmem>>) target_semaphore(%arg8 : memref<!tpu.dma_semaphore, #tpu.memory_space<semaphore_mem>>)
      %dma_wait3A = arith.constant 0 : i32
      %dma_wait3A_127 = arith.constant 0 : i32
      %dma_wait3A_128 = tpu.memref_slice %arg3[%while3A_113, %dma_wait3A, %dma_wait3A_127] : memref<313x1x512xi32, #tpu.memory_space<hbm>> -> memref<1x1x512xi32, #tpu.memory_space<hbm>>
      %dma_wait3A_129 = tpu.memref_squeeze %dma_wait3A_128 : memref<1x1x512xi32, #tpu.memory_space<hbm>> -> memref<1x512xi32, #tpu.memory_space<hbm>>
      tpu.wait_dma2 semaphore(%arg8 : memref<!tpu.dma_semaphore, #tpu.memory_space<semaphore_mem>>) src(%dma_wait3A_129 : memref<1x512xi32, #tpu.memory_space<hbm>>) dst(%arg6 : memref<1x512xi32, #tpu.memory_space<vmem>>)
      %mul3A = arith.constant 512 : i32
      %mul3A_130 = arith.muli %while3A_113, %mul3A : i32
      %dma_start3A_131 = arith.constant 0 : i32
      %dma_start3A_132 = tpu.memref_slice %arg2[%mul3A_130, %dma_start3A_131] : memref<160256x1024xf32, #tpu.memory_space<hbm>> -> memref<512x1024xf32, #tpu.memory_space<hbm>>
      tpu.enqueue_dma source(%dma_start3A_132 : memref<512x1024xf32, #tpu.memory_space<hbm>>) target(%arg7 : memref<512x1024xf32, #tpu.memory_space<vmem>>) target_semaphore(%arg8 : memref<!tpu.dma_semaphore, #tpu.memory_space<semaphore_mem>>)
      %mul3A_133 = arith.constant 512 : i32
      %mul3A_134 = arith.muli %while3A_113, %mul3A_133 : i32
      %dma_wait3A_135 = arith.constant 0 : i32
      %dma_wait3A_136 = tpu.memref_slice %arg2[%mul3A_134, %dma_wait3A_135] : memref<160256x1024xf32, #tpu.memory_space<hbm>> -> memref<512x1024xf32, #tpu.memory_space<hbm>>
      tpu.wait_dma2 semaphore(%arg8 : memref<!tpu.dma_semaphore, #tpu.memory_space<semaphore_mem>>) src(%dma_wait3A_136 : memref<512x1024xf32, #tpu.memory_space<hbm>>) dst(%arg7 : memref<512x1024xf32, #tpu.memory_space<vmem>>)
      %get3A_137 = arith.constant 0 : index
      %get3A_138 = arith.constant 0 : index
      %get3A_139 = vector.load %arg6[%get3A_137, %get3A_138] : memref<1x512xi32, #tpu.memory_space<vmem>>, vector<1x512xi32>
      %jit3A_140 = arith.constant 8 : i32
      %div3A_141 = vector.broadcast %jit3A_140 : i32 to vector<1x512xi32>
      %div3A_142 = arith.divsi %get3A_139, %div3A_141 : vector<1x512xi32>
      %sign3A_143 = arith.constant 0 : i32
      %sign3A_144 = vector.broadcast %sign3A_143 : i32 to vector<1x512xi32>
      %sign3A_145 = arith.cmpi sgt, %get3A_139, %sign3A_144 : vector<1x512xi32>
      %sign3A_146 = arith.extui %sign3A_145 : vector<1x512xi1> to vector<1x512xi32>
      %sign3A_147 = arith.constant 0 : i32
      %sign3A_148 = vector.broadcast %sign3A_147 : i32 to vector<1x512xi32>
      %sign3A_149 = arith.cmpi slt, %get3A_139, %sign3A_148 : vector<1x512xi32>
      %sign3A_150 = arith.extui %sign3A_149 : vector<1x512xi1> to vector<1x512xi32>
      %sign3A_151 = arith.subi %sign3A_146, %sign3A_150 : vector<1x512xi32>
      %sign3A_152 = arith.constant 0 : i32
      %sign3A_153 = arith.cmpi sgt, %jit3A_140, %sign3A_152 : i32
      %sign3A_154 = arith.extui %sign3A_153 : i1 to i32
      %sign3A_155 = arith.constant 0 : i32
      %sign3A_156 = arith.cmpi slt, %jit3A_140, %sign3A_155 : i32
      %sign3A_157 = arith.extui %sign3A_156 : i1 to i32
      %sign3A_158 = arith.subi %sign3A_154, %sign3A_157 : i32
      %ne3A_159 = vector.broadcast %sign3A_158 : i32 to vector<1x512xi32>
      %ne3A_160 = arith.cmpi ne, %sign3A_151, %ne3A_159 : vector<1x512xi32>
      %rem3A_161 = vector.broadcast %jit3A_140 : i32 to vector<1x512xi32>
      %rem3A_162 = arith.remsi %get3A_139, %rem3A_161 : vector<1x512xi32>
      %ne3A_163 = arith.constant 0 : i32
      %ne3A_164 = vector.broadcast %ne3A_163 : i32 to vector<1x512xi32>
      %ne3A_165 = arith.cmpi ne, %rem3A_162, %ne3A_164 : vector<1x512xi32>
      %and3A_166 = arith.andi %ne3A_160, %ne3A_165 : vector<1x512xi1>
      %sub3A_167 = arith.constant 1 : i32
      %sub3A_168 = vector.broadcast %sub3A_167 : i32 to vector<1x512xi32>
      %sub3A_169 = arith.subi %div3A_142, %sub3A_168 : vector<1x512xi32>
      %select_n3A_170 = arith.select %and3A_166, %sub3A_169, %div3A_142 : vector<1x512xi1>, vector<1x512xi32>
      %mul3A_171 = arith.constant 200 : i32
      %mul3A_172 = arith.muli %arg0, %mul3A_171 : i32
      %sub3A_173 = vector.broadcast %mul3A_172 : i32 to vector<1x512xi32>
      %sub3A_174 = arith.subi %select_n3A_170, %sub3A_173 : vector<1x512xi32>
      %jit3A_175 = arith.constant 8 : i32
      %eq3A = arith.constant 0 : i32
      %eq3A_176 = arith.cmpi eq, %jit3A_175, %eq3A : i32
      %jit3A_177 = arith.constant 1 : i32
      %select_n3A_178 = arith.select %eq3A_176, %jit3A_177, %jit3A_175 : i32
      %rem3A_179 = vector.broadcast %select_n3A_178 : i32 to vector<1x512xi32>
      %rem3A_180 = arith.remsi %get3A_139, %rem3A_179 : vector<1x512xi32>
      %ne3A_181 = arith.constant 0 : i32
      %ne3A_182 = vector.broadcast %ne3A_181 : i32 to vector<1x512xi32>
      %ne3A_183 = arith.cmpi ne, %rem3A_180, %ne3A_182 : vector<1x512xi32>
      %lt3A = arith.constant 0 : i32
      %lt3A_184 = vector.broadcast %lt3A : i32 to vector<1x512xi32>
      %lt3A_185 = arith.cmpi slt, %rem3A_180, %lt3A_184 : vector<1x512xi32>
      %lt3A_186 = arith.constant 0 : i32
      %lt3A_187 = arith.cmpi slt, %select_n3A_178, %lt3A_186 : i32
      %ne3A_188 = vector.broadcast %lt3A_187 : i1 to vector<1x512xi1>
      %ne3A_189 = vector.broadcast %ne3A_188 : vector<1x512xi1> to vector<1x512xi1>
      %ne3A_190 = arith.xori %lt3A_185, %ne3A_189 : vector<1x512xi1>
      %and3A_191 = arith.andi %ne3A_190, %ne3A_183 : vector<1x512xi1>
      %add3A_192 = vector.broadcast %select_n3A_178 : i32 to vector<1x512xi32>
      %add3A_193 = arith.addi %rem3A_180, %add3A_192 : vector<1x512xi32>
      %select_n3A_194 = arith.select %and3A_191, %add3A_193, %rem3A_180 : vector<1x512xi1>, vector<1x512xi32>
      %broadcast_in_dim3A_195 = vector.shape_cast %sub3A_174 : vector<1x512xi32> to vector<1x512xi32>
      %broadcast_in_dim3A_196 = vector.broadcast %broadcast_in_dim3A_195 : vector<1x512xi32> to vector<200x512xi32>
      %broadcast_in_dim3A_197 = vector.shape_cast %select_n3A_194 : vector<1x512xi32> to vector<1x512xi32>
      %broadcast_in_dim3A_198 = vector.broadcast %broadcast_in_dim3A_197 : vector<1x512xi32> to vector<200x512xi32>
      %get3A_199 = arith.constant 0 : index
      %get3A_200 = arith.constant 0 : index
      %get3A_201 = vector.load %arg7[%get3A_199, %get3A_200] : memref<512x1024xf32, #tpu.memory_space<vmem>>, vector<512x1024xf32>
      %eq3A_202 = arith.cmpi eq, %broadcast_in_dim3A_196, %iota3A : vector<200x512xi32>
      %eq3A_203 = arith.constant 0 : i32
      %eq3A_204 = vector.broadcast %eq3A_203 : i32 to vector<200x512xi32>
      %eq3A_205 = arith.cmpi eq, %broadcast_in_dim3A_198, %eq3A_204 : vector<200x512xi32>
      %and3A_206 = arith.andi %eq3A_202, %eq3A_205 : vector<200x512xi1>
      %jit3A_207 = arith.constant 1.000000e+00 : f32
      %jit3A_208 = arith.constant 0.000000e+00 : f32
      %broadcast_in_dim3A_209 = vector.broadcast %jit3A_207 : f32 to vector<200x512xf32>
      %broadcast_in_dim3A_210 = vector.broadcast %jit3A_208 : f32 to vector<200x512xf32>
      %select_n3A_211 = arith.select %and3A_206, %broadcast_in_dim3A_209, %broadcast_in_dim3A_210 : vector<200x512xi1>, vector<200x512xf32>
      %dot_general3A = arith.constant dense<0.000000e+00> : vector<200x1024xf32>
      %dot_general3A_212 = tpu.matmul %select_n3A_211, %get3A_201, %dot_general3A {dimension_numbers = #tpu.dot_dimension_numbers<[1], [0], [0], [1], [0, 0, 1, 1], [], []>, transpose_lhs_hint = false} : vector<200x512xf32>, vector<512x1024xf32>, vector<200x1024xf32> -> vector<200x1024xf32>
      %add3A_213 = arith.addf %while3A_114, %dot_general3A_212 : vector<200x1024xf32>
      %reduce_sum3A = arith.constant dense<0.000000e+00> : vector<200xf32>
      %reduce_sum3A_214 = vector.multi_reduction <add>, %select_n3A_211, %reduce_sum3A [1] : vector<200x512xf32> to vector<200xf32>
      %broadcast_in_dim3A_215 = vector.shape_cast %reduce_sum3A_214 : vector<200xf32> to vector<200x1xf32>
      %add3A_216 = arith.addf %while3A_119, %broadcast_in_dim3A_215 : vector<200x1xf32>
      %eq3A_217 = arith.cmpi eq, %broadcast_in_dim3A_196, %iota3A : vector<200x512xi32>
      %eq3A_218 = arith.constant 1 : i32
      %eq3A_219 = vector.broadcast %eq3A_218 : i32 to vector<200x512xi32>
      %eq3A_220 = arith.cmpi eq, %broadcast_in_dim3A_198, %eq3A_219 : vector<200x512xi32>
      %and3A_221 = arith.andi %eq3A_217, %eq3A_220 : vector<200x512xi1>
      %jit3A_222 = arith.constant 1.000000e+00 : f32
      %jit3A_223 = arith.constant 0.000000e+00 : f32
      %broadcast_in_dim3A_224 = vector.broadcast %jit3A_222 : f32 to vector<200x512xf32>
      %broadcast_in_dim3A_225 = vector.broadcast %jit3A_223 : f32 to vector<200x512xf32>
      %select_n3A_226 = arith.select %and3A_221, %broadcast_in_dim3A_224, %broadcast_in_dim3A_225 : vector<200x512xi1>, vector<200x512xf32>
      %dot_general3A_227 = arith.constant dense<0.000000e+00> : vector<200x1024xf32>
      %dot_general3A_228 = tpu.matmul %select_n3A_226, %get3A_201, %dot_general3A_227 {dimension_numbers = #tpu.dot_dimension_numbers<[1], [0], [0], [1], [0, 0, 1, 1], [], []>, transpose_lhs_hint = false} : vector<200x512xf32>, vector<512x1024xf32>, vector<200x1024xf32> -> vector<200x1024xf32>
      %add3A_229 = arith.addf %while3A_115, %dot_general3A_228 : vector<200x1024xf32>
      %reduce_sum3A_230 = arith.constant dense<0.000000e+00> : vector<200xf32>
      %reduce_sum3A_231 = vector.multi_reduction <add>, %select_n3A_226, %reduce_sum3A_230 [1] : vector<200x512xf32> to vector<200xf32>
      %broadcast_in_dim3A_232 = vector.shape_cast %reduce_sum3A_231 : vector<200xf32> to vector<200x1xf32>
      %add3A_233 = arith.addf %while3A_120, %broadcast_in_dim3A_232 : vector<200x1xf32>
      %eq3A_234 = arith.cmpi eq, %broadcast_in_dim3A_196, %iota3A : vector<200x512xi32>
      %eq3A_235 = arith.constant 2 : i32
      %eq3A_236 = vector.broadcast %eq3A_235 : i32 to vector<200x512xi32>
      %eq3A_237 = arith.cmpi eq, %broadcast_in_dim3A_198, %eq3A_236 : vector<200x512xi32>
      %and3A_238 = arith.andi %eq3A_234, %eq3A_237 : vector<200x512xi1>
      %jit3A_239 = arith.constant 1.000000e+00 : f32
      %jit3A_240 = arith.constant 0.000000e+00 : f32
      %broadcast_in_dim3A_241 = vector.broadcast %jit3A_239 : f32 to vector<200x512xf32>
      %broadcast_in_dim3A_242 = vector.broadcast %jit3A_240 : f32 to vector<200x512xf32>
      %select_n3A_243 = arith.select %and3A_238, %broadcast_in_dim3A_241, %broadcast_in_dim3A_242 : vector<200x512xi1>, vector<200x512xf32>
      %dot_general3A_244 = arith.constant dense<0.000000e+00> : vector<200x1024xf32>
      %dot_general3A_245 = tpu.matmul %select_n3A_243, %get3A_201, %dot_general3A_244 {dimension_numbers = #tpu.dot_dimension_numbers<[1], [0], [0], [1], [0, 0, 1, 1], [], []>, transpose_lhs_hint = false} : vector<200x512xf32>, vector<512x1024xf32>, vector<200x1024xf32> -> vector<200x1024xf32>
      %add3A_246 = arith.addf %while3A_116, %dot_general3A_245 : vector<200x1024xf32>
      %reduce_sum3A_247 = arith.constant dense<0.000000e+00> : vector<200xf32>
      %reduce_sum3A_248 = vector.multi_reduction <add>, %select_n3A_243, %reduce_sum3A_247 [1] : vector<200x512xf32> to vector<200xf32>
      %broadcast_in_dim3A_249 = vector.shape_cast %reduce_sum3A_248 : vector<200xf32> to vector<200x1xf32>
      %add3A_250 = arith.addf %while3A_121, %broadcast_in_dim3A_249 : vector<200x1xf32>
      %eq3A_251 = arith.cmpi eq, %broadcast_in_dim3A_196, %iota3A : vector<200x512xi32>
      %eq3A_252 = arith.constant 3 : i32
      %eq3A_253 = vector.broadcast %eq3A_252 : i32 to vector<200x512xi32>
      %eq3A_254 = arith.cmpi eq, %broadcast_in_dim3A_198, %eq3A_253 : vector<200x512xi32>
      %and3A_255 = arith.andi %eq3A_251, %eq3A_254 : vector<200x512xi1>
      %jit3A_256 = arith.constant 1.000000e+00 : f32
      %jit3A_257 = arith.constant 0.000000e+00 : f32
      %broadcast_in_dim3A_258 = vector.broadcast %jit3A_256 : f32 to vector<200x512xf32>
      %broadcast_in_dim3A_259 = vector.broadcast %jit3A_257 : f32 to vector<200x512xf32>
      %select_n3A_260 = arith.select %and3A_255, %broadcast_in_dim3A_258, %broadcast_in_dim3A_259 : vector<200x512xi1>, vector<200x512xf32>
      %dot_general3A_261 = arith.constant dense<0.000000e+00> : vector<200x1024xf32>
      %dot_general3A_262 = tpu.matmul %select_n3A_260, %get3A_201, %dot_general3A_261 {dimension_numbers = #tpu.dot_dimension_numbers<[1], [0], [0], [1], [0, 0, 1, 1], [], []>, transpose_lhs_hint = false} : vector<200x512xf32>, vector<512x1024xf32>, vector<200x1024xf32> -> vector<200x1024xf32>
      %add3A_263 = arith.addf %while3A_117, %dot_general3A_262 : vector<200x1024xf32>
      %reduce_sum3A_264 = arith.constant dense<0.000000e+00> : vector<200xf32>
      %reduce_sum3A_265 = vector.multi_reduction <add>, %select_n3A_260, %reduce_sum3A_264 [1] : vector<200x512xf32> to vector<200xf32>
      %broadcast_in_dim3A_266 = vector.shape_cast %reduce_sum3A_265 : vector<200xf32> to vector<200x1xf32>
      %add3A_267 = arith.addf %while3A_122, %broadcast_in_dim3A_266 : vector<200x1xf32>
      %eq3A_268 = arith.cmpi eq, %broadcast_in_dim3A_196, %iota3A : vector<200x512xi32>
      %eq3A_269 = arith.constant 4 : i32
      %eq3A_270 = vector.broadcast %eq3A_269 : i32 to vector<200x512xi32>
      %eq3A_271 = arith.cmpi eq, %broadcast_in_dim3A_198, %eq3A_270 : vector<200x512xi32>
      %and3A_272 = arith.andi %eq3A_268, %eq3A_271 : vector<200x512xi1>
      %jit3A_273 = arith.constant 1.000000e+00 : f32
      %jit3A_274 = arith.constant 0.000000e+00 : f32
      %broadcast_in_dim3A_275 = vector.broadcast %jit3A_273 : f32 to vector<200x512xf32>
      %broadcast_in_dim3A_276 = vector.broadcast %jit3A_274 : f32 to vector<200x512xf32>
      %select_n3A_277 = arith.select %and3A_272, %broadcast_in_dim3A_275, %broadcast_in_dim3A_276 : vector<200x512xi1>, vector<200x512xf32>
      %dot_general3A_278 = arith.constant dense<0.000000e+00> : vector<200x1024xf32>
      %dot_general3A_279 = tpu.matmul %select_n3A_277, %get3A_201, %dot_general3A_278 {dimension_numbers = #tpu.dot_dimension_numbers<[1], [0], [0], [1], [0, 0, 1, 1], [], []>, transpose_lhs_hint = false} : vector<200x512xf32>, vector<512x1024xf32>, vector<200x1024xf32> -> vector<200x1024xf32>
      %add3A_280 = arith.addf %while3A_118, %dot_general3A_279 : vector<200x1024xf32>
      %reduce_sum3A_281 = arith.constant dense<0.000000e+00> : vector<200xf32>
      %reduce_sum3A_282 = vector.multi_reduction <add>, %select_n3A_277, %reduce_sum3A_281 [1] : vector<200x512xf32> to vector<200xf32>
      %broadcast_in_dim3A_283 = vector.shape_cast %reduce_sum3A_282 : vector<200xf32> to vector<200x1xf32>
      %add3A_284 = arith.addf %while3A_123, %broadcast_in_dim3A_283 : vector<200x1xf32>
      scf.yield %add3A_213, %add3A_229, %add3A_246, %add3A_263, %add3A_280, %add3A_216, %add3A_233, %add3A_250, %add3A_267, %add3A_284 : vector<200x1024xf32>, vector<200x1024xf32>, vector<200x1024xf32>, vector<200x1024xf32>, vector<200x1024xf32>, vector<200x1xf32>, vector<200x1xf32>, vector<200x1xf32>, vector<200x1xf32>, vector<200x1xf32>
    }
    %get3A_76 = arith.constant 0 : index
    %get3A_77 = arith.constant 0 : index
    %get3A_78 = vector.load %arg4[%get3A_76, %get3A_77] : memref<200x1024xf32, #tpu.memory_space<vmem>>, vector<200x1024xf32>
    %max3A = arith.constant 1.000000e+00 : f32
    %max3A_79 = vector.broadcast %max3A : f32 to vector<200x1xf32>
    %max3A_80 = arith.maximumf %while3A_75#5, %max3A_79 : vector<200x1xf32>
    %div3A_81 = vector.broadcast %max3A_80 : vector<200x1xf32> to vector<200x1024xf32>
    %div3A_82 = arith.divf %while3A_75#0, %div3A_81 : vector<200x1024xf32>
    %add3A_83 = arith.addf %get3A_78, %div3A_82 : vector<200x1024xf32>
    %max3A_84 = arith.constant 1.000000e+00 : f32
    %max3A_85 = vector.broadcast %max3A_84 : f32 to vector<200x1xf32>
    %max3A_86 = arith.maximumf %while3A_75#6, %max3A_85 : vector<200x1xf32>
    %div3A_87 = vector.broadcast %max3A_86 : vector<200x1xf32> to vector<200x1024xf32>
    %div3A_88 = arith.divf %while3A_75#1, %div3A_87 : vector<200x1024xf32>
    %add3A_89 = arith.addf %add3A_83, %div3A_88 : vector<200x1024xf32>
    %max3A_90 = arith.constant 1.000000e+00 : f32
    %max3A_91 = vector.broadcast %max3A_90 : f32 to vector<200x1xf32>
    %max3A_92 = arith.maximumf %while3A_75#7, %max3A_91 : vector<200x1xf32>
    %div3A_93 = vector.broadcast %max3A_92 : vector<200x1xf32> to vector<200x1024xf32>
    %div3A_94 = arith.divf %while3A_75#2, %div3A_93 : vector<200x1024xf32>
    %add3A_95 = arith.addf %add3A_89, %div3A_94 : vector<200x1024xf32>
    %max3A_96 = arith.constant 1.000000e+00 : f32
    %max3A_97 = vector.broadcast %max3A_96 : f32 to vector<200x1xf32>
    %max3A_98 = arith.maximumf %while3A_75#8, %max3A_97 : vector<200x1xf32>
    %div3A_99 = vector.broadcast %max3A_98 : vector<200x1xf32> to vector<200x1024xf32>
    %div3A_100 = arith.divf %while3A_75#3, %div3A_99 : vector<200x1024xf32>
    %add3A_101 = arith.addf %add3A_95, %div3A_100 : vector<200x1024xf32>
    %max3A_102 = arith.constant 1.000000e+00 : f32
    %max3A_103 = vector.broadcast %max3A_102 : f32 to vector<200x1xf32>
    %max3A_104 = arith.maximumf %while3A_75#9, %max3A_103 : vector<200x1xf32>
    %div3A_105 = vector.broadcast %max3A_104 : vector<200x1xf32> to vector<200x1024xf32>
    %div3A_106 = arith.divf %while3A_75#4, %div3A_105 : vector<200x1024xf32>
    %add3A_107 = arith.addf %add3A_101, %div3A_106 : vector<200x1024xf32>
    %max3A_108 = arith.constant 0.000000e+00 : f32
    %max3A_109 = vector.broadcast %max3A_108 : f32 to vector<200x1024xf32>
    %max3A_110 = arith.maximumf %add3A_107, %max3A_109 : vector<200x1024xf32>
    %swap3A = arith.constant 0 : index
    %swap3A_111 = arith.constant 0 : index
    %swap3A_112 = vector.load %arg5[%swap3A, %swap3A_111] : memref<200x1024xf32, #tpu.memory_space<vmem>>, vector<200x1024xf32>
    tpu.vector_store %arg5[%swap3A, %swap3A_111], %max3A_110 {strides = array<i32>} : memref<200x1024xf32, #tpu.memory_space<vmem>>, vector<200x1024xf32>,
    return
  }
  func.func @transform_2(%arg0: i32, %arg1: memref<51xi32, #tpu.memory_space<smem>>) -> (i32, i32) {
    %c0_i32 = arith.constant 0 : i32
    %c0_i32_0 = arith.constant 0 : i32
    return %arg0, %c0_i32 : i32, i32
  }
  func.func @transform_3(%arg0: i32, %arg1: memref<51xi32, #tpu.memory_space<smem>>) -> (i32, i32) {
    %c0_i32 = arith.constant 0 : i32
    %c0_i32_0 = arith.constant 0 : i32
    return %arg0, %c0_i32 : i32, i32
  }
}

module attributes {stable_mosaic.version = 14 : i64} {
  func.func @_head_body(%arg0: i32, %arg1: memref<200x1024xf32, #tpu.memory_space<vmem>>, %arg2: memref<1024x768xf32, #tpu.memory_space<vmem>>, %arg3: memref<1x768xf32, #tpu.memory_space<vmem>>, %arg4: memref<768x128xf32, #tpu.memory_space<vmem>>, %arg5: memref<1x128xf32, #tpu.memory_space<vmem>>, %arg6: memref<200x128xf32, #tpu.memory_space<vmem>>, %arg7: memref<200x768xf32, #tpu.memory_space<vmem>>) attributes {dimension_semantics = [#tpu.dimension_semantics<arbitrary>], iteration_bounds = array<i64: 50>, scalar_prefetch = 0 : i64, scratch_operands = 0 : i64, tpu.core_type = #tpu.core_type<tc>, window_params = [{transform_indices = @transform_0, window_bounds = array<i64: 200, 1024>}, {pipeline_mode = #tpu.pipeline_mode<synchronous>, transform_indices = @transform_1, window_bounds = array<i64: 1024, 768>}, {pipeline_mode = #tpu.pipeline_mode<synchronous>, transform_indices = @transform_2, window_bounds = array<i64: 1, 768>}, {pipeline_mode = #tpu.pipeline_mode<synchronous>, transform_indices = @transform_3, window_bounds = array<i64: 768, 128>}, {pipeline_mode = #tpu.pipeline_mode<synchronous>, transform_indices = @transform_4, window_bounds = array<i64: 1, 128>}, {transform_indices = @transform_5, window_bounds = array<i64: 200, 128>}, {transform_indices = @transform_6, window_bounds = array<i64: 200, 768>}]} {
    %get3A = arith.constant 0 : index
    %get3A_0 = arith.constant 0 : index
    %get3A_1 = vector.load %arg1[%get3A, %get3A_0] : memref<200x1024xf32, #tpu.memory_space<vmem>>, vector<200x1024xf32>
    %get3A_2 = arith.constant 0 : index
    %get3A_3 = arith.constant 0 : index
    %get3A_4 = vector.load %arg2[%get3A_2, %get3A_3] : memref<1024x768xf32, #tpu.memory_space<vmem>>, vector<1024x768xf32>
    %dot_general3A = arith.constant dense<0.000000e+00> : vector<200x768xf32>
    %dot_general3A_5 = tpu.matmul %get3A_1, %get3A_4, %dot_general3A {dimension_numbers = #tpu.dot_dimension_numbers<[1], [0], [0], [1], [0, 0, 1, 1], [], []>, transpose_lhs_hint = false} : vector<200x1024xf32>, vector<1024x768xf32>, vector<200x768xf32> -> vector<200x768xf32>
    %get3A_6 = arith.constant 0 : index
    %get3A_7 = arith.constant 0 : index
    %get3A_8 = vector.load %arg3[%get3A_6, %get3A_7] : memref<1x768xf32, #tpu.memory_space<vmem>>, vector<1x768xf32>
    %add3A = vector.broadcast %get3A_8 : vector<1x768xf32> to vector<200x768xf32>
    %add3A_9 = arith.addf %dot_general3A_5, %add3A : vector<200x768xf32>
    %max3A = arith.constant 0.000000e+00 : f32
    %max3A_10 = vector.broadcast %max3A : f32 to vector<200x768xf32>
    %max3A_11 = arith.maximumf %add3A_9, %max3A_10 : vector<200x768xf32>
    %get3A_12 = arith.constant 0 : index
    %get3A_13 = arith.constant 0 : index
    %get3A_14 = vector.load %arg4[%get3A_12, %get3A_13] : memref<768x128xf32, #tpu.memory_space<vmem>>, vector<768x128xf32>
    %dot_general3A_15 = arith.constant dense<0.000000e+00> : vector<200x128xf32>
    %dot_general3A_16 = tpu.matmul %max3A_11, %get3A_14, %dot_general3A_15 {dimension_numbers = #tpu.dot_dimension_numbers<[1], [0], [0], [1], [0, 0, 1, 1], [], []>, transpose_lhs_hint = false} : vector<200x768xf32>, vector<768x128xf32>, vector<200x128xf32> -> vector<200x128xf32>
    %get3A_17 = arith.constant 0 : index
    %get3A_18 = arith.constant 0 : index
    %get3A_19 = vector.load %arg5[%get3A_17, %get3A_18] : memref<1x128xf32, #tpu.memory_space<vmem>>, vector<1x128xf32>
    %add3A_20 = vector.broadcast %get3A_19 : vector<1x128xf32> to vector<200x128xf32>
    %add3A_21 = arith.addf %dot_general3A_16, %add3A_20 : vector<200x128xf32>
    %slice3A = vector.extract_strided_slice %add3A_21 {offsets = [0, 0], sizes = [200, 1], strides = [1, 1]} : vector<200x128xf32> to vector<200x1xf32>
    %slice3A_22 = vector.extract_strided_slice %add3A_21 {offsets = [0, 1], sizes = [200, 1], strides = [1, 1]} : vector<200x128xf32> to vector<200x1xf32>
    %max3A_23 = arith.maximumf %slice3A, %slice3A_22 : vector<200x1xf32>
    %sub3A = arith.subf %slice3A, %max3A_23 : vector<200x1xf32>
    %exp3A = math.exp %sub3A : vector<200x1xf32>
    %sub3A_24 = arith.subf %slice3A_22, %max3A_23 : vector<200x1xf32>
    %exp3A_25 = math.exp %sub3A_24 : vector<200x1xf32>
    %add3A_26 = arith.addf %exp3A, %exp3A_25 : vector<200x1xf32>
    %log3A = math.log %add3A_26 : vector<200x1xf32>
    %add3A_27 = arith.addf %max3A_23, %log3A : vector<200x1xf32>
    %sub3A_28 = vector.broadcast %add3A_27 : vector<200x1xf32> to vector<200x128xf32>
    %sub3A_29 = arith.subf %add3A_21, %sub3A_28 : vector<200x128xf32>
    %swap3A = arith.constant 0 : index
    %swap3A_30 = arith.constant 0 : index
    %swap3A_31 = vector.load %arg6[%swap3A, %swap3A_30] : memref<200x128xf32, #tpu.memory_space<vmem>>, vector<200x128xf32>
    tpu.vector_store %arg6[%swap3A, %swap3A_30], %sub3A_29 {strides = array<i32>} : memref<200x128xf32, #tpu.memory_space<vmem>>, vector<200x128xf32>,
    %swap3A_32 = arith.constant 0 : index
    %swap3A_33 = arith.constant 0 : index
    %swap3A_34 = vector.load %arg7[%swap3A_32, %swap3A_33] : memref<200x768xf32, #tpu.memory_space<vmem>>, vector<200x768xf32>
    tpu.vector_store %arg7[%swap3A_32, %swap3A_33], %max3A_11 {strides = array<i32>} : memref<200x768xf32, #tpu.memory_space<vmem>>, vector<200x768xf32>,
    return
  }
  func.func @transform_0(%arg0: i32) -> (i32, i32) {
    %c0_i32 = arith.constant 0 : i32
    %c0_i32_0 = arith.constant 0 : i32
    return %arg0, %c0_i32 : i32, i32
  }
  func.func @transform_1(%arg0: i32) -> (i32, i32) {
    %c0_i32 = arith.constant 0 : i32
    %c0_i32_0 = arith.constant 0 : i32
    %c0_i32_1 = arith.constant 0 : i32
    return %c0_i32, %c0_i32_0 : i32, i32
  }
  func.func @transform_2(%arg0: i32) -> (i32, i32) {
    %c0_i32 = arith.constant 0 : i32
    %c0_i32_0 = arith.constant 0 : i32
    %c0_i32_1 = arith.constant 0 : i32
    return %c0_i32, %c0_i32_0 : i32, i32
  }
  func.func @transform_3(%arg0: i32) -> (i32, i32) {
    %c0_i32 = arith.constant 0 : i32
    %c0_i32_0 = arith.constant 0 : i32
    %c0_i32_1 = arith.constant 0 : i32
    return %c0_i32, %c0_i32_0 : i32, i32
  }
  func.func @transform_4(%arg0: i32) -> (i32, i32) {
    %c0_i32 = arith.constant 0 : i32
    %c0_i32_0 = arith.constant 0 : i32
    %c0_i32_1 = arith.constant 0 : i32
    return %c0_i32, %c0_i32_0 : i32, i32
  }
  func.func @transform_5(%arg0: i32) -> (i32, i32) {
    %c0_i32 = arith.constant 0 : i32
    %c0_i32_0 = arith.constant 0 : i32
    return %arg0, %c0_i32 : i32, i32
  }
  func.func @transform_6(%arg0: i32) -> (i32, i32) {
    %c0_i32 = arith.constant 0 : i32
    %c0_i32_0 = arith.constant 0 : i32
    return %arg0, %c0_i32 : i32, i32
  }
}

</mosaic_0001>

<sc_bundles>
// kernel: gather_offload_async_start.1
scs
__scs_entry_jumppad:
0x0: {  	(pc) =	sbr.rel $0x88, $3  }
0x1: {  	(tag) =	ssettag $0x0;
	lr =	simm.s32 $0x1  }
0x2: {  	[smem:$0x3F93] =	sst lr;
	_ =	strace $0xD0000000  }
0x3: {  	_ = 	snop  }
0x4: {  	_ = 	snop  }
0x5: {  	_ = 	snop  }
0x6: {  	_ = 	snop  }
0x7: {  	_ = 	snop  }
__scs_overlays_trampoline_lowered:
0x8: {  	[smem:$0x3FA2] =	sst s0  }
0x9: {  	[smem:$0x3FA3] =	sst s1  }
0xa: {  	[smem:$0x3FA4] =	sst s2  }
0xb: {  	[smem:$0x3FA5] =	sst s3  }
0xc: {  	[smem:$0x3FA6] =	sst s4  }
0xd: {  	[smem:$0x3FA7] =	sst s5  }
0xe: {  	[smem:$0x3FA8] =	sst s6  }
0xf: {  	[smem:$0x3FA9] =	sst s7  }
0x10: {  	[smem:$0x3FAA] =	sst s8  }
0x11: {  	[smem:$0x3FAB] =	sst s9;
	s0 =	simm.s32 @!p0 $0x0  }
0x12: {  	s1 =	sld [smem:$0x3F91];
	s0 =	simm.s32 @p0 $0x1  }
0x13: {  	[smem:$0x3FAC] =	sst s0;
	s0 =	simm.s32 @!p1 $0x0  }
0x14: {  	s2 =	sld [smem:$0x3F90];
	s0 =	simm.s32 @p1 $0x1  }
0x15: {  	[smem:$0x3FAD] =	sst s0;
	s0 =	simm.s32 @!p2 $0x0  }
0x16: {  	s3 =	sld [smem:$0x3FDB];
	s0 =	simm.s32 @p2 $0x1  }
0x17: {  	s4 =	simm.s32 $0x1BF5;
	[smem:$0x3FAF] =	sst s0  }
0x18: {  	s0 =	sld [smem:$0x3F92];
	_ =	swait.ge [sflag:s4], $0x0  }
0x19: {  	s7 =	sld [smem:$0x3F93]  }
0x1a: {  	s8 =	sadd.s32 $0xFFFFE003, lr  }
0x1b: {  	s9 =	sadd.s32 $0xFFFFFEF7, lr;
	s5 =	simm.s32 $0xFFFFFFFF;
	p2 =	slt.u32 s8, $0xFFFFF086  }
0x1c: {  	p1 =	slt.u32 s9, $0xF7A;
	s5 =	simm.s32 @!p2 $0x0  }
0x1d: {  	s5 =	simm.s32 @p1 $0x1;
	p0 =	seq.s32 s7, s2  }
0x1e: {  	s7 =	smul.u32 @!p0 $0xF7A, s2;
	p2 =	seq.s32 @!p0 s5, $0x0  }
0x1f: {  	s9 =	smul.u32 $0xF7A, s1;
	s8 =	simm.s32 @!p0 $0x1BF5;
	p2 =	por !p2, p0  }
0x20: {  	[sflag:s8] =	ssyncset.s32 @!p0 $0xFFFFF086;
	s6 =	sadd.s32 @!p0 s3, s7;
	s7 =	simm.s32 @!p0 $0x108  }
0x21: {  	s3 =	sadd.s32 s3, s9;
	s6 =	sadd.s32 @!p0 $0x88, s6;
	s7 =	simm.s32 @p2 $0x1082  }
0x22: {  	[simem:s7], [sflag:s8] =	dma.local @!p0 [hbm:s6], $0xF7A  }
0x23: {  	s9 =	sor.u32 $0xD0000000, s2;
	s6 =	simm.s32 $0x108;
	_ =	swait.ge @!p0 [sflag:s8], $0x0  }
0x24: {  	s3 =	sadd.s32 $0x88, s3;
	s6 =	simm.s32 @!p1 $0x1082;
	[sflag:s4] =	ssyncset.s32 $0xFFFFF086  }
0x25: {  	[simem:s6], [sflag:s4] =	dma.local [hbm:s3], $0xF7A  }
0x26: {  	[smem:$0x3F93] =	sst s1;
	(tag) =	ssettag s2;
	_ =	strace s9  }
0x27: {  	s1 =	sld [smem:$0x3FA3]  }
0x28: {  	s2 =	sld [smem:$0x3FA4]  }
0x29: {  	s4 =	sld [smem:$0x3FA6]  }
0x2a: {  	p0 =	seq.s32 s5, $0x0;
	s5 =	sld [smem:$0x3FA7]  }
0x2b: {  	s6 =	sld [smem:$0x3FA8]  }
0x2c: {  	s7 =	sld [smem:$0x3FA9]  }
0x2d: {  	s3 =	simm.s32 $0x108;
	s8 =	sld [smem:$0x3FAA]  }
0x2e: {  	s3 =	simm.s32 @!p0 $0x1082;
	s9 =	sld [smem:$0x3FAB]  }
0x2f: {  	lr =	sadd.s32 s0, s3;
	s0 =	sld [smem:$0x3FA2]  }
0x30: {  	s3 =	sld [smem:$0x3FA5]  }
0x31: {  	[smem:$0x3FAE] =	sst s10  }
0x32: {  	s10 =	sld [smem:$0x3FAC];
	_ =	sdelay $0x3  }
0x33: {  	p0 =	seq.s32 s10, $0x1;
	s10 =	sld [smem:$0x3FAE];
	_ =	sdelay $0x3  }
0x34: {  	[smem:$0x3FAE] =	sst s10  }
0x35: {  	s10 =	sld [smem:$0x3FAD];
	_ =	sdelay $0x3  }
0x36: {  	p1 =	seq.s32 s10, $0x1;
	s10 =	sld [smem:$0x3FAE];
	_ =	sdelay $0x3  }
0x37: {  	[smem:$0x3FAE] =	sst s10  }
0x38: {  	s10 =	sld [smem:$0x3FAF]  }
0x39: {  	_ = 	snop;
	(pc) =	sbr.ind lr, $3  }
0x3a: {  	_ = 	snop  }
0x3b: {  	_ = 	snop  }
0x3c: {  	p2 =	seq.s32 s10, $0x1;
	s10 =	sld [smem:$0x3FAE]  }
0x3d: {  	_ =	shalt  }
0x3e: {  	_ =	shalt  }
0x3f: {  	_ =	shalt  }
0x40: {  	_ =	shalt  }
0x41: {  	_ =	shalt  }
0x42: {  	_ =	shalt  }
0x43: {  	_ =	shalt  }
0x44: {  	_ =	shalt  }
0x45: {  	_ =	shalt  }
0x46: {  	_ =	shalt  }
0x47: {  	_ =	shalt  }
0x48: {  	_ =	shalt  }
0x49: {  	_ =	shalt  }
0x4a: {  	_ =	shalt  }
0x4b: {  	_ =	shalt  }
0x4c: {  	_ =	shalt  }
0x4d: {  	_ =	shalt  }
0x4e: {  	_ =	shalt  }
0x4f: {  	_ =	shalt  }
0x50: {  	_ =	shalt  }
0x51: {  	_ =	shalt  }
0x52: {  	_ =	shalt  }
0x53: {  	_ =	shalt  }
0x54: {  	_ =	shalt  }
0x55: {  	_ =	shalt  }
0x56: {  	_ =	shalt  }
0x57: {  	_ =	shalt  }
0x58: {  	_ =	shalt  }
0x59: {  	_ =	shalt  }
0x5a: {  	_ =	shalt  }
0x5b: {  	_ =	shalt  }
0x5c: {  	_ =	shalt  }
0x5d: {  	_ =	shalt  }
0x5e: {  	_ =	shalt  }
0x5f: {  	_ =	shalt  }
0x60: {  	_ =	shalt  }
0x61: {  	_ =	shalt  }
0x62: {  	_ =	shalt  }
0x63: {  	_ =	shalt  }
0x64: {  	_ =	shalt  }
0x65: {  	_ =	shalt  }
0x66: {  	_ =	shalt  }
0x67: {  	_ =	shalt  }
0x68: {  	_ =	shalt  }
0x69: {  	_ =	shalt  }
0x6a: {  	_ =	shalt  }
0x6b: {  	_ =	shalt  }
0x6c: {  	_ =	shalt  }
0x6d: {  	_ =	shalt  }
0x6e: {  	_ =	shalt  }
0x6f: {  	_ =	shalt  }
0x70: {  	_ =	shalt  }
0x71: {  	_ =	shalt  }
0x72: {  	_ =	shalt  }
0x73: {  	_ =	shalt  }
0x74: {  	_ =	shalt  }
0x75: {  	_ =	shalt  }
0x76: {  	_ =	shalt  }
0x77: {  	_ =	shalt  }
0x78: {  	_ =	shalt  }
0x79: {  	_ =	shalt  }
0x7a: {  	_ =	shalt  }
0x7b: {  	_ =	shalt  }
0x7c: {  	_ =	shalt  }
0x7d: {  	_ =	shalt  }
0x7e: {  	_ =	shalt  }
0x7f: {  	_ =	shalt  }
0x80: {  	_ =	shalt  }
0x81: {  	_ =	shalt  }
0x82: {  	_ =	shalt  }
0x83: {  	_ =	shalt  }
0x84: {  	_ =	shalt  }
0x85: {  	_ =	shalt  }
0x86: {  	_ =	shalt  }
0x87: {  	_ =	shalt  }
.Lfunc_end0:
.L_simem_size_0:
called_computation.1_lowered:
.L_overlay_start_0:
0x88: {  	s2 =	sld [smem:$0x3FD9]  }
0x89: {  	s3 =	sld [smem:$0x3FFE];
	_ =	sdelay $0x1  }
0x8a: {  	s1 =	srdreg.scid  }
0x8b: {  	s0 =	sand.u32 $0x1, s1  }
0x8c: {  	s15 =	sshll.u32 s0, $0xA;
	s2 =	sadd.s32 s3, s2  }
0x8d: {  	s2 =	sadd.s32 s2, s15  }
0x8e: {  	[smem:$0x3FBA] =	sst s2  }
0x8f: {  	_ = 	snop  }
0x90: {  	s2 =	sld [smem:$0x3FD0];
	_ =	sdelay $0x2  }
0x91: {  	s16 =	simm.s32 $0xC;
	s4 =	simm.s32 $0x10  }
0x92: {  	[smem:s4], [sflag:s16] =	dma.local [hbm:s2], $0x1  }
0x93: {  	_ =	swait.eq [sflag:s16], $0x1  }
0x94: {  	[sflag:s16] =	ssyncset.done $0x0  }
0x95: {  	[sflag:s16] =	ssyncadd.s32 $0xFFFFFFFF  }
0x96: {  	s17 =	sld [smem:$0x11];
	(tm) =	ssettm $0x1  }
0x97: {  	s18 =	sld [smem:$0x3FFB];
	_ =	sdelay $0x3  }
0x98: {  	_ =	strace s18  }
0x99: {  	s2 =	sld [smem:$0x3FFC];
	_ =	sdelay $0x3  }
0x9a: {  	_ =	strace s2  }
0x9b: {  	s2 =	sld [smem:$0x3FFD];
	_ =	sdelay $0x3  }
0x9c: {  	_ =	strace s2  }
0x9d: {  	_ =	strace $0x8FFFFFFF  }
0x9e: {  	s19 =	sld [smem:$0x3FDB];
	_ =	sdelay $0x1  }
0x9f: {  	s20 =	simm.s32 $_scs_section_size  }
0xa0: {  	s5 =	simm.s32 $_size__tile_overlayer_lowered;
	s6 =	simm.s32 $_tile_overlayer_lowered  }
0xa1: {  	s7 =	simm.s32 $0x1BFF;
	s21 =	sshll.u32 s6, $0x1;
	s4 =	sadd.s32 s20, s19  }
0xa2: {  	s22 =	simm.s32 $0x0;
	s5 =	sshll.u32 s5, $0x1;
	s6 =	sadd.s32 s21, s4  }
0xa3: {  	[timem:s22], [sflag:s7] =	dma.local [hbm:s6], s5  }
0xa4: {  	_ =	swait.ge [sflag:s7], s5  }
0xa5: {  	s5 =	ssub.s32 $0x0, s5;
	[sflag:s7] =	ssyncset.done $0x0  }
0xa6: {  	[sflag:s7] =	ssyncadd.s32 s5;
	_ =	sdelay $0x1  }
0xa7: {  	s23 =	simm.s32 $0x1B8B  }
0xa8: {  	_ =	swait.ge [sflag:s23], $0x1  }
0xa9: {  	[sflag:s23] =	ssyncset.done $0x0  }
0xaa: {  	[sflag:s23] =	ssyncadd.s32 $0xFFFFFFFF  }
0xab: {  	s5 =	sld [smem:$0x0]  }
0xac: {  	s6 =	sand.u32 $0xFFFFFFFE, s1  }
0xad: {  	p0 =	sne.s32 s1, s6  }
0xae: {  	s6 =	sshll.u32 @p0 s6, $0xE  }
0xaf: {  	s6 =	sadd.s32 @p0 $0x11B8D, s6;
	s7 =	sshll.u32 @p0 s5, $0x11  }
0xb0: {  	s6 =	sor.u32 @p0 s7, s6  }
0xb1: {  	[sflag:s6] =	ssyncadd.remote.s32 @p0 $0x1;
	_ =	sdelay $0x1  }
0xb2: {  	s6 =	simm.s32 @p0 $0x1B8D  }
0xb3: {  	_ =	swait.eq @p0 [sflag:s6], $0x1  }
0xb4: {  	[sflag:s6] =	ssyncadd.s32 @p0 $0xFFFFFFFF  }
0xb5: {  	s7 =	sshll.u32 @!p0 s1, $0xE  }
0xb6: {  	s7 =	sor.u32 @!p0 $0x4000, s7;
	s6 =	simm.s32 @!p0 $0x1B8D  }
0xb7: {  	s5 =	sshll.u32 @!p0 s5, $0x11;
	s7 =	sadd.s32 @!p0 $0x11B8D, s7;
	_ =	swait.eq @!p0 [sflag:s6], $0x1  }
0xb8: {  	s5 =	sor.u32 @!p0 s5, s7;
	[sflag:s6] =	ssyncadd.s32 @!p0 $0xFFFFFFFF  }
0xb9: {  	s25 =	simm.s32 $0x1B8E;
	s24 =	sld [smem:$0x3FFE];
	[sflag:s5] =	ssyncadd.remote.s32 @!p0 $0x1  }
0xba: {  	s26 =	simm.s32 $execute0_lowered;
	[smem:$0x3FD2] =	sst s25  }
0xbb: {  	s6 =	sshll.u32 s26, $0x1;
	_ =	strace $0x80000049;
	[dreg:$0x1] =	wrdreg $0xFFFFFFFF  }
0xbc: {  	s28 =	simm.s32 $_size_execute0_lowered;
	s4 =	sadd.s32 s4, s6;
	[dreg:$0x0] =	wrdreg $0x0  }
0xbd: {  	s6 =	sshll.u32 s28, $0x1;
	[dreg:$0x2] =	wrdreg s4  }
0xbe: {  	[dreg:$0x3] =	wrdreg s6  }
0xbf: {  	[dreg:$0x4] =	wrdreg $0xC0  }
0xc0: {  	_ =	task [dreg:s22], $0x5FFFF  }
0xc1: {  	[dreg:$0x1] =	wrdreg $0xFFFFFFFF  }
0xc2: {  	[dreg:$0x0] =	wrdreg $0x60  }
0xc3: {  	[dreg:$0x2] =	wrdreg s24  }
0xc4: {  	[dreg:$0x3] =	wrdreg s17  }
0xc5: {  	[dreg:$0x4] =	wrdreg $0xA  }
0xc6: {  	_ =	task.clear_ibuf [dreg:s22], $0x5FFFF;
	_ =	strace $0x90000049  }
0xc7: {  	s29 =	simm.s32 $0xA;
	_ =	strace $0x8000004B  }
0xc8: {  	_ =	swait.ge [sflag:s29], $0x1  }
0xc9: {  	[sflag:s29] =	ssyncadd.s32 $0xFFFFFFFF  }
0xca: {  	_ =	strace $0x9000004B  }
0xcb: {  	_ =	sfence  }
0xcc: {  	s30 =	sld [smem:$0x0];
	_ =	sdelay $0x2  }
0xcd: {  	s31 =	sshll.u32 s1, $0xD;
	s1 =	sshrl.u32 s1, $0x2  }
0xce: {  	s4 =	sand.u32 $0x4000, s31;
	s1 =	sadd.s32 s1, s30  }
0xcf: {  	s0 =	sor.u32 s4, s0;
	s1 =	sshll.u32 s1, $0x11  }
0xd0: {  	s0 =	sor.u32 s1, s0  }
0xd1: {  	s0 =	sadd.s32 $0x8F2B, s0  }
0xd2: {  	[sflag:s0] =	ssyncadd.remote.s32 $0x1  }
0xd3: {  	_ =	sfence.sel $0xFFFF  }
0xd4: {  	[dreg:$0x0] =	wrdreg $0xFFFFFFFF;
	(pc) =	sbr.abs _section_cstart, $3  }
0xd5: {  	[dreg:$0x1] =	wrdreg $0xFFFFFFFF  }
0xd6: {  	_ =	task.clear_ibuf [dreg:s22], $0x2FFFF;
	_ =	strace $0x9FFFFFFF  }
0xd7: {  	(tm) =	ssettm $0x7FFFFFFF  }
tec
execute0_lowered:
.L_overlay_start_1:
0x0: {  	(tag) =	ssettag $0x1  }
0x1: {  	s8 =	rddreg [dreg:$0x0]  }
0x2: {  	s2 =	rddreg [dreg:$0x1]  }
0x3: {  	s0 =	rddreg [dreg:$0x2];
	s1 =	stileid.u32  }
0x4: {  	s3 =	srdreg.scid;
	_ =	strace $0x8000004A;
	s4 =	simm.s32 $0x1  }
0x5: {  	s7 =	simm.s32 $0x1;
	s9 =	simm.s32 $0x1;
	s10 =	simm.s32 $0x3  }
0x6: {  	s13 =	simm.s32 $0x0;
	s5 =	sand.u32 $0x1, s3;
	s6 =	sshll.u32 s1, $0x1  }
0x7: {  	s12 =	simm.s32 $0x0;
	s3 =	sadd.s32 $0x5C00, s8;
	s5 =	sor.u32 s6, s5  }
.Ltmp0:
0x8: {  	[sflag:s4] =	ssyncpa.u1 $0x0;
	p0 =	slt.u32 s5, $0x9;
	(pc) =	sbr.rel .LBB2_1-.Ltmp0, $4  }
0x9: {  	s6 =	simm.s32 $0x2;
	s7 =	simm.s32 @!p0 $0x0;
	p0 =	sne.s32 s5, $0x8  }
0xa: {  	[sflag:s6] =	ssyncpa.u1 $0x0;
	s5 =	smul.u32 $0xFA0, s5;
	s9 =	simm.s32 @!p0 $0x0  }
0xb: {  	s8 =	sadd.s32 $0xFC00, s8;
	[sflag:s10] =	ssyncpa.u1 $0x0;
	s7 =	sadd.s32 s9, s7  }
0xc: {  	vm0 =	vmmov $0xffff;
	s10 =	simm.s32 $0x0;
	s11 =	smov.u32 s5;
	s9 =	sadd.s32 $0x1, s7  }
.LBB2_4:
0xd: {  	v2 =	vnsel vm1, $0x0, v2  }
0xe: {  	vm1 =	vgt.s32 v0, $0x0;
	v2 =	vmin.u32 v2, $0x270FF  }
0xf: {  	v0 =	vnsel vm1, $0x0, v0  }
0x10: {  	v0 =	vmin.u32 v0, $0x270FF  }
0x11: {  	[tilespmem:s18], [sflag:$0x1] =	stream.indirect_vreg.gather [hbm4b:s3+s10], $0x1, v1, vm0, $0x4038;
	[tilespmem:$0x3E80] =	vst v63  }
0x12: {  	(ifvalue) =	ssetifvalue $0x7FFFFFFF  }
0x13: {  	[tilespmem:s15], [sflag:$0x1] =	stream.indirect_vreg.gather [hbm4b:s3+s10], $0x1, v2, vm0, $0x4038;
	[tilespmem:$0x3E80] =	vst v63  }
0x14: {  	s29 =	sadd.s32 $0x10, s15;
	(ifvalue) =	ssetifvalue $0x7FFFFFFF  }
0x15: {  	[tilespmem:s29], [sflag:$0x1] =	stream.indirect_vreg.gather [hbm4b:s3+s10], $0x1, v0, vm0, $0x4038;
	[tilespmem:$0x3E80] =	vst v63  }
0x16: {  	_ =	swait.ge [sflag:s4], $0xFA0  }
0x17: {  	s30 =	sshrl.u32 s13, $0x3;
	[sflag:s4] =	ssyncset.done $0x0  }
0x18: {  	s31 =	sand.u32 $0x7, s13;
	s15 =	sadd.s32 s2, s30;
	[sflag:s4] =	ssyncadd.s32 $0xFFFFF060  }
0x19: {  	[hbm4b:s15+s31] =	stream.linear.scatter [tilespmem:s14], [sflag:$0x3], $0xFA0, $0x38;
	[tilespmem:$0x3E80] =	vst v63  }
.LBB2_5:
0x1a: {  	s15 =	sadd.s32 $0x1F400, s11  }
0x1b: {  	p1 =	sgt.s32 s15, $0x270FF  }
0x1c: {  	s15 =	smov.u32 @p1 s5;
	p1 =	sne.s32 s12, s9  }
.Ltmp1:
0x1d: {  	p0 =	slt.u32 s12, $0x2;
	(pc) =	sbr.rel @!p1 .LBB2_6-.Ltmp1, $4  }
0x1e: {  	s14 =	simm.s32 @!p0 $0x3  }
0x1f: {  	_ =	swait.ge @!p0 [sflag:s14], $0xFA0  }
0x20: {  	s16 =	sadd.s32 $0x1, s12;
	s13 =	smov.u32 s11;
	[sflag:s14] =	ssyncset.done @!p0 $0x0  }
0x21: {  	s12 =	smov.u32 s16;
	s11 =	smov.u32 s15;
	[sflag:s14] =	ssyncadd.s32 @!p0 $0xFFFFF060  }
.LBB2_1:
0x22: {  	p0 =	sge.u32 s12, s7  }
0x23: {  	s14 =	sxor.u32 @!p0 $0x1, s12  }
0x24: {  	s14 =	smul.u32 @!p0 $0x3E80, s14  }
0x25: {  	s31 =	sadd.s32 $0xFFFFFFFF, s12;
	s15 =	sshrl.u32 @!p0 s11, $0x3  }
0x26: {  	s16 =	sand.u32 @!p0 $0x7, s11;
	s15 =	sadd.s32 @!p0 s8, s15;
	s14 =	sshra.s32 @!p0 s14, $0x2  }
0x27: {  	[tilespmem:s14], [sflag:$0x2] =	stream.linear.gather @!p0 [hbm4b:s15+s16], $0xFA0, $0x38;
	[tilespmem:$0x3E80] =	vst v63  }
0x28: {  	p0 =	sge.u32 s31, s7  }
.Ltmp2:
0x29: {  	_ = 	snop;
	(pc) =	sbr.rel @p0 .LBB2_5-.Ltmp2, $1  }
0x2a: {  	_ =	sdelay $0x3  }
0x2b: {  	s14 =	sand.u32 $0x1, s12  }
0x2c: {  	_ =	swait.ge [sflag:s6], $0xFA0;
	p0 =	seq.s32 s14, $0x1;
	s14 =	simm.s32 $0xFA0  }
0x2d: {  	[sflag:s6] =	ssyncset.done $0x0;
	s14 =	simm.s32 @!p0 $0x0  }
0x2e: {  	[sflag:s6] =	ssyncadd.s32 $0xFFFFF060;
	(ifvalue) =	ssetifvalue $0x7FFFFFFF;
	v0 =	vld.msk [tilespmem:s14+$0x0 ss:$0x1], $0xffff;
	_ =	sdelay $0x4  }
0x2f: {  	s15 =	sadd.s32 $0x10, s14;
	vm1 =	vgt.s32 v0, $0x0  }
0x30: {  	v2 =	vld.msk [tilespmem:s15+$0x0 ss:$0x1], $0xffff;
	v1 =	vnsel vm1, $0x0, v0  }
0x31: {  	v1 =	vmin.u32 v1, $0x270FF;
	_ =	sdelay $0x2  }
0x32: {  	s17 =	simm.s32 $0x20;
	s14 =	sadd.s32 $0x1F40, s14;
	s16 =	sadd.s32 $0x10, s15  }
0x33: {  	s15 =	sadd.s32 $0x10, s14;
	s18 =	smov.u32 s14;
	v0 =	vld.msk [tilespmem:s16+$0x0 ss:$0x1], $0xffff;
	vm1 =	vgt.s32 v2, $0x0;
	(ifvalue) =	ssetifvalue $0x7FFFFFFF  }
.LBB2_3:
0x34: {  	[tilespmem:s18], [sflag:$0x1] =	stream.indirect_vreg.gather [hbm4b:s3+s10], $0x1, v1, vm0, $0x4038;
	[tilespmem:$0x3E80] =	vst v63  }
0x35: {  	s17 =	sadd.s32 $0x10, s17  }
0x36: {  	v2 =	vnsel vm1, $0x0, v2;
	p0 =	slt.u32 s17, $0xF90  }
.Ltmp3:
0x37: {  	s18 =	smov.u32 s15;
	v1 =	vmin.u32 v2, $0x270FF;
	(pc) =	sbr.rel @p0 .LBB2_3-.Ltmp3, $3  }
0x38: {  	_ =	sdelay $0x1  }
0x39: {  	s16 =	sadd.s32 $0x10, s16  }
0x3a: {  	vm1 =	vgt.s32 v0, $0x0;
	s15 =	sadd.s32 $0x10, s15;
	v2 =	vmov v0;
	(ifvalue) =	ssetifvalue $0x7FFFFFFF;
	v0 =	vld.msk [tilespmem:s16+$0x0 ss:$0x1], $0xffff  }
.Ltmp4:
0x3b: {  	_ = 	snop;
	(pc) =	sbr.rel .LBB2_4-.Ltmp4, $1  }
0x3c: {  	_ =	sdelay $0x3  }
.LBB2_6:
0x3d: {  	_ =	sfence.sel $0x180000  }
0x3e: {  	s2 =	simm.s32 $0x2;
	[bflag:$0x0] =	sbarrier.arrive $0xFFFF  }
0x3f: {  	s30 =	simm.s32 $0x3;
	[sflag:s2] =	ssyncpa.u1 $0x1  }
0x40: {  	s31 =	simm.s32 $0x1;
	[sflag:s30] =	ssyncpa.u1 $0x1  }
0x41: {  	[sflag:s31] =	ssyncpa.u1 $0x1  }
0x42: {  	p0 =	sne.s32 s1, $0x0;
	_ =	strace $0x9000004A  }
0x43: {  	s0 =	sadd.s32 @!p0 $0x100000, s0;
	[bflag:$0x2] =	sbarrier.arrive $0xFFFF  }
0x44: {  	[sflag:s0] =	ssyncadd.tile.s32 @!p0 $0x1;
	_ =	shalt  }
.Lfunc_end2:
_tile_overlayer_lowered:
.L_overlay_start_2:
0x45: {  	(tag) =	ssettag $0x2  }
0x46: {  	s0 =	rddreg [dreg:$0x0];
	s2 =	stileid.u32  }
0x47: {  	s1 =	rddreg [dreg:$0x1];
	p0 =	sne.s32 s2, $0x0  }
0x48: {  	s3 =	rddreg [dreg:$0x2];
	[bflag:$0x3] =	sbarrier.arrive $0xFFFF;
	s2 =	simm.s32 @!p0 $0x1C01  }
0x49: {  	[timem:s3], [sflag:s2] =	dma.local @!p0 [hbm:s0], s1  }
0x4a: {  	s0 =	simm.s32 @!p0 $0x1  }
0x4b: {  	_ =	swait.ge @!p0 [sflag:s0], s1  }
0x4c: {  	s1 =	ssub.s32 @!p0 $0x0, s1;
	[sflag:s0] =	ssyncset.done @!p0 $0x0  }
0x4d: {  	[sflag:s0] =	ssyncadd.s32 @!p0 s1  }
0x4e: {  	[bflag:$0x3] =	sbarrier.arrive $0xFFFF  }
0x4f: {  	_ =	shalt  }

// kernel: gather_offload_async_start.2
scs
__scs_entry_jumppad:
0x0: {  	(pc) =	sbr.rel $0x88, $3  }
0x1: {  	(tag) =	ssettag $0x0;
	lr =	simm.s32 $0x1  }
0x2: {  	[smem:$0x3F93] =	sst lr;
	_ =	strace $0xD0000000  }
0x3: {  	_ = 	snop  }
0x4: {  	_ = 	snop  }
0x5: {  	_ = 	snop  }
0x6: {  	_ = 	snop  }
0x7: {  	_ = 	snop  }
__scs_overlays_trampoline_lowered:
0x8: {  	[smem:$0x3FA2] =	sst s0  }
0x9: {  	[smem:$0x3FA3] =	sst s1  }
0xa: {  	[smem:$0x3FA4] =	sst s2  }
0xb: {  	[smem:$0x3FA5] =	sst s3  }
0xc: {  	[smem:$0x3FA6] =	sst s4  }
0xd: {  	[smem:$0x3FA7] =	sst s5  }
0xe: {  	[smem:$0x3FA8] =	sst s6  }
0xf: {  	[smem:$0x3FA9] =	sst s7  }
0x10: {  	[smem:$0x3FAA] =	sst s8  }
0x11: {  	[smem:$0x3FAB] =	sst s9;
	s0 =	simm.s32 @!p0 $0x0  }
0x12: {  	s1 =	sld [smem:$0x3F91];
	s0 =	simm.s32 @p0 $0x1  }
0x13: {  	[smem:$0x3FAC] =	sst s0;
	s0 =	simm.s32 @!p1 $0x0  }
0x14: {  	s2 =	sld [smem:$0x3F90];
	s0 =	simm.s32 @p1 $0x1  }
0x15: {  	[smem:$0x3FAD] =	sst s0;
	s0 =	simm.s32 @!p2 $0x0  }
0x16: {  	s3 =	sld [smem:$0x3FDB];
	s0 =	simm.s32 @p2 $0x1  }
0x17: {  	s4 =	simm.s32 $0x1BF5;
	[smem:$0x3FAF] =	sst s0  }
0x18: {  	s0 =	sld [smem:$0x3F92];
	_ =	swait.ge [sflag:s4], $0x0  }
0x19: {  	s7 =	sld [smem:$0x3F93]  }
0x1a: {  	s8 =	sadd.s32 $0xFFFFE003, lr  }
0x1b: {  	s9 =	sadd.s32 $0xFFFFFEF7, lr;
	s5 =	simm.s32 $0xFFFFFFFF;
	p2 =	slt.u32 s8, $0xFFFFF086  }
0x1c: {  	p1 =	slt.u32 s9, $0xF7A;
	s5 =	simm.s32 @!p2 $0x0  }
0x1d: {  	s5 =	simm.s32 @p1 $0x1;
	p0 =	seq.s32 s7, s2  }
0x1e: {  	s7 =	smul.u32 @!p0 $0xF7A, s2;
	p2 =	seq.s32 @!p0 s5, $0x0  }
0x1f: {  	s9 =	smul.u32 $0xF7A, s1;
	s8 =	simm.s32 @!p0 $0x1BF5;
	p2 =	por !p2, p0  }
0x20: {  	[sflag:s8] =	ssyncset.s32 @!p0 $0xFFFFF086;
	s6 =	sadd.s32 @!p0 s3, s7;
	s7 =	simm.s32 @!p0 $0x108  }
0x21: {  	s3 =	sadd.s32 s3, s9;
	s6 =	sadd.s32 @!p0 $0x88, s6;
	s7 =	simm.s32 @p2 $0x1082  }
0x22: {  	[simem:s7], [sflag:s8] =	dma.local @!p0 [hbm:s6], $0xF7A  }
0x23: {  	s9 =	sor.u32 $0xD0000000, s2;
	s6 =	simm.s32 $0x108;
	_ =	swait.ge @!p0 [sflag:s8], $0x0  }
0x24: {  	s3 =	sadd.s32 $0x88, s3;
	s6 =	simm.s32 @!p1 $0x1082;
	[sflag:s4] =	ssyncset.s32 $0xFFFFF086  }
0x25: {  	[simem:s6], [sflag:s4] =	dma.local [hbm:s3], $0xF7A  }
0x26: {  	[smem:$0x3F93] =	sst s1;
	(tag) =	ssettag s2;
	_ =	strace s9  }
0x27: {  	s1 =	sld [smem:$0x3FA3]  }
0x28: {  	s2 =	sld [smem:$0x3FA4]  }
0x29: {  	s4 =	sld [smem:$0x3FA6]  }
0x2a: {  	p0 =	seq.s32 s5, $0x0;
	s5 =	sld [smem:$0x3FA7]  }
0x2b: {  	s6 =	sld [smem:$0x3FA8]  }
0x2c: {  	s7 =	sld [smem:$0x3FA9]  }
0x2d: {  	s3 =	simm.s32 $0x108;
	s8 =	sld [smem:$0x3FAA]  }
0x2e: {  	s3 =	simm.s32 @!p0 $0x1082;
	s9 =	sld [smem:$0x3FAB]  }
0x2f: {  	lr =	sadd.s32 s0, s3;
	s0 =	sld [smem:$0x3FA2]  }
0x30: {  	s3 =	sld [smem:$0x3FA5]  }
0x31: {  	[smem:$0x3FAE] =	sst s10  }
0x32: {  	s10 =	sld [smem:$0x3FAC];
	_ =	sdelay $0x3  }
0x33: {  	p0 =	seq.s32 s10, $0x1;
	s10 =	sld [smem:$0x3FAE];
	_ =	sdelay $0x3  }
0x34: {  	[smem:$0x3FAE] =	sst s10  }
0x35: {  	s10 =	sld [smem:$0x3FAD];
	_ =	sdelay $0x3  }
0x36: {  	p1 =	seq.s32 s10, $0x1;
	s10 =	sld [smem:$0x3FAE];
	_ =	sdelay $0x3  }
0x37: {  	[smem:$0x3FAE] =	sst s10  }
0x38: {  	s10 =	sld [smem:$0x3FAF]  }
0x39: {  	_ = 	snop;
	(pc) =	sbr.ind lr, $3  }
0x3a: {  	_ = 	snop  }
0x3b: {  	_ = 	snop  }
0x3c: {  	p2 =	seq.s32 s10, $0x1;
	s10 =	sld [smem:$0x3FAE]  }
0x3d: {  	_ =	shalt  }
0x3e: {  	_ =	shalt  }
0x3f: {  	_ =	shalt  }
0x40: {  	_ =	shalt  }
0x41: {  	_ =	shalt  }
0x42: {  	_ =	shalt  }
0x43: {  	_ =	shalt  }
0x44: {  	_ =	shalt  }
0x45: {  	_ =	shalt  }
0x46: {  	_ =	shalt  }
0x47: {  	_ =	shalt  }
0x48: {  	_ =	shalt  }
0x49: {  	_ =	shalt  }
0x4a: {  	_ =	shalt  }
0x4b: {  	_ =	shalt  }
0x4c: {  	_ =	shalt  }
0x4d: {  	_ =	shalt  }
0x4e: {  	_ =	shalt  }
0x4f: {  	_ =	shalt  }
0x50: {  	_ =	shalt  }
0x51: {  	_ =	shalt  }
0x52: {  	_ =	shalt  }
0x53: {  	_ =	shalt  }
0x54: {  	_ =	shalt  }
0x55: {  	_ =	shalt  }
0x56: {  	_ =	shalt  }
0x57: {  	_ =	shalt  }
0x58: {  	_ =	shalt  }
0x59: {  	_ =	shalt  }
0x5a: {  	_ =	shalt  }
0x5b: {  	_ =	shalt  }
0x5c: {  	_ =	shalt  }
0x5d: {  	_ =	shalt  }
0x5e: {  	_ =	shalt  }
0x5f: {  	_ =	shalt  }
0x60: {  	_ =	shalt  }
0x61: {  	_ =	shalt  }
0x62: {  	_ =	shalt  }
0x63: {  	_ =	shalt  }
0x64: {  	_ =	shalt  }
0x65: {  	_ =	shalt  }
0x66: {  	_ =	shalt  }
0x67: {  	_ =	shalt  }
0x68: {  	_ =	shalt  }
0x69: {  	_ =	shalt  }
0x6a: {  	_ =	shalt  }
0x6b: {  	_ =	shalt  }
0x6c: {  	_ =	shalt  }
0x6d: {  	_ =	shalt  }
0x6e: {  	_ =	shalt  }
0x6f: {  	_ =	shalt  }
0x70: {  	_ =	shalt  }
0x71: {  	_ =	shalt  }
0x72: {  	_ =	shalt  }
0x73: {  	_ =	shalt  }
0x74: {  	_ =	shalt  }
0x75: {  	_ =	shalt  }
0x76: {  	_ =	shalt  }
0x77: {  	_ =	shalt  }
0x78: {  	_ =	shalt  }
0x79: {  	_ =	shalt  }
0x7a: {  	_ =	shalt  }
0x7b: {  	_ =	shalt  }
0x7c: {  	_ =	shalt  }
0x7d: {  	_ =	shalt  }
0x7e: {  	_ =	shalt  }
0x7f: {  	_ =	shalt  }
0x80: {  	_ =	shalt  }
0x81: {  	_ =	shalt  }
0x82: {  	_ =	shalt  }
0x83: {  	_ =	shalt  }
0x84: {  	_ =	shalt  }
0x85: {  	_ =	shalt  }
0x86: {  	_ =	shalt  }
0x87: {  	_ =	shalt  }
.Lfunc_end0:
.L_simem_size_0:
called_computation.2_lowered:
.L_overlay_start_0:
0x88: {  	s2 =	sld [smem:$0x3FD9]  }
0x89: {  	s3 =	sld [smem:$0x3FFE];
	_ =	sdelay $0x1  }
0x8a: {  	s1 =	srdreg.scid  }
0x8b: {  	s0 =	sand.u32 $0x1, s1  }
0x8c: {  	s17 =	sshll.u32 s0, $0xA;
	s2 =	sadd.s32 s3, s2  }
0x8d: {  	s2 =	sadd.s32 s2, s17  }
0x8e: {  	[smem:$0x3FBA] =	sst s2  }
0x8f: {  	_ = 	snop  }
0x90: {  	s2 =	sld [smem:$0x3FC7];
	(tm) =	ssettm $0x1  }
0x91: {  	s18 =	sld [smem:$0x3FFB];
	_ =	sdelay $0x3  }
0x92: {  	_ =	strace s18  }
0x93: {  	s3 =	sld [smem:$0x3FFC];
	_ =	sdelay $0x3  }
0x94: {  	_ =	strace s3  }
0x95: {  	s3 =	sld [smem:$0x3FFD];
	_ =	sdelay $0x3  }
0x96: {  	_ =	strace s3  }
0x97: {  	_ =	strace $0x8FFFFFFF  }
0x98: {  	s19 =	sld [smem:$0x3FDB];
	_ =	sdelay $0x1  }
0x99: {  	s4 =	simm.s32 $_scs_section_size  }
0x9a: {  	s5 =	simm.s32 $_size__tile_overlayer_lowered;
	s6 =	simm.s32 $_tile_overlayer_lowered  }
0x9b: {  	s22 =	simm.s32 $0x1BFF;
	s21 =	sshll.u32 s6, $0x1;
	s3 =	sadd.s32 s4, s19  }
0x9c: {  	s7 =	simm.s32 $0x0;
	s20 =	sshll.u32 s5, $0x1;
	s5 =	sadd.s32 s21, s3  }
0x9d: {  	[timem:s7], [sflag:s22] =	dma.local [hbm:s5], s20  }
0x9e: {  	_ =	swait.ge [sflag:s22], s20  }
0x9f: {  	s4 =	ssub.s32 $0x0, s20;
	[sflag:s22] =	ssyncset.done $0x0  }
0xa0: {  	[sflag:s22] =	ssyncadd.s32 s4;
	_ =	sdelay $0x1  }
0xa1: {  	s23 =	simm.s32 $0x1B8B  }
0xa2: {  	_ =	swait.ge [sflag:s23], $0x1  }
0xa3: {  	[sflag:s23] =	ssyncset.done $0x0  }
0xa4: {  	s25 =	simm.s32 $0x1B8E;
	s24 =	sld [smem:$0x3FFE];
	[sflag:s23] =	ssyncadd.s32 $0xFFFFFFFF  }
0xa5: {  	s26 =	simm.s32 $execute0_lowered;
	[smem:$0x3FD2] =	sst s25  }
0xa6: {  	s5 =	sshll.u32 s26, $0x1;
	_ =	strace $0x80000046;
	[dreg:$0x1] =	wrdreg $0xFFFFFFFF  }
0xa7: {  	s28 =	simm.s32 $_size_execute0_lowered;
	s3 =	sadd.s32 s3, s5;
	[dreg:$0x0] =	wrdreg $0x0  }
0xa8: {  	s5 =	sshll.u32 s28, $0x1;
	[dreg:$0x2] =	wrdreg s3  }
0xa9: {  	[dreg:$0x3] =	wrdreg s5  }
0xaa: {  	[dreg:$0x4] =	wrdreg $0xC0  }
0xab: {  	_ =	task [dreg:s7], $0x5FFFF  }
0xac: {  	[dreg:$0x1] =	wrdreg $0xFFFFFFFF  }
0xad: {  	[dreg:$0x0] =	wrdreg $0x60  }
0xae: {  	[dreg:$0x2] =	wrdreg s2  }
0xaf: {  	[dreg:$0x3] =	wrdreg s24  }
0xb0: {  	[dreg:$0x4] =	wrdreg $0xB  }
0xb1: {  	_ =	task.clear_ibuf [dreg:s7], $0x5FFFF;
	_ =	strace $0x90000046  }
0xb2: {  	s29 =	simm.s32 $0xB;
	_ =	strace $0x80000048  }
0xb3: {  	_ =	swait.ge [sflag:s29], $0x1  }
0xb4: {  	[sflag:s29] =	ssyncadd.s32 $0xFFFFFFFF  }
0xb5: {  	_ =	strace $0x90000048  }
0xb6: {  	_ =	sfence  }
0xb7: {  	s30 =	sld [smem:$0x0];
	_ =	sdelay $0x2  }
0xb8: {  	s31 =	sshll.u32 s1, $0xD;
	s1 =	sshrl.u32 s1, $0x2  }
0xb9: {  	s3 =	sand.u32 $0x4000, s31;
	s1 =	sadd.s32 s1, s30  }
0xba: {  	s0 =	sor.u32 s3, s0;
	s1 =	sshll.u32 s1, $0x11  }
0xbb: {  	s0 =	sor.u32 s1, s0  }
0xbc: {  	s0 =	sadd.s32 $0x8F2B, s0  }
0xbd: {  	[sflag:s0] =	ssyncadd.remote.s32 $0x1  }
0xbe: {  	_ =	sfence.sel $0xFFFF  }
0xbf: {  	[dreg:$0x0] =	wrdreg $0xFFFFFFFF;
	(pc) =	sbr.abs _section_cstart, $3  }
0xc0: {  	[dreg:$0x1] =	wrdreg $0xFFFFFFFF  }
0xc1: {  	_ =	task.clear_ibuf [dreg:s7], $0x2FFFF;
	_ =	strace $0x9FFFFFFF  }
0xc2: {  	(tm) =	ssettm $0x7FFFFFFF  }
0xc3: {  	_ =	shalt  }
tec
execute0_lowered:
.L_overlay_start_1:
0x0: {  	(tag) =	ssettag $0x1  }
0x1: {  	s2 =	rddreg [dreg:$0x0]  }
0x2: {  	s8 =	rddreg [dreg:$0x1]  }
0x3: {  	s0 =	rddreg [dreg:$0x2];
	s1 =	stileid.u32  }
0x4: {  	s3 =	srdreg.scid;
	_ =	strace $0x80000047;
	s4 =	simm.s32 $0x1  }
0x5: {  	s7 =	simm.s32 $0x1;
	s9 =	simm.s32 $0x1;
	s10 =	simm.s32 $0x3  }
0x6: {  	s13 =	simm.s32 $0x0;
	s5 =	sand.u32 $0x1, s3;
	s6 =	sshll.u32 s1, $0x1  }
0x7: {  	s12 =	simm.s32 $0x0;
	s3 =	sadd.s32 $0xFC00, s8;
	s5 =	sor.u32 s6, s5  }
.Ltmp0:
0x8: {  	[sflag:s4] =	ssyncpa.u1 $0x0;
	p0 =	slt.u32 s5, $0x9;
	(pc) =	sbr.rel .LBB2_1-.Ltmp0, $4  }
0x9: {  	s6 =	simm.s32 $0x2;
	s7 =	simm.s32 @!p0 $0x0;
	p0 =	sne.s32 s5, $0x8  }
0xa: {  	[sflag:s6] =	ssyncpa.u1 $0x0;
	s5 =	smul.u32 $0xFA0, s5;
	s9 =	simm.s32 @!p0 $0x0  }
0xb: {  	s8 =	sadd.s32 $0x14C00, s8;
	[sflag:s10] =	ssyncpa.u1 $0x0;
	s7 =	sadd.s32 s9, s7  }
0xc: {  	vm0 =	vmmov $0xffff;
	s10 =	simm.s32 $0x0;
	s11 =	smov.u32 s5;
	s9 =	sadd.s32 $0x1, s7  }
.LBB2_4:
0xd: {  	v2 =	vnsel vm1, $0x0, v2  }
0xe: {  	vm1 =	vgt.s32 v0, $0x0;
	v2 =	vmin.u32 v2, $0x270FF  }
0xf: {  	v0 =	vnsel vm1, $0x0, v0  }
0x10: {  	v0 =	vmin.u32 v0, $0x270FF  }
0x11: {  	[tilespmem:s18], [sflag:$0x1] =	stream.indirect_vreg.gather [hbm4b:s2+s10], $0x1, v1, vm0, $0x4038;
	[tilespmem:$0x3E80] =	vst v63  }
0x12: {  	(ifvalue) =	ssetifvalue $0x7FFFFFFF  }
0x13: {  	[tilespmem:s15], [sflag:$0x1] =	stream.indirect_vreg.gather [hbm4b:s2+s10], $0x1, v2, vm0, $0x4038;
	[tilespmem:$0x3E80] =	vst v63  }
0x14: {  	s29 =	sadd.s32 $0x10, s15;
	(ifvalue) =	ssetifvalue $0x7FFFFFFF  }
0x15: {  	[tilespmem:s29], [sflag:$0x1] =	stream.indirect_vreg.gather [hbm4b:s2+s10], $0x1, v0, vm0, $0x4038;
	[tilespmem:$0x3E80] =	vst v63  }
0x16: {  	_ =	swait.ge [sflag:s4], $0xFA0  }
0x17: {  	s30 =	sshrl.u32 s13, $0x3;
	[sflag:s4] =	ssyncset.done $0x0  }
0x18: {  	s31 =	sand.u32 $0x7, s13;
	s15 =	sadd.s32 s8, s30;
	[sflag:s4] =	ssyncadd.s32 $0xFFFFF060  }
0x19: {  	[hbm4b:s15+s31] =	stream.linear.scatter [tilespmem:s14], [sflag:$0x3], $0xFA0, $0x38;
	[tilespmem:$0x3E80] =	vst v63  }
.LBB2_5:
0x1a: {  	s15 =	sadd.s32 $0x1F400, s11  }
0x1b: {  	p1 =	sgt.s32 s15, $0x270FF  }
0x1c: {  	s15 =	smov.u32 @p1 s5;
	p1 =	sne.s32 s12, s9  }
.Ltmp1:
0x1d: {  	p0 =	slt.u32 s12, $0x2;
	(pc) =	sbr.rel @!p1 .LBB2_6-.Ltmp1, $4  }
0x1e: {  	s14 =	simm.s32 @!p0 $0x3  }
0x1f: {  	_ =	swait.ge @!p0 [sflag:s14], $0xFA0  }
0x20: {  	s16 =	sadd.s32 $0x1, s12;
	s13 =	smov.u32 s11;
	[sflag:s14] =	ssyncset.done @!p0 $0x0  }
0x21: {  	s12 =	smov.u32 s16;
	s11 =	smov.u32 s15;
	[sflag:s14] =	ssyncadd.s32 @!p0 $0xFFFFF060  }
.LBB2_1:
0x22: {  	p0 =	sge.u32 s12, s7  }
0x23: {  	s14 =	sxor.u32 @!p0 $0x1, s12  }
0x24: {  	s14 =	smul.u32 @!p0 $0x3E80, s14  }
0x25: {  	s31 =	sadd.s32 $0xFFFFFFFF, s12;
	s15 =	sshrl.u32 @!p0 s11, $0x3  }
0x26: {  	s16 =	sand.u32 @!p0 $0x7, s11;
	s15 =	sadd.s32 @!p0 s3, s15;
	s14 =	sshra.s32 @!p0 s14, $0x2  }
0x27: {  	[tilespmem:s14], [sflag:$0x2] =	stream.linear.gather @!p0 [hbm4b:s15+s16], $0xFA0, $0x38;
	[tilespmem:$0x3E80] =	vst v63  }
0x28: {  	p0 =	sge.u32 s31, s7  }
.Ltmp2:
0x29: {  	_ = 	snop;
	(pc) =	sbr.rel @p0 .LBB2_5-.Ltmp2, $1  }
0x2a: {  	_ =	sdelay $0x3  }
0x2b: {  	s14 =	sand.u32 $0x1, s12  }
0x2c: {  	_ =	swait.ge [sflag:s6], $0xFA0;
	p0 =	seq.s32 s14, $0x1;
	s14 =	simm.s32 $0xFA0  }
0x2d: {  	[sflag:s6] =	ssyncset.done $0x0;
	s14 =	simm.s32 @!p0 $0x0  }
0x2e: {  	[sflag:s6] =	ssyncadd.s32 $0xFFFFF060;
	(ifvalue) =	ssetifvalue $0x7FFFFFFF;
	v0 =	vld.msk [tilespmem:s14+$0x0 ss:$0x1], $0xffff;
	_ =	sdelay $0x4  }
0x2f: {  	s15 =	sadd.s32 $0x10, s14;
	vm1 =	vgt.s32 v0, $0x0  }
0x30: {  	v2 =	vld.msk [tilespmem:s15+$0x0 ss:$0x1], $0xffff;
	v1 =	vnsel vm1, $0x0, v0  }
0x31: {  	v1 =	vmin.u32 v1, $0x270FF;
	_ =	sdelay $0x2  }
0x32: {  	s17 =	simm.s32 $0x20;
	s14 =	sadd.s32 $0x1F40, s14;
	s16 =	sadd.s32 $0x10, s15  }
0x33: {  	s15 =	sadd.s32 $0x10, s14;
	s18 =	smov.u32 s14;
	v0 =	vld.msk [tilespmem:s16+$0x0 ss:$0x1], $0xffff;
	vm1 =	vgt.s32 v2, $0x0;
	(ifvalue) =	ssetifvalue $0x7FFFFFFF  }
.LBB2_3:
0x34: {  	[tilespmem:s18], [sflag:$0x1] =	stream.indirect_vreg.gather [hbm4b:s2+s10], $0x1, v1, vm0, $0x4038;
	[tilespmem:$0x3E80] =	vst v63  }
0x35: {  	s17 =	sadd.s32 $0x10, s17  }
0x36: {  	v2 =	vnsel vm1, $0x0, v2;
	p0 =	slt.u32 s17, $0xF90  }
.Ltmp3:
0x37: {  	s18 =	smov.u32 s15;
	v1 =	vmin.u32 v2, $0x270FF;
	(pc) =	sbr.rel @p0 .LBB2_3-.Ltmp3, $3  }
0x38: {  	_ =	sdelay $0x1  }
0x39: {  	s16 =	sadd.s32 $0x10, s16  }
0x3a: {  	vm1 =	vgt.s32 v0, $0x0;
	s15 =	sadd.s32 $0x10, s15;
	v2 =	vmov v0;
	(ifvalue) =	ssetifvalue $0x7FFFFFFF;
	v0 =	vld.msk [tilespmem:s16+$0x0 ss:$0x1], $0xffff  }
.Ltmp4:
0x3b: {  	_ = 	snop;
	(pc) =	sbr.rel .LBB2_4-.Ltmp4, $1  }
0x3c: {  	_ =	sdelay $0x3  }
.LBB2_6:
0x3d: {  	_ =	sfence.sel $0x180000  }
0x3e: {  	s2 =	simm.s32 $0x2;
	[bflag:$0x0] =	sbarrier.arrive $0xFFFF  }
0x3f: {  	s30 =	simm.s32 $0x3;
	[sflag:s2] =	ssyncpa.u1 $0x1  }
0x40: {  	s31 =	simm.s32 $0x1;
	[sflag:s30] =	ssyncpa.u1 $0x1  }
0x41: {  	[sflag:s31] =	ssyncpa.u1 $0x1  }
0x42: {  	p0 =	sne.s32 s1, $0x0;
	_ =	strace $0x90000047  }
0x43: {  	s0 =	sadd.s32 @!p0 $0x100000, s0;
	[bflag:$0x2] =	sbarrier.arrive $0xFFFF  }
0x44: {  	[sflag:s0] =	ssyncadd.tile.s32 @!p0 $0x1;
	_ =	shalt  }
.Lfunc_end2:
_tile_overlayer_lowered:
.L_overlay_start_2:
0x45: {  	(tag) =	ssettag $0x2  }
0x46: {  	s0 =	rddreg [dreg:$0x0];
	s2 =	stileid.u32  }
0x47: {  	s1 =	rddreg [dreg:$0x1];
	p0 =	sne.s32 s2, $0x0  }
0x48: {  	s3 =	rddreg [dreg:$0x2];
	[bflag:$0x3] =	sbarrier.arrive $0xFFFF;
	s2 =	simm.s32 @!p0 $0x1C01  }
0x49: {  	[timem:s3], [sflag:s2] =	dma.local @!p0 [hbm:s0], s1  }
0x4a: {  	s0 =	simm.s32 @!p0 $0x1  }
0x4b: {  	_ =	swait.ge @!p0 [sflag:s0], s1  }
0x4c: {  	s1 =	ssub.s32 @!p0 $0x0, s1;
	[sflag:s0] =	ssyncset.done @!p0 $0x0  }
0x4d: {  	[sflag:s0] =	ssyncadd.s32 @!p0 s1  }
0x4e: {  	[bflag:$0x3] =	sbarrier.arrive $0xFFFF  }
0x4f: {  	_ =	shalt  }

// kernel: gather_offload_async_start
scs
__scs_entry_jumppad:
0x0: {  	(pc) =	sbr.rel $0x88, $3  }
0x1: {  	(tag) =	ssettag $0x0;
	lr =	simm.s32 $0x1  }
0x2: {  	[smem:$0x3F93] =	sst lr;
	_ =	strace $0xD0000000  }
0x3: {  	_ = 	snop  }
0x4: {  	_ = 	snop  }
0x5: {  	_ = 	snop  }
0x6: {  	_ = 	snop  }
0x7: {  	_ = 	snop  }
__scs_overlays_trampoline_lowered:
0x8: {  	[smem:$0x3FA2] =	sst s0  }
0x9: {  	[smem:$0x3FA3] =	sst s1  }
0xa: {  	[smem:$0x3FA4] =	sst s2  }
0xb: {  	[smem:$0x3FA5] =	sst s3  }
0xc: {  	[smem:$0x3FA6] =	sst s4  }
0xd: {  	[smem:$0x3FA7] =	sst s5  }
0xe: {  	[smem:$0x3FA8] =	sst s6  }
0xf: {  	[smem:$0x3FA9] =	sst s7  }
0x10: {  	[smem:$0x3FAA] =	sst s8  }
0x11: {  	[smem:$0x3FAB] =	sst s9;
	s0 =	simm.s32 @!p0 $0x0  }
0x12: {  	s1 =	sld [smem:$0x3F91];
	s0 =	simm.s32 @p0 $0x1  }
0x13: {  	[smem:$0x3FAC] =	sst s0;
	s0 =	simm.s32 @!p1 $0x0  }
0x14: {  	s2 =	sld [smem:$0x3F90];
	s0 =	simm.s32 @p1 $0x1  }
0x15: {  	[smem:$0x3FAD] =	sst s0;
	s0 =	simm.s32 @!p2 $0x0  }
0x16: {  	s3 =	sld [smem:$0x3FDB];
	s0 =	simm.s32 @p2 $0x1  }
0x17: {  	s4 =	simm.s32 $0x1BF5;
	[smem:$0x3FAF] =	sst s0  }
0x18: {  	s0 =	sld [smem:$0x3F92];
	_ =	swait.ge [sflag:s4], $0x0  }
0x19: {  	s7 =	sld [smem:$0x3F93]  }
0x1a: {  	s8 =	sadd.s32 $0xFFFFE003, lr  }
0x1b: {  	s9 =	sadd.s32 $0xFFFFFEF7, lr;
	s5 =	simm.s32 $0xFFFFFFFF;
	p2 =	slt.u32 s8, $0xFFFFF086  }
0x1c: {  	p1 =	slt.u32 s9, $0xF7A;
	s5 =	simm.s32 @!p2 $0x0  }
0x1d: {  	s5 =	simm.s32 @p1 $0x1;
	p0 =	seq.s32 s7, s2  }
0x1e: {  	s7 =	smul.u32 @!p0 $0xF7A, s2;
	p2 =	seq.s32 @!p0 s5, $0x0  }
0x1f: {  	s9 =	smul.u32 $0xF7A, s1;
	s8 =	simm.s32 @!p0 $0x1BF5;
	p2 =	por !p2, p0  }
0x20: {  	[sflag:s8] =	ssyncset.s32 @!p0 $0xFFFFF086;
	s6 =	sadd.s32 @!p0 s3, s7;
	s7 =	simm.s32 @!p0 $0x108  }
0x21: {  	s3 =	sadd.s32 s3, s9;
	s6 =	sadd.s32 @!p0 $0x88, s6;
	s7 =	simm.s32 @p2 $0x1082  }
0x22: {  	[simem:s7], [sflag:s8] =	dma.local @!p0 [hbm:s6], $0xF7A  }
0x23: {  	s9 =	sor.u32 $0xD0000000, s2;
	s6 =	simm.s32 $0x108;
	_ =	swait.ge @!p0 [sflag:s8], $0x0  }
0x24: {  	s3 =	sadd.s32 $0x88, s3;
	s6 =	simm.s32 @!p1 $0x1082;
	[sflag:s4] =	ssyncset.s32 $0xFFFFF086  }
0x25: {  	[simem:s6], [sflag:s4] =	dma.local [hbm:s3], $0xF7A  }
0x26: {  	[smem:$0x3F93] =	sst s1;
	(tag) =	ssettag s2;
	_ =	strace s9  }
0x27: {  	s1 =	sld [smem:$0x3FA3]  }
0x28: {  	s2 =	sld [smem:$0x3FA4]  }
0x29: {  	s4 =	sld [smem:$0x3FA6]  }
0x2a: {  	p0 =	seq.s32 s5, $0x0;
	s5 =	sld [smem:$0x3FA7]  }
0x2b: {  	s6 =	sld [smem:$0x3FA8]  }
0x2c: {  	s7 =	sld [smem:$0x3FA9]  }
0x2d: {  	s3 =	simm.s32 $0x108;
	s8 =	sld [smem:$0x3FAA]  }
0x2e: {  	s3 =	simm.s32 @!p0 $0x1082;
	s9 =	sld [smem:$0x3FAB]  }
0x2f: {  	lr =	sadd.s32 s0, s3;
	s0 =	sld [smem:$0x3FA2]  }
0x30: {  	s3 =	sld [smem:$0x3FA5]  }
0x31: {  	[smem:$0x3FAE] =	sst s10  }
0x32: {  	s10 =	sld [smem:$0x3FAC];
	_ =	sdelay $0x3  }
0x33: {  	p0 =	seq.s32 s10, $0x1;
	s10 =	sld [smem:$0x3FAE];
	_ =	sdelay $0x3  }
0x34: {  	[smem:$0x3FAE] =	sst s10  }
0x35: {  	s10 =	sld [smem:$0x3FAD];
	_ =	sdelay $0x3  }
0x36: {  	p1 =	seq.s32 s10, $0x1;
	s10 =	sld [smem:$0x3FAE];
	_ =	sdelay $0x3  }
0x37: {  	[smem:$0x3FAE] =	sst s10  }
0x38: {  	s10 =	sld [smem:$0x3FAF]  }
0x39: {  	_ = 	snop;
	(pc) =	sbr.ind lr, $3  }
0x3a: {  	_ = 	snop  }
0x3b: {  	_ = 	snop  }
0x3c: {  	p2 =	seq.s32 s10, $0x1;
	s10 =	sld [smem:$0x3FAE]  }
0x3d: {  	_ =	shalt  }
0x3e: {  	_ =	shalt  }
0x3f: {  	_ =	shalt  }
0x40: {  	_ =	shalt  }
0x41: {  	_ =	shalt  }
0x42: {  	_ =	shalt  }
0x43: {  	_ =	shalt  }
0x44: {  	_ =	shalt  }
0x45: {  	_ =	shalt  }
0x46: {  	_ =	shalt  }
0x47: {  	_ =	shalt  }
0x48: {  	_ =	shalt  }
0x49: {  	_ =	shalt  }
0x4a: {  	_ =	shalt  }
0x4b: {  	_ =	shalt  }
0x4c: {  	_ =	shalt  }
0x4d: {  	_ =	shalt  }
0x4e: {  	_ =	shalt  }
0x4f: {  	_ =	shalt  }
0x50: {  	_ =	shalt  }
0x51: {  	_ =	shalt  }
0x52: {  	_ =	shalt  }
0x53: {  	_ =	shalt  }
0x54: {  	_ =	shalt  }
0x55: {  	_ =	shalt  }
0x56: {  	_ =	shalt  }
0x57: {  	_ =	shalt  }
0x58: {  	_ =	shalt  }
0x59: {  	_ =	shalt  }
0x5a: {  	_ =	shalt  }
0x5b: {  	_ =	shalt  }
0x5c: {  	_ =	shalt  }
0x5d: {  	_ =	shalt  }
0x5e: {  	_ =	shalt  }
0x5f: {  	_ =	shalt  }
0x60: {  	_ =	shalt  }
0x61: {  	_ =	shalt  }
0x62: {  	_ =	shalt  }
0x63: {  	_ =	shalt  }
0x64: {  	_ =	shalt  }
0x65: {  	_ =	shalt  }
0x66: {  	_ =	shalt  }
0x67: {  	_ =	shalt  }
0x68: {  	_ =	shalt  }
0x69: {  	_ =	shalt  }
0x6a: {  	_ =	shalt  }
0x6b: {  	_ =	shalt  }
0x6c: {  	_ =	shalt  }
0x6d: {  	_ =	shalt  }
0x6e: {  	_ =	shalt  }
0x6f: {  	_ =	shalt  }
0x70: {  	_ =	shalt  }
0x71: {  	_ =	shalt  }
0x72: {  	_ =	shalt  }
0x73: {  	_ =	shalt  }
0x74: {  	_ =	shalt  }
0x75: {  	_ =	shalt  }
0x76: {  	_ =	shalt  }
0x77: {  	_ =	shalt  }
0x78: {  	_ =	shalt  }
0x79: {  	_ =	shalt  }
0x7a: {  	_ =	shalt  }
0x7b: {  	_ =	shalt  }
0x7c: {  	_ =	shalt  }
0x7d: {  	_ =	shalt  }
0x7e: {  	_ =	shalt  }
0x7f: {  	_ =	shalt  }
0x80: {  	_ =	shalt  }
0x81: {  	_ =	shalt  }
0x82: {  	_ =	shalt  }
0x83: {  	_ =	shalt  }
0x84: {  	_ =	shalt  }
0x85: {  	_ =	shalt  }
0x86: {  	_ =	shalt  }
0x87: {  	_ =	shalt  }
.Lfunc_end0:
.L_simem_size_0:
called_computation_lowered:
.L_overlay_start_0:
0x88: {  	s2 =	sld [smem:$0x3FD9]  }
0x89: {  	s3 =	sld [smem:$0x3FFE];
	_ =	sdelay $0x1  }
0x8a: {  	s1 =	srdreg.scid  }
0x8b: {  	s0 =	sand.u32 $0x1, s1  }
0x8c: {  	s17 =	sshll.u32 s0, $0xA;
	s2 =	sadd.s32 s3, s2  }
0x8d: {  	s2 =	sadd.s32 s2, s17  }
0x8e: {  	[smem:$0x3FBA] =	sst s2  }
0x8f: {  	_ = 	snop  }
0x90: {  	(tm) =	ssettm $0x1  }
0x91: {  	s18 =	sld [smem:$0x3FFB];
	_ =	sdelay $0x3  }
0x92: {  	_ =	strace s18  }
0x93: {  	s2 =	sld [smem:$0x3FFC];
	_ =	sdelay $0x3  }
0x94: {  	_ =	strace s2  }
0x95: {  	s2 =	sld [smem:$0x3FFD];
	_ =	sdelay $0x3  }
0x96: {  	_ =	strace s2  }
0x97: {  	_ =	strace $0x8FFFFFFF  }
0x98: {  	s19 =	sld [smem:$0x3FDB];
	_ =	sdelay $0x1  }
0x99: {  	s20 =	simm.s32 $_scs_section_size  }
0x9a: {  	s4 =	simm.s32 $_size__tile_overlayer_lowered;
	s5 =	simm.s32 $_tile_overlayer_lowered  }
0x9b: {  	s6 =	simm.s32 $0x1BFF;
	s21 =	sshll.u32 s5, $0x1;
	s3 =	sadd.s32 s20, s19  }
0x9c: {  	s22 =	simm.s32 $0x0;
	s4 =	sshll.u32 s4, $0x1;
	s5 =	sadd.s32 s21, s3  }
0x9d: {  	[timem:s22], [sflag:s6] =	dma.local [hbm:s5], s4  }
0x9e: {  	_ =	swait.ge [sflag:s6], s4  }
0x9f: {  	s4 =	ssub.s32 $0x0, s4;
	[sflag:s6] =	ssyncset.done $0x0  }
0xa0: {  	[sflag:s6] =	ssyncadd.s32 s4;
	_ =	sdelay $0x1  }
0xa1: {  	s23 =	simm.s32 $0x1B8B  }
0xa2: {  	_ =	swait.ge [sflag:s23], $0x1  }
0xa3: {  	[sflag:s23] =	ssyncset.done $0x0  }
0xa4: {  	[sflag:s23] =	ssyncadd.s32 $0xFFFFFFFF  }
0xa5: {  	s4 =	sld [smem:$0x0]  }
0xa6: {  	s5 =	sand.u32 $0xFFFFFFFE, s1  }
0xa7: {  	p0 =	sne.s32 s1, s5  }
0xa8: {  	s5 =	sshll.u32 @p0 s5, $0xE  }
0xa9: {  	s5 =	sadd.s32 @p0 $0x11B8D, s5;
	s6 =	sshll.u32 @p0 s4, $0x11  }
0xaa: {  	s5 =	sor.u32 @p0 s6, s5  }
0xab: {  	[sflag:s5] =	ssyncadd.remote.s32 @p0 $0x1;
	_ =	sdelay $0x1  }
0xac: {  	s5 =	simm.s32 @p0 $0x1B8D  }
0xad: {  	_ =	swait.eq @p0 [sflag:s5], $0x1  }
0xae: {  	[sflag:s5] =	ssyncadd.s32 @p0 $0xFFFFFFFF  }
0xaf: {  	s6 =	sshll.u32 @!p0 s1, $0xE  }
0xb0: {  	s6 =	sor.u32 @!p0 $0x4000, s6;
	s5 =	simm.s32 @!p0 $0x1B8D  }
0xb1: {  	s4 =	sshll.u32 @!p0 s4, $0x11;
	s6 =	sadd.s32 @!p0 $0x11B8D, s6;
	_ =	swait.eq @!p0 [sflag:s5], $0x1  }
0xb2: {  	s4 =	sor.u32 @!p0 s4, s6;
	[sflag:s5] =	ssyncadd.s32 @!p0 $0xFFFFFFFF  }
0xb3: {  	s25 =	simm.s32 $0x1B8E;
	s24 =	sld [smem:$0x3FFE];
	[sflag:s4] =	ssyncadd.remote.s32 @!p0 $0x1  }
0xb4: {  	s26 =	simm.s32 $execute0_lowered;
	[smem:$0x3FD2] =	sst s25  }
0xb5: {  	s5 =	sshll.u32 s26, $0x1;
	_ =	strace $0x8000004C;
	[dreg:$0x1] =	wrdreg $0xFFFFFFFF  }
0xb6: {  	s28 =	simm.s32 $_size_execute0_lowered;
	s3 =	sadd.s32 s3, s5;
	[dreg:$0x0] =	wrdreg $0x0  }
0xb7: {  	s5 =	sshll.u32 s28, $0x1;
	[dreg:$0x2] =	wrdreg s3  }
0xb8: {  	[dreg:$0x3] =	wrdreg s5  }
0xb9: {  	[dreg:$0x4] =	wrdreg $0xC0  }
0xba: {  	_ =	task [dreg:s22], $0x5FFFF  }
0xbb: {  	[dreg:$0x1] =	wrdreg $0xFFFFFFFF  }
0xbc: {  	[dreg:$0x0] =	wrdreg $0x60  }
0xbd: {  	[dreg:$0x2] =	wrdreg s24  }
0xbe: {  	[dreg:$0x3] =	wrdreg $0x9  }
0xbf: {  	_ =	task.clear_ibuf [dreg:s22], $0x4FFFF;
	_ =	strace $0x9000004C  }
0xc0: {  	s29 =	simm.s32 $0x9;
	_ =	strace $0x8000004E  }
0xc1: {  	_ =	swait.ge [sflag:s29], $0x1  }
0xc2: {  	[sflag:s29] =	ssyncadd.s32 $0xFFFFFFFF  }
0xc3: {  	_ =	strace $0x9000004E  }
0xc4: {  	_ =	sfence  }
0xc5: {  	s30 =	sld [smem:$0x0];
	_ =	sdelay $0x2  }
0xc6: {  	s31 =	sshll.u32 s1, $0xD;
	s1 =	sshrl.u32 s1, $0x2  }
0xc7: {  	s4 =	sand.u32 $0x4000, s31;
	s1 =	sadd.s32 s1, s30  }
0xc8: {  	s0 =	sor.u32 s4, s0;
	s1 =	sshll.u32 s1, $0x11  }
0xc9: {  	s0 =	sor.u32 s1, s0  }
0xca: {  	s0 =	sadd.s32 $0x8F2B, s0  }
0xcb: {  	[sflag:s0] =	ssyncadd.remote.s32 $0x1  }
0xcc: {  	_ =	sfence.sel $0xFFFF  }
0xcd: {  	[dreg:$0x0] =	wrdreg $0xFFFFFFFF;
	(pc) =	sbr.abs _section_cstart, $3  }
0xce: {  	[dreg:$0x1] =	wrdreg $0xFFFFFFFF  }
0xcf: {  	_ =	task.clear_ibuf [dreg:s22], $0x2FFFF;
	_ =	strace $0x9FFFFFFF  }
0xd0: {  	(tm) =	ssettm $0x7FFFFFFF  }
0xd1: {  	_ =	shalt  }
tec
execute0_lowered:
.L_overlay_start_1:
0x0: {  	(tag) =	ssettag $0x1  }
0x1: {  	s8 =	rddreg [dreg:$0x0]  }
0x2: {  	s0 =	rddreg [dreg:$0x1];
	_ =	strace $0x8000004D;
	s1 =	stileid.u32  }
0x3: {  	s3 =	srdreg.scid;
	s4 =	simm.s32 $0x1;
	s7 =	simm.s32 $0x1  }
0x4: {  	s9 =	simm.s32 $0x1;
	s10 =	simm.s32 $0x3;
	s13 =	simm.s32 $0x0  }
0x5: {  	s12 =	simm.s32 $0x0;
	s5 =	sand.u32 $0x1, s3;
	s6 =	sshll.u32 s1, $0x1  }
0x6: {  	s2 =	sadd.s32 $0xAC00, s8;
	s3 =	sadd.s32 $0xFC00, s8;
	s5 =	sor.u32 s6, s5  }
.Ltmp0:
0x7: {  	[sflag:s4] =	ssyncpa.u1 $0x0;
	p0 =	slt.u32 s5, $0x9;
	(pc) =	sbr.rel .LBB2_1-.Ltmp0, $4  }
0x8: {  	s6 =	simm.s32 $0x2;
	s7 =	simm.s32 @!p0 $0x0;
	p0 =	sne.s32 s5, $0x8  }
0x9: {  	[sflag:s6] =	ssyncpa.u1 $0x0;
	s5 =	smul.u32 $0xFA0, s5;
	s9 =	simm.s32 @!p0 $0x0  }
0xa: {  	s8 =	sadd.s32 $0x19C00, s8;
	[sflag:s10] =	ssyncpa.u1 $0x0;
	s7 =	sadd.s32 s9, s7  }
0xb: {  	vm0 =	vmmov $0xffff;
	s10 =	simm.s32 $0x0;
	s11 =	smov.u32 s5;
	s9 =	sadd.s32 $0x1, s7  }
.LBB2_4:
0xc: {  	v2 =	vnsel vm1, $0x0, v2  }
0xd: {  	vm1 =	vgt.s32 v0, $0x0;
	v2 =	vmin.u32 v2, $0x270FF  }
0xe: {  	v0 =	vnsel vm1, $0x0, v0  }
0xf: {  	v0 =	vmin.u32 v0, $0x270FF  }
0x10: {  	[tilespmem:s18], [sflag:$0x1] =	stream.indirect_vreg.gather [hbm4b:s2+s10], $0x1, v1, vm0, $0x4038;
	[tilespmem:$0x3E80] =	vst v63  }
0x11: {  	(ifvalue) =	ssetifvalue $0x7FFFFFFF  }
0x12: {  	[tilespmem:s15], [sflag:$0x1] =	stream.indirect_vreg.gather [hbm4b:s2+s10], $0x1, v2, vm0, $0x4038;
	[tilespmem:$0x3E80] =	vst v63  }
0x13: {  	s29 =	sadd.s32 $0x10, s15;
	(ifvalue) =	ssetifvalue $0x7FFFFFFF  }
0x14: {  	[tilespmem:s29], [sflag:$0x1] =	stream.indirect_vreg.gather [hbm4b:s2+s10], $0x1, v0, vm0, $0x4038;
	[tilespmem:$0x3E80] =	vst v63  }
0x15: {  	_ =	swait.ge [sflag:s4], $0xFA0  }
0x16: {  	s30 =	sshrl.u32 s13, $0x3;
	[sflag:s4] =	ssyncset.done $0x0  }
0x17: {  	s31 =	sand.u32 $0x7, s13;
	s15 =	sadd.s32 s8, s30;
	[sflag:s4] =	ssyncadd.s32 $0xFFFFF060  }
0x18: {  	[hbm4b:s15+s31] =	stream.linear.scatter [tilespmem:s14], [sflag:$0x3], $0xFA0, $0x38;
	[tilespmem:$0x3E80] =	vst v63  }
.LBB2_5:
0x19: {  	s15 =	sadd.s32 $0x1F400, s11  }
0x1a: {  	p1 =	sgt.s32 s15, $0x270FF  }
0x1b: {  	s15 =	smov.u32 @p1 s5;
	p1 =	sne.s32 s12, s9  }
.Ltmp1:
0x1c: {  	p0 =	slt.u32 s12, $0x2;
	(pc) =	sbr.rel @!p1 .LBB2_6-.Ltmp1, $4  }
0x1d: {  	s14 =	simm.s32 @!p0 $0x3  }
0x1e: {  	_ =	swait.ge @!p0 [sflag:s14], $0xFA0  }
0x1f: {  	s16 =	sadd.s32 $0x1, s12;
	s13 =	smov.u32 s11;
	[sflag:s14] =	ssyncset.done @!p0 $0x0  }
0x20: {  	s12 =	smov.u32 s16;
	s11 =	smov.u32 s15;
	[sflag:s14] =	ssyncadd.s32 @!p0 $0xFFFFF060  }
.LBB2_1:
0x21: {  	p0 =	sge.u32 s12, s7  }
0x22: {  	s14 =	sxor.u32 @!p0 $0x1, s12  }
0x23: {  	s14 =	smul.u32 @!p0 $0x3E80, s14  }
0x24: {  	s31 =	sadd.s32 $0xFFFFFFFF, s12;
	s15 =	sshrl.u32 @!p0 s11, $0x3  }
0x25: {  	s16 =	sand.u32 @!p0 $0x7, s11;
	s15 =	sadd.s32 @!p0 s3, s15;
	s14 =	sshra.s32 @!p0 s14, $0x2  }
0x26: {  	[tilespmem:s14], [sflag:$0x2] =	stream.linear.gather @!p0 [hbm4b:s15+s16], $0xFA0, $0x38;
	[tilespmem:$0x3E80] =	vst v63  }
0x27: {  	p0 =	sge.u32 s31, s7  }
.Ltmp2:
0x28: {  	_ = 	snop;
	(pc) =	sbr.rel @p0 .LBB2_5-.Ltmp2, $1  }
0x29: {  	_ =	sdelay $0x3  }
0x2a: {  	s14 =	sand.u32 $0x1, s12  }
0x2b: {  	_ =	swait.ge [sflag:s6], $0xFA0;
	p0 =	seq.s32 s14, $0x1;
	s14 =	simm.s32 $0xFA0  }
0x2c: {  	[sflag:s6] =	ssyncset.done $0x0;
	s14 =	simm.s32 @!p0 $0x0  }
0x2d: {  	[sflag:s6] =	ssyncadd.s32 $0xFFFFF060;
	(ifvalue) =	ssetifvalue $0x7FFFFFFF;
	v0 =	vld.msk [tilespmem:s14+$0x0 ss:$0x1], $0xffff;
	_ =	sdelay $0x4  }
0x2e: {  	s15 =	sadd.s32 $0x10, s14;
	vm1 =	vgt.s32 v0, $0x0  }
0x2f: {  	v2 =	vld.msk [tilespmem:s15+$0x0 ss:$0x1], $0xffff;
	v1 =	vnsel vm1, $0x0, v0  }
0x30: {  	v1 =	vmin.u32 v1, $0x270FF;
	_ =	sdelay $0x2  }
0x31: {  	s17 =	simm.s32 $0x20;
	s14 =	sadd.s32 $0x1F40, s14;
	s16 =	sadd.s32 $0x10, s15  }
0x32: {  	s15 =	sadd.s32 $0x10, s14;
	s18 =	smov.u32 s14;
	v0 =	vld.msk [tilespmem:s16+$0x0 ss:$0x1], $0xffff;
	vm1 =	vgt.s32 v2, $0x0;
	(ifvalue) =	ssetifvalue $0x7FFFFFFF  }
.LBB2_3:
0x33: {  	[tilespmem:s18], [sflag:$0x1] =	stream.indirect_vreg.gather [hbm4b:s2+s10], $0x1, v1, vm0, $0x4038;
	[tilespmem:$0x3E80] =	vst v63  }
0x34: {  	s17 =	sadd.s32 $0x10, s17  }
0x35: {  	v2 =	vnsel vm1, $0x0, v2;
	p0 =	slt.u32 s17, $0xF90  }
.Ltmp3:
0x36: {  	s18 =	smov.u32 s15;
	v1 =	vmin.u32 v2, $0x270FF;
	(pc) =	sbr.rel @p0 .LBB2_3-.Ltmp3, $3  }
0x37: {  	_ =	sdelay $0x1  }
0x38: {  	s16 =	sadd.s32 $0x10, s16  }
0x39: {  	vm1 =	vgt.s32 v0, $0x0;
	s15 =	sadd.s32 $0x10, s15;
	v2 =	vmov v0;
	(ifvalue) =	ssetifvalue $0x7FFFFFFF;
	v0 =	vld.msk [tilespmem:s16+$0x0 ss:$0x1], $0xffff  }
.Ltmp4:
0x3a: {  	_ = 	snop;
	(pc) =	sbr.rel .LBB2_4-.Ltmp4, $1  }
0x3b: {  	_ =	sdelay $0x3  }
.LBB2_6:
0x3c: {  	_ =	sfence.sel $0x180000  }
0x3d: {  	s2 =	simm.s32 $0x2;
	[bflag:$0x0] =	sbarrier.arrive $0xFFFF  }
0x3e: {  	s30 =	simm.s32 $0x3;
	[sflag:s2] =	ssyncpa.u1 $0x1  }
0x3f: {  	s31 =	simm.s32 $0x1;
	[sflag:s30] =	ssyncpa.u1 $0x1  }
0x40: {  	[sflag:s31] =	ssyncpa.u1 $0x1  }
0x41: {  	p0 =	sne.s32 s1, $0x0;
	_ =	strace $0x9000004D  }
0x42: {  	s0 =	sadd.s32 @!p0 $0x100000, s0;
	[bflag:$0x2] =	sbarrier.arrive $0xFFFF  }
0x43: {  	[sflag:s0] =	ssyncadd.tile.s32 @!p0 $0x1;
	_ =	shalt  }
.Lfunc_end2:
_tile_overlayer_lowered:
.L_overlay_start_2:
0x44: {  	(tag) =	ssettag $0x2  }
0x45: {  	s0 =	rddreg [dreg:$0x0];
	s2 =	stileid.u32  }
0x46: {  	s1 =	rddreg [dreg:$0x1];
	p0 =	sne.s32 s2, $0x0  }
0x47: {  	s3 =	rddreg [dreg:$0x2];
	[bflag:$0x3] =	sbarrier.arrive $0xFFFF;
	s2 =	simm.s32 @!p0 $0x1C01  }
0x48: {  	[timem:s3], [sflag:s2] =	dma.local @!p0 [hbm:s0], s1  }
0x49: {  	s0 =	simm.s32 @!p0 $0x1  }
0x4a: {  	_ =	swait.ge @!p0 [sflag:s0], s1  }
0x4b: {  	s1 =	ssub.s32 @!p0 $0x0, s1;
	[sflag:s0] =	ssyncset.done @!p0 $0x0  }
0x4c: {  	[sflag:s0] =	ssyncadd.s32 @!p0 s1  }
0x4d: {  	[bflag:$0x3] =	sbarrier.arrive $0xFFFF  }
0x4e: {  	_ =	shalt  }

// kernel: kernel.12.cloned.1.call-start
scs
__scs_entry_jumppad:
0x0: {  	(pc) =	sbr.rel $0x88, $3  }
0x1: {  	(tag) =	ssettag $0x0;
	lr =	simm.s32 $0x1  }
0x2: {  	[smem:$0x3F93] =	sst lr;
	_ =	strace $0xD0000000  }
0x3: {  	_ = 	snop  }
0x4: {  	_ = 	snop  }
0x5: {  	_ = 	snop  }
0x6: {  	_ = 	snop  }
0x7: {  	_ = 	snop  }
__scs_overlays_trampoline_lowered:
0x8: {  	[smem:$0x3FA2] =	sst s0  }
0x9: {  	[smem:$0x3FA3] =	sst s1  }
0xa: {  	[smem:$0x3FA4] =	sst s2  }
0xb: {  	[smem:$0x3FA5] =	sst s3  }
0xc: {  	[smem:$0x3FA6] =	sst s4  }
0xd: {  	[smem:$0x3FA7] =	sst s5  }
0xe: {  	[smem:$0x3FA8] =	sst s6  }
0xf: {  	[smem:$0x3FA9] =	sst s7  }
0x10: {  	[smem:$0x3FAA] =	sst s8  }
0x11: {  	[smem:$0x3FAB] =	sst s9;
	s0 =	simm.s32 @!p0 $0x0  }
0x12: {  	s1 =	sld [smem:$0x3F91];
	s0 =	simm.s32 @p0 $0x1  }
0x13: {  	[smem:$0x3FAC] =	sst s0;
	s0 =	simm.s32 @!p1 $0x0  }
0x14: {  	s2 =	sld [smem:$0x3F90];
	s0 =	simm.s32 @p1 $0x1  }
0x15: {  	[smem:$0x3FAD] =	sst s0;
	s0 =	simm.s32 @!p2 $0x0  }
0x16: {  	s3 =	sld [smem:$0x3FDB];
	s0 =	simm.s32 @p2 $0x1  }
0x17: {  	s4 =	simm.s32 $0x1BF5;
	[smem:$0x3FAF] =	sst s0  }
0x18: {  	s0 =	sld [smem:$0x3F92];
	_ =	swait.ge [sflag:s4], $0x0  }
0x19: {  	s7 =	sld [smem:$0x3F93]  }
0x1a: {  	s8 =	sadd.s32 $0xFFFFE003, lr  }
0x1b: {  	s9 =	sadd.s32 $0xFFFFFEF7, lr;
	s5 =	simm.s32 $0xFFFFFFFF;
	p2 =	slt.u32 s8, $0xFFFFF086  }
0x1c: {  	p1 =	slt.u32 s9, $0xF7A;
	s5 =	simm.s32 @!p2 $0x0  }
0x1d: {  	s5 =	simm.s32 @p1 $0x1;
	p0 =	seq.s32 s7, s2  }
0x1e: {  	s7 =	smul.u32 @!p0 $0xF7A, s2;
	p2 =	seq.s32 @!p0 s5, $0x0  }
0x1f: {  	s9 =	smul.u32 $0xF7A, s1;
	s8 =	simm.s32 @!p0 $0x1BF5;
	p2 =	por !p2, p0  }
0x20: {  	[sflag:s8] =	ssyncset.s32 @!p0 $0xFFFFF086;
	s6 =	sadd.s32 @!p0 s3, s7;
	s7 =	simm.s32 @!p0 $0x108  }
0x21: {  	s3 =	sadd.s32 s3, s9;
	s6 =	sadd.s32 @!p0 $0x88, s6;
	s7 =	simm.s32 @p2 $0x1082  }
0x22: {  	[simem:s7], [sflag:s8] =	dma.local @!p0 [hbm:s6], $0xF7A  }
0x23: {  	s9 =	sor.u32 $0xD0000000, s2;
	s6 =	simm.s32 $0x108;
	_ =	swait.ge @!p0 [sflag:s8], $0x0  }
0x24: {  	s3 =	sadd.s32 $0x88, s3;
	s6 =	simm.s32 @!p1 $0x1082;
	[sflag:s4] =	ssyncset.s32 $0xFFFFF086  }
0x25: {  	[simem:s6], [sflag:s4] =	dma.local [hbm:s3], $0xF7A  }
0x26: {  	[smem:$0x3F93] =	sst s1;
	(tag) =	ssettag s2;
	_ =	strace s9  }
0x27: {  	s1 =	sld [smem:$0x3FA3]  }
0x28: {  	s2 =	sld [smem:$0x3FA4]  }
0x29: {  	s4 =	sld [smem:$0x3FA6]  }
0x2a: {  	p0 =	seq.s32 s5, $0x0;
	s5 =	sld [smem:$0x3FA7]  }
0x2b: {  	s6 =	sld [smem:$0x3FA8]  }
0x2c: {  	s7 =	sld [smem:$0x3FA9]  }
0x2d: {  	s3 =	simm.s32 $0x108;
	s8 =	sld [smem:$0x3FAA]  }
0x2e: {  	s3 =	simm.s32 @!p0 $0x1082;
	s9 =	sld [smem:$0x3FAB]  }
0x2f: {  	lr =	sadd.s32 s0, s3;
	s0 =	sld [smem:$0x3FA2]  }
0x30: {  	s3 =	sld [smem:$0x3FA5]  }
0x31: {  	[smem:$0x3FAE] =	sst s10  }
0x32: {  	s10 =	sld [smem:$0x3FAC];
	_ =	sdelay $0x3  }
0x33: {  	p0 =	seq.s32 s10, $0x1;
	s10 =	sld [smem:$0x3FAE];
	_ =	sdelay $0x3  }
0x34: {  	[smem:$0x3FAE] =	sst s10  }
0x35: {  	s10 =	sld [smem:$0x3FAD];
	_ =	sdelay $0x3  }
0x36: {  	p1 =	seq.s32 s10, $0x1;
	s10 =	sld [smem:$0x3FAE];
	_ =	sdelay $0x3  }
0x37: {  	[smem:$0x3FAE] =	sst s10  }
0x38: {  	s10 =	sld [smem:$0x3FAF]  }
0x39: {  	_ = 	snop;
	(pc) =	sbr.ind lr, $3  }
0x3a: {  	_ = 	snop  }
0x3b: {  	_ = 	snop  }
0x3c: {  	p2 =	seq.s32 s10, $0x1;
	s10 =	sld [smem:$0x3FAE]  }
0x3d: {  	_ =	shalt  }
0x3e: {  	_ =	shalt  }
0x3f: {  	_ =	shalt  }
0x40: {  	_ =	shalt  }
0x41: {  	_ =	shalt  }
0x42: {  	_ =	shalt  }
0x43: {  	_ =	shalt  }
0x44: {  	_ =	shalt  }
0x45: {  	_ =	shalt  }
0x46: {  	_ =	shalt  }
0x47: {  	_ =	shalt  }
0x48: {  	_ =	shalt  }
0x49: {  	_ =	shalt  }
0x4a: {  	_ =	shalt  }
0x4b: {  	_ =	shalt  }
0x4c: {  	_ =	shalt  }
0x4d: {  	_ =	shalt  }
0x4e: {  	_ =	shalt  }
0x4f: {  	_ =	shalt  }
0x50: {  	_ =	shalt  }
0x51: {  	_ =	shalt  }
0x52: {  	_ =	shalt  }
0x53: {  	_ =	shalt  }
0x54: {  	_ =	shalt  }
0x55: {  	_ =	shalt  }
0x56: {  	_ =	shalt  }
0x57: {  	_ =	shalt  }
0x58: {  	_ =	shalt  }
0x59: {  	_ =	shalt  }
0x5a: {  	_ =	shalt  }
0x5b: {  	_ =	shalt  }
0x5c: {  	_ =	shalt  }
0x5d: {  	_ =	shalt  }
0x5e: {  	_ =	shalt  }
0x5f: {  	_ =	shalt  }
0x60: {  	_ =	shalt  }
0x61: {  	_ =	shalt  }
0x62: {  	_ =	shalt  }
0x63: {  	_ =	shalt  }
0x64: {  	_ =	shalt  }
0x65: {  	_ =	shalt  }
0x66: {  	_ =	shalt  }
0x67: {  	_ =	shalt  }
0x68: {  	_ =	shalt  }
0x69: {  	_ =	shalt  }
0x6a: {  	_ =	shalt  }
0x6b: {  	_ =	shalt  }
0x6c: {  	_ =	shalt  }
0x6d: {  	_ =	shalt  }
0x6e: {  	_ =	shalt  }
0x6f: {  	_ =	shalt  }
0x70: {  	_ =	shalt  }
0x71: {  	_ =	shalt  }
0x72: {  	_ =	shalt  }
0x73: {  	_ =	shalt  }
0x74: {  	_ =	shalt  }
0x75: {  	_ =	shalt  }
0x76: {  	_ =	shalt  }
0x77: {  	_ =	shalt  }
0x78: {  	_ =	shalt  }
0x79: {  	_ =	shalt  }
0x7a: {  	_ =	shalt  }
0x7b: {  	_ =	shalt  }
0x7c: {  	_ =	shalt  }
0x7d: {  	_ =	shalt  }
0x7e: {  	_ =	shalt  }
0x7f: {  	_ =	shalt  }
0x80: {  	_ =	shalt  }
0x81: {  	_ =	shalt  }
0x82: {  	_ =	shalt  }
0x83: {  	_ =	shalt  }
0x84: {  	_ =	shalt  }
0x85: {  	_ =	shalt  }
0x86: {  	_ =	shalt  }
0x87: {  	_ =	shalt  }
.Lfunc_end0:
.L_simem_size_0:
called_computation.4_lowered:
.L_overlay_start_0:
0x88: {  	s2 =	sld [smem:$0x3FD9]  }
0x89: {  	s3 =	sld [smem:$0x3FFE];
	_ =	sdelay $0x1  }
0x8a: {  	s1 =	srdreg.scid  }
0x8b: {  	s0 =	sand.u32 $0x1, s1  }
0x8c: {  	s16 =	sshll.u32 s0, $0xA;
	s2 =	sadd.s32 s3, s2  }
0x8d: {  	s2 =	sadd.s32 s2, s16  }
0x8e: {  	[smem:$0x3FBA] =	sst s2  }
0x8f: {  	_ = 	snop  }
0x90: {  	(tm) =	ssettm $0x1  }
0x91: {  	s17 =	sld [smem:$0x3FFB];
	_ =	sdelay $0x3  }
0x92: {  	_ =	strace s17  }
0x93: {  	s2 =	sld [smem:$0x3FFC];
	_ =	sdelay $0x3  }
0x94: {  	_ =	strace s2  }
0x95: {  	s2 =	sld [smem:$0x3FFD];
	_ =	sdelay $0x3  }
0x96: {  	_ =	strace s2  }
0x97: {  	_ =	strace $0x8FFFFFFF  }
0x98: {  	s18 =	sld [smem:$0x3FDB];
	_ =	sdelay $0x1  }
0x99: {  	s19 =	simm.s32 $_scs_section_size  }
0x9a: {  	s4 =	simm.s32 $_size__tile_overlayer_lowered;
	s5 =	simm.s32 $_tile_overlayer_lowered  }
0x9b: {  	s22 =	simm.s32 $0x1BFF;
	s21 =	sshll.u32 s5, $0x1;
	s2 =	sadd.s32 s19, s18  }
0x9c: {  	s6 =	simm.s32 $0x0;
	s20 =	sshll.u32 s4, $0x1;
	s4 =	sadd.s32 s21, s2  }
0x9d: {  	[timem:s6], [sflag:s22] =	dma.local [hbm:s4], s20  }
0x9e: {  	_ =	swait.ge [sflag:s22], s20  }
0x9f: {  	s3 =	ssub.s32 $0x0, s20;
	[sflag:s22] =	ssyncset.done $0x0  }
0xa0: {  	[sflag:s22] =	ssyncadd.s32 s3;
	_ =	sdelay $0x1  }
0xa1: {  	s23 =	simm.s32 $0x1B8B  }
0xa2: {  	_ =	swait.ge [sflag:s23], $0x1  }
0xa3: {  	[sflag:s23] =	ssyncset.done $0x0  }
0xa4: {  	s25 =	simm.s32 $0x1B8E;
	s24 =	sld [smem:$0x3FFE];
	[sflag:s23] =	ssyncadd.s32 $0xFFFFFFFF  }
0xa5: {  	s26 =	simm.s32 $execute0_lowered;
	[smem:$0x3FD2] =	sst s25  }
0xa6: {  	s4 =	sshll.u32 s26, $0x1;
	_ =	strace $0x80000052;
	[dreg:$0x1] =	wrdreg $0xFFFFFFFF  }
0xa7: {  	s28 =	simm.s32 $_size_execute0_lowered;
	s2 =	sadd.s32 s2, s4;
	[dreg:$0x0] =	wrdreg $0x0  }
0xa8: {  	s4 =	sshll.u32 s28, $0x1;
	[dreg:$0x2] =	wrdreg s2  }
0xa9: {  	[dreg:$0x3] =	wrdreg s4  }
0xaa: {  	[dreg:$0x4] =	wrdreg $0xC0  }
0xab: {  	_ =	task [dreg:s6], $0x5FFFF  }
0xac: {  	[dreg:$0x1] =	wrdreg $0xFFFFFFFF  }
0xad: {  	[dreg:$0x0] =	wrdreg $0x60  }
0xae: {  	[dreg:$0x2] =	wrdreg s24  }
0xaf: {  	[dreg:$0x3] =	wrdreg $0x9  }
0xb0: {  	_ =	task.clear_ibuf [dreg:s6], $0x4FFFF;
	_ =	strace $0x90000052  }
0xb1: {  	s29 =	simm.s32 $0x9;
	_ =	strace $0x80000054  }
0xb2: {  	_ =	swait.ge [sflag:s29], $0x1  }
0xb3: {  	[sflag:s29] =	ssyncadd.s32 $0xFFFFFFFF  }
0xb4: {  	_ =	strace $0x90000054  }
0xb5: {  	_ =	sfence  }
0xb6: {  	s30 =	sld [smem:$0x0];
	_ =	sdelay $0x2  }
0xb7: {  	s31 =	sshll.u32 s1, $0xD;
	s1 =	sshrl.u32 s1, $0x2  }
0xb8: {  	s3 =	sand.u32 $0x4000, s31;
	s1 =	sadd.s32 s1, s30  }
0xb9: {  	s0 =	sor.u32 s3, s0;
	s1 =	sshll.u32 s1, $0x11  }
0xba: {  	s0 =	sor.u32 s1, s0  }
0xbb: {  	s0 =	sadd.s32 $0x8F2B, s0  }
0xbc: {  	[sflag:s0] =	ssyncadd.remote.s32 $0x1  }
0xbd: {  	_ =	sfence.sel $0xFFFF  }
0xbe: {  	[dreg:$0x0] =	wrdreg $0xFFFFFFFF;
	(pc) =	sbr.abs _section_cstart, $3  }
0xbf: {  	[dreg:$0x1] =	wrdreg $0xFFFFFFFF  }
0xc0: {  	_ =	task.clear_ibuf [dreg:s6], $0x2FFFF;
	_ =	strace $0x9FFFFFFF  }
0xc1: {  	(tm) =	ssettm $0x7FFFFFFF  }
tec
execute0_lowered:
.L_overlay_start_1:
0x0: {  	(tag) =	ssettag $0x1  }
0x1: {  	s1 =	srdreg.scid  }
0x2: {  	s0 =	stileid.u32;
	s6 =	rddreg [dreg:$0x0]  }
0x3: {  	s2 =	simm.s32 $0x0;
	s11 =	simm.s32 $0x80;
	s12 =	simm.s32 $0x880  }
0x4: {  	s13 =	simm.s32 $0x1080;
	s14 =	simm.s32 $0x1880;
	s15 =	simm.s32 $0x2080  }
0x5: {  	s16 =	simm.s32 $0x2880;
	s17 =	simm.s32 $0x3080;
	s18 =	simm.s32 $0x3880  }
0x6: {  	s19 =	simm.s32 $0x4080;
	s20 =	simm.s32 $0x4880;
	s21 =	simm.s32 $0x5080  }
0x7: {  	s22 =	simm.s32 $0x5880;
	s23 =	simm.s32 $0x6080;
	s24 =	simm.s32 $0x6880  }
0x8: {  	s25 =	simm.s32 $0x7080;
	s26 =	simm.s32 $0x7880;
	s3 =	smul.u32 $0x2720, s0  }
0x9: {  	s28 =	simm.s32 $0x1;
	s4 =	sand.u32 $0x1, s1;
	s7 =	smul.u32 $0x139000, s0  }
0xa: {  	s29 =	simm.s32 $0x0;
	[smem:$0x7FF] =	sst s2;
	s5 =	smul.u32 $0x1390, s4  }
0xb: {  	_ =	strace $0x80000053;
	s30 =	ssub.s32 $0x2, s4;
	s10 =	smul.u32 $0x9C800, s4  }
0xc: {  	s4 =	sadd.s32 $0x11EFD00, s6;
	s8 =	sadd.s32 s7, s6;
	s31 =	sshrl.u32 s30, $0x1  }
0xd: {  	s3 =	sadd.s32 s5, s3;
	s7 =	ssub.s32 s30, s31;
	s8 =	sadd.s32 s10, s8  }
0xe: {  	v2 =	vlaneseq.u32;
	s10 =	simm.s32 $0x2;
	s5 =	sshrl.u32 s3, $0x3;
	s3 =	sadd.s32 $0x11EFC00, s6  }
0xf: {  	vm0 =	vmmov $0xffff;
	v1 =	vshrl.u32 v2, $0x3;
	s8 =	sadd.s32 $0x180A400, s8;
	s9 =	sadd.s32 s5, s6;
	s5 =	sadd.s32 $0x11EFE00, s6  }
0x10: {  	v0 =	vand.u32 $0x7, v2;
	v2 =	vor.u32 $0x8, v2;
	v1 =	vmul.u32 $0x8, v1;
	s7 =	smax.u32 s7, $0x1;
	s6 =	sadd.s32 $0x11EFF00, s6;
	s9 =	sadd.s32 $0xAC00, s9  }
.LBB2_1:
0x11: {  	s30 =	smov.u32 s8;
	s31 =	simm.s32 $0x0  }
.LBB2_2:
0x12: {  	s1 =	sadd.s32 s31, s9  }
0x13: {  	[tilespmem:s2], [sflag:$0x2] =	stream.linear.gather [hbm4b:s1+s2], $0x20, $0x38;
	[tilespmem:$0x8080] =	vst v63  }
0x14: {  	_ =	swait.ge [sflag:s10], $0x20  }
0x15: {  	[sflag:s10] =	ssyncset.done $0x0  }
0x16: {  	[sflag:s10] =	ssyncadd.s32 $0xFFFFFFE0  }
0x17: {  	v3 =	vld [tilespmem:$0x0];
	_ =	sdelay $0x4  }
0x18: {  	v4 =	vshll.u32 v3, $0x3  }
0x19: {  	v3 =	vand.u32 $0x7, v3;
	v4 =	vand.u32 $0xFFFFFFC0, v4  }
0x1a: {  	v3 =	vor.u32 v3, v4  }
0x1b: {  	v4 =	vperm.xlane v3, v0;
	_ =	sdelay $0x1  }
0x1c: {  	v4 =	vadd.s32 v1, v4;
	_ =	sdelay $0x4  }
0x1d: {  	[tilespmem:s11], [sflag:$0x1] =	stream.indirect_vreg.gather [hbm4b:s3+s2], $0x80, v4, vm0, $0xb8;
	[tilespmem:$0x8080] =	vst v63  }
0x1e: {  	v3 =	vperm.xlane v3, v2  }
0x1f: {  	[tilespmem:s12], [sflag:$0x1] =	stream.indirect_vreg.gather [hbm4b:s4+s2], $0x80, v4, vm0, $0xb8;
	[tilespmem:$0x8080] =	vst v63  }
0x20: {  	v3 =	vadd.s32 v1, v3  }
0x21: {  	[tilespmem:s13], [sflag:$0x1] =	stream.indirect_vreg.gather [hbm4b:s5+s2], $0x80, v4, vm0, $0xb8;
	[tilespmem:$0x8080] =	vst v63  }
0x22: {  	_ = 	snop  }
0x23: {  	[tilespmem:s14], [sflag:$0x1] =	stream.indirect_vreg.gather [hbm4b:s6+s2], $0x80, v4, vm0, $0xb8;
	[tilespmem:$0x8080] =	vst v63  }
0x24: {  	_ = 	snop  }
0x25: {  	[tilespmem:s15], [sflag:$0x1] =	stream.indirect_vreg.gather [hbm4b:s3+s2], $0x80, v3, vm0, $0xb8;
	[tilespmem:$0x8080] =	vst v63  }
0x26: {  	_ = 	snop  }
0x27: {  	[tilespmem:s16], [sflag:$0x1] =	stream.indirect_vreg.gather [hbm4b:s4+s2], $0x80, v3, vm0, $0xb8;
	[tilespmem:$0x8080] =	vst v63  }
0x28: {  	_ = 	snop  }
0x29: {  	[tilespmem:s17], [sflag:$0x1] =	stream.indirect_vreg.gather [hbm4b:s5+s2], $0x80, v3, vm0, $0xb8;
	[tilespmem:$0x8080] =	vst v63  }
0x2a: {  	_ = 	snop  }
0x2b: {  	[tilespmem:s18], [sflag:$0x1] =	stream.indirect_vreg.gather [hbm4b:s6+s2], $0x80, v3, vm0, $0xb8;
	[tilespmem:$0x8080] =	vst v63  }
0x2c: {  	v3 =	vld [tilespmem:$0x10];
	_ =	sdelay $0x4  }
0x2d: {  	v63 =	vshll.u32 v3, $0x3  }
0x2e: {  	v3 =	vand.u32 $0x7, v3;
	v4 =	vand.u32 $0xFFFFFFC0, v63  }
0x2f: {  	v3 =	vor.u32 v3, v4  }
0x30: {  	v4 =	vperm.xlane v3, v0;
	_ =	sdelay $0x1  }
0x31: {  	v4 =	vadd.s32 v1, v4;
	_ =	sdelay $0x4  }
0x32: {  	[tilespmem:s19], [sflag:$0x1] =	stream.indirect_vreg.gather [hbm4b:s3+s2], $0x80, v4, vm0, $0xb8;
	[tilespmem:$0x8080] =	vst v63  }
0x33: {  	v3 =	vperm.xlane v3, v2  }
0x34: {  	[tilespmem:s20], [sflag:$0x1] =	stream.indirect_vreg.gather [hbm4b:s4+s2], $0x80, v4, vm0, $0xb8;
	[tilespmem:$0x8080] =	vst v63  }
0x35: {  	v3 =	vadd.s32 v1, v3  }
0x36: {  	[tilespmem:s21], [sflag:$0x1] =	stream.indirect_vreg.gather [hbm4b:s5+s2], $0x80, v4, vm0, $0xb8;
	[tilespmem:$0x8080] =	vst v63  }
0x37: {  	_ = 	snop  }
0x38: {  	[tilespmem:s22], [sflag:$0x1] =	stream.indirect_vreg.gather [hbm4b:s6+s2], $0x80, v4, vm0, $0xb8;
	[tilespmem:$0x8080] =	vst v63  }
0x39: {  	_ = 	snop  }
0x3a: {  	[tilespmem:s23], [sflag:$0x1] =	stream.indirect_vreg.gather [hbm4b:s3+s2], $0x80, v3, vm0, $0xb8;
	[tilespmem:$0x8080] =	vst v63  }
0x3b: {  	_ = 	snop  }
0x3c: {  	[tilespmem:s24], [sflag:$0x1] =	stream.indirect_vreg.gather [hbm4b:s4+s2], $0x80, v3, vm0, $0xb8;
	[tilespmem:$0x8080] =	vst v63  }
0x3d: {  	_ = 	snop  }
0x3e: {  	[tilespmem:s25], [sflag:$0x1] =	stream.indirect_vreg.gather [hbm4b:s5+s2], $0x80, v3, vm0, $0xb8;
	[tilespmem:$0x8080] =	vst v63  }
0x3f: {  	_ = 	snop  }
0x40: {  	[tilespmem:s26], [sflag:$0x1] =	stream.indirect_vreg.gather [hbm4b:s6+s2], $0x80, v3, vm0, $0xb8;
	[tilespmem:$0x8080] =	vst v63  }
0x41: {  	_ =	swait.ge [sflag:s28], $0x8000  }
0x42: {  	p0 =	sne.s32 s31, $0x26C;
	[sflag:s28] =	ssyncset.done $0x0  }
.Ltmp0:
0x43: {  	[sflag:s28] =	ssyncadd.s32 $0xFFFF8000;
	(pc) =	sbr.rel @p0 .LBB2_2-.Ltmp0, $4  }
0x44: {  	[hbm4b:s30+s2] =	stream.linear.scatter [tilespmem:s11], [sflag:$0x2], $0x8000, $0x38;
	[tilespmem:$0x8080] =	vst v63  }
0x45: {  	_ =	swait.ge [sflag:s10], $0x8000  }
0x46: {  	[sflag:s10] =	ssyncset.done $0x0  }
0x47: {  	s31 =	sadd.s32 $0x4, s31;
	s30 =	sadd.s32 $0x1000, s30;
	[sflag:s10] =	ssyncadd.s32 $0xFFFF8000  }
0x48: {  	s29 =	sadd.s32 $0x1, s29  }
0x49: {  	p0 =	sne.s32 s29, s7  }
.Ltmp1:
0x4a: {  	_ = 	snop;
	(pc) =	sbr.rel @p0 .LBB2_1-.Ltmp1, $1  }
0x4b: {  	_ =	sdelay $0x3  }
0x4c: {  	_ =	sfence.sel $0x180000  }
0x4d: {  	[bflag:$0x0] =	sbarrier.arrive $0xFFFF  }
0x4e: {  	_ =	strace $0x90000053  }
0x4f: {  	[bflag:$0x2] =	sbarrier.arrive $0xFFFF  }
0x50: {  	p0 =	sne.s32 s0, $0x0;
	s0 =	rddreg [dreg:$0x1]  }
0x51: {  	s0 =	sadd.s32 @!p0 $0x100000, s0  }
0x52: {  	[sflag:s0] =	ssyncadd.tile.s32 @!p0 $0x1;
	_ =	shalt  }
.Lfunc_end2:
_tile_overlayer_lowered:
.L_overlay_start_2:
0x53: {  	(tag) =	ssettag $0x2  }
0x54: {  	s0 =	rddreg [dreg:$0x0];
	s2 =	stileid.u32  }
0x55: {  	s1 =	rddreg [dreg:$0x1];
	p0 =	sne.s32 s2, $0x0  }
0x56: {  	s3 =	rddreg [dreg:$0x2];
	[bflag:$0x3] =	sbarrier.arrive $0xFFFF;
	s2 =	simm.s32 @!p0 $0x1C02  }
0x57: {  	[timem:s3], [sflag:s2] =	dma.local @!p0 [hbm:s0], s1  }
0x58: {  	s0 =	simm.s32 @!p0 $0x2  }
0x59: {  	_ =	swait.ge @!p0 [sflag:s0], s1  }
0x5a: {  	s1 =	ssub.s32 @!p0 $0x0, s1;
	[sflag:s0] =	ssyncset.done @!p0 $0x0  }
0x5b: {  	[sflag:s0] =	ssyncadd.s32 @!p0 s1  }
0x5c: {  	[bflag:$0x3] =	sbarrier.arrive $0xFFFF  }
0x5d: {  	_ =	shalt  }

// kernel: kernel.9.cloned.1.call-start
scs
__scs_entry_jumppad:
0x0: {  	(pc) =	sbr.rel $0x88, $3  }
0x1: {  	(tag) =	ssettag $0x0;
	lr =	simm.s32 $0x1  }
0x2: {  	[smem:$0x3F93] =	sst lr;
	_ =	strace $0xD0000000  }
0x3: {  	_ = 	snop  }
0x4: {  	_ = 	snop  }
0x5: {  	_ = 	snop  }
0x6: {  	_ = 	snop  }
0x7: {  	_ = 	snop  }
__scs_overlays_trampoline_lowered:
0x8: {  	[smem:$0x3FA2] =	sst s0  }
0x9: {  	[smem:$0x3FA3] =	sst s1  }
0xa: {  	[smem:$0x3FA4] =	sst s2  }
0xb: {  	[smem:$0x3FA5] =	sst s3  }
0xc: {  	[smem:$0x3FA6] =	sst s4  }
0xd: {  	[smem:$0x3FA7] =	sst s5  }
0xe: {  	[smem:$0x3FA8] =	sst s6  }
0xf: {  	[smem:$0x3FA9] =	sst s7  }
0x10: {  	[smem:$0x3FAA] =	sst s8  }
0x11: {  	[smem:$0x3FAB] =	sst s9;
	s0 =	simm.s32 @!p0 $0x0  }
0x12: {  	s1 =	sld [smem:$0x3F91];
	s0 =	simm.s32 @p0 $0x1  }
0x13: {  	[smem:$0x3FAC] =	sst s0;
	s0 =	simm.s32 @!p1 $0x0  }
0x14: {  	s2 =	sld [smem:$0x3F90];
	s0 =	simm.s32 @p1 $0x1  }
0x15: {  	[smem:$0x3FAD] =	sst s0;
	s0 =	simm.s32 @!p2 $0x0  }
0x16: {  	s3 =	sld [smem:$0x3FDB];
	s0 =	simm.s32 @p2 $0x1  }
0x17: {  	s4 =	simm.s32 $0x1BF5;
	[smem:$0x3FAF] =	sst s0  }
0x18: {  	s0 =	sld [smem:$0x3F92];
	_ =	swait.ge [sflag:s4], $0x0  }
0x19: {  	s7 =	sld [smem:$0x3F93]  }
0x1a: {  	s8 =	sadd.s32 $0xFFFFE003, lr  }
0x1b: {  	s9 =	sadd.s32 $0xFFFFFEF7, lr;
	s5 =	simm.s32 $0xFFFFFFFF;
	p2 =	slt.u32 s8, $0xFFFFF086  }
0x1c: {  	p1 =	slt.u32 s9, $0xF7A;
	s5 =	simm.s32 @!p2 $0x0  }
0x1d: {  	s5 =	simm.s32 @p1 $0x1;
	p0 =	seq.s32 s7, s2  }
0x1e: {  	s7 =	smul.u32 @!p0 $0xF7A, s2;
	p2 =	seq.s32 @!p0 s5, $0x0  }
0x1f: {  	s9 =	smul.u32 $0xF7A, s1;
	s8 =	simm.s32 @!p0 $0x1BF5;
	p2 =	por !p2, p0  }
0x20: {  	[sflag:s8] =	ssyncset.s32 @!p0 $0xFFFFF086;
	s6 =	sadd.s32 @!p0 s3, s7;
	s7 =	simm.s32 @!p0 $0x108  }
0x21: {  	s3 =	sadd.s32 s3, s9;
	s6 =	sadd.s32 @!p0 $0x88, s6;
	s7 =	simm.s32 @p2 $0x1082  }
0x22: {  	[simem:s7], [sflag:s8] =	dma.local @!p0 [hbm:s6], $0xF7A  }
0x23: {  	s9 =	sor.u32 $0xD0000000, s2;
	s6 =	simm.s32 $0x108;
	_ =	swait.ge @!p0 [sflag:s8], $0x0  }
0x24: {  	s3 =	sadd.s32 $0x88, s3;
	s6 =	simm.s32 @!p1 $0x1082;
	[sflag:s4] =	ssyncset.s32 $0xFFFFF086  }
0x25: {  	[simem:s6], [sflag:s4] =	dma.local [hbm:s3], $0xF7A  }
0x26: {  	[smem:$0x3F93] =	sst s1;
	(tag) =	ssettag s2;
	_ =	strace s9  }
0x27: {  	s1 =	sld [smem:$0x3FA3]  }
0x28: {  	s2 =	sld [smem:$0x3FA4]  }
0x29: {  	s4 =	sld [smem:$0x3FA6]  }
0x2a: {  	p0 =	seq.s32 s5, $0x0;
	s5 =	sld [smem:$0x3FA7]  }
0x2b: {  	s6 =	sld [smem:$0x3FA8]  }
0x2c: {  	s7 =	sld [smem:$0x3FA9]  }
0x2d: {  	s3 =	simm.s32 $0x108;
	s8 =	sld [smem:$0x3FAA]  }
0x2e: {  	s3 =	simm.s32 @!p0 $0x1082;
	s9 =	sld [smem:$0x3FAB]  }
0x2f: {  	lr =	sadd.s32 s0, s3;
	s0 =	sld [smem:$0x3FA2]  }
0x30: {  	s3 =	sld [smem:$0x3FA5]  }
0x31: {  	[smem:$0x3FAE] =	sst s10  }
0x32: {  	s10 =	sld [smem:$0x3FAC];
	_ =	sdelay $0x3  }
0x33: {  	p0 =	seq.s32 s10, $0x1;
	s10 =	sld [smem:$0x3FAE];
	_ =	sdelay $0x3  }
0x34: {  	[smem:$0x3FAE] =	sst s10  }
0x35: {  	s10 =	sld [smem:$0x3FAD];
	_ =	sdelay $0x3  }
0x36: {  	p1 =	seq.s32 s10, $0x1;
	s10 =	sld [smem:$0x3FAE];
	_ =	sdelay $0x3  }
0x37: {  	[smem:$0x3FAE] =	sst s10  }
0x38: {  	s10 =	sld [smem:$0x3FAF]  }
0x39: {  	_ = 	snop;
	(pc) =	sbr.ind lr, $3  }
0x3a: {  	_ = 	snop  }
0x3b: {  	_ = 	snop  }
0x3c: {  	p2 =	seq.s32 s10, $0x1;
	s10 =	sld [smem:$0x3FAE]  }
0x3d: {  	_ =	shalt  }
0x3e: {  	_ =	shalt  }
0x3f: {  	_ =	shalt  }
0x40: {  	_ =	shalt  }
0x41: {  	_ =	shalt  }
0x42: {  	_ =	shalt  }
0x43: {  	_ =	shalt  }
0x44: {  	_ =	shalt  }
0x45: {  	_ =	shalt  }
0x46: {  	_ =	shalt  }
0x47: {  	_ =	shalt  }
0x48: {  	_ =	shalt  }
0x49: {  	_ =	shalt  }
0x4a: {  	_ =	shalt  }
0x4b: {  	_ =	shalt  }
0x4c: {  	_ =	shalt  }
0x4d: {  	_ =	shalt  }
0x4e: {  	_ =	shalt  }
0x4f: {  	_ =	shalt  }
0x50: {  	_ =	shalt  }
0x51: {  	_ =	shalt  }
0x52: {  	_ =	shalt  }
0x53: {  	_ =	shalt  }
0x54: {  	_ =	shalt  }
0x55: {  	_ =	shalt  }
0x56: {  	_ =	shalt  }
0x57: {  	_ =	shalt  }
0x58: {  	_ =	shalt  }
0x59: {  	_ =	shalt  }
0x5a: {  	_ =	shalt  }
0x5b: {  	_ =	shalt  }
0x5c: {  	_ =	shalt  }
0x5d: {  	_ =	shalt  }
0x5e: {  	_ =	shalt  }
0x5f: {  	_ =	shalt  }
0x60: {  	_ =	shalt  }
0x61: {  	_ =	shalt  }
0x62: {  	_ =	shalt  }
0x63: {  	_ =	shalt  }
0x64: {  	_ =	shalt  }
0x65: {  	_ =	shalt  }
0x66: {  	_ =	shalt  }
0x67: {  	_ =	shalt  }
0x68: {  	_ =	shalt  }
0x69: {  	_ =	shalt  }
0x6a: {  	_ =	shalt  }
0x6b: {  	_ =	shalt  }
0x6c: {  	_ =	shalt  }
0x6d: {  	_ =	shalt  }
0x6e: {  	_ =	shalt  }
0x6f: {  	_ =	shalt  }
0x70: {  	_ =	shalt  }
0x71: {  	_ =	shalt  }
0x72: {  	_ =	shalt  }
0x73: {  	_ =	shalt  }
0x74: {  	_ =	shalt  }
0x75: {  	_ =	shalt  }
0x76: {  	_ =	shalt  }
0x77: {  	_ =	shalt  }
0x78: {  	_ =	shalt  }
0x79: {  	_ =	shalt  }
0x7a: {  	_ =	shalt  }
0x7b: {  	_ =	shalt  }
0x7c: {  	_ =	shalt  }
0x7d: {  	_ =	shalt  }
0x7e: {  	_ =	shalt  }
0x7f: {  	_ =	shalt  }
0x80: {  	_ =	shalt  }
0x81: {  	_ =	shalt  }
0x82: {  	_ =	shalt  }
0x83: {  	_ =	shalt  }
0x84: {  	_ =	shalt  }
0x85: {  	_ =	shalt  }
0x86: {  	_ =	shalt  }
0x87: {  	_ =	shalt  }
.Lfunc_end0:
.L_simem_size_0:
called_computation.3_lowered:
.L_overlay_start_0:
0x88: {  	s2 =	sld [smem:$0x3FD9]  }
0x89: {  	s3 =	sld [smem:$0x3FFE];
	_ =	sdelay $0x1  }
0x8a: {  	s1 =	srdreg.scid  }
0x8b: {  	s0 =	sand.u32 $0x1, s1  }
0x8c: {  	s16 =	sshll.u32 s0, $0xA;
	s2 =	sadd.s32 s3, s2  }
0x8d: {  	s2 =	sadd.s32 s2, s16  }
0x8e: {  	[smem:$0x3FBA] =	sst s2  }
0x8f: {  	_ = 	snop  }
0x90: {  	(tm) =	ssettm $0x1  }
0x91: {  	s17 =	sld [smem:$0x3FFB];
	_ =	sdelay $0x3  }
0x92: {  	_ =	strace s17  }
0x93: {  	s2 =	sld [smem:$0x3FFC];
	_ =	sdelay $0x3  }
0x94: {  	_ =	strace s2  }
0x95: {  	s2 =	sld [smem:$0x3FFD];
	_ =	sdelay $0x3  }
0x96: {  	_ =	strace s2  }
0x97: {  	_ =	strace $0x8FFFFFFF  }
0x98: {  	s18 =	sld [smem:$0x3FDB];
	_ =	sdelay $0x1  }
0x99: {  	s19 =	simm.s32 $_scs_section_size  }
0x9a: {  	s4 =	simm.s32 $_size__tile_overlayer_lowered;
	s5 =	simm.s32 $_tile_overlayer_lowered  }
0x9b: {  	s22 =	simm.s32 $0x1BFF;
	s21 =	sshll.u32 s5, $0x1;
	s2 =	sadd.s32 s19, s18  }
0x9c: {  	s6 =	simm.s32 $0x0;
	s20 =	sshll.u32 s4, $0x1;
	s4 =	sadd.s32 s21, s2  }
0x9d: {  	[timem:s6], [sflag:s22] =	dma.local [hbm:s4], s20  }
0x9e: {  	_ =	swait.ge [sflag:s22], s20  }
0x9f: {  	s3 =	ssub.s32 $0x0, s20;
	[sflag:s22] =	ssyncset.done $0x0  }
0xa0: {  	[sflag:s22] =	ssyncadd.s32 s3;
	_ =	sdelay $0x1  }
0xa1: {  	s23 =	simm.s32 $0x1B8B  }
0xa2: {  	_ =	swait.ge [sflag:s23], $0x1  }
0xa3: {  	[sflag:s23] =	ssyncset.done $0x0  }
0xa4: {  	s25 =	simm.s32 $0x1B8E;
	s24 =	sld [smem:$0x3FFE];
	[sflag:s23] =	ssyncadd.s32 $0xFFFFFFFF  }
0xa5: {  	s26 =	simm.s32 $execute0_lowered;
	[smem:$0x3FD2] =	sst s25  }
0xa6: {  	s4 =	sshll.u32 s26, $0x1;
	_ =	strace $0x8000004F;
	[dreg:$0x1] =	wrdreg $0xFFFFFFFF  }
0xa7: {  	s28 =	simm.s32 $_size_execute0_lowered;
	s2 =	sadd.s32 s2, s4;
	[dreg:$0x0] =	wrdreg $0x0  }
0xa8: {  	s4 =	sshll.u32 s28, $0x1;
	[dreg:$0x2] =	wrdreg s2  }
0xa9: {  	[dreg:$0x3] =	wrdreg s4  }
0xaa: {  	[dreg:$0x4] =	wrdreg $0xC0  }
0xab: {  	_ =	task [dreg:s6], $0x5FFFF  }
0xac: {  	[dreg:$0x1] =	wrdreg $0xFFFFFFFF  }
0xad: {  	[dreg:$0x0] =	wrdreg $0x60  }
0xae: {  	[dreg:$0x2] =	wrdreg s24  }
0xaf: {  	[dreg:$0x3] =	wrdreg $0x9  }
0xb0: {  	_ =	task.clear_ibuf [dreg:s6], $0x4FFFF;
	_ =	strace $0x9000004F  }
0xb1: {  	s29 =	simm.s32 $0x9;
	_ =	strace $0x80000051  }
0xb2: {  	_ =	swait.ge [sflag:s29], $0x1  }
0xb3: {  	[sflag:s29] =	ssyncadd.s32 $0xFFFFFFFF  }
0xb4: {  	_ =	strace $0x90000051  }
0xb5: {  	_ =	sfence  }
0xb6: {  	s30 =	sld [smem:$0x0];
	_ =	sdelay $0x2  }
0xb7: {  	s31 =	sshll.u32 s1, $0xD;
	s1 =	sshrl.u32 s1, $0x2  }
0xb8: {  	s3 =	sand.u32 $0x4000, s31;
	s1 =	sadd.s32 s1, s30  }
0xb9: {  	s0 =	sor.u32 s3, s0;
	s1 =	sshll.u32 s1, $0x11  }
0xba: {  	s0 =	sor.u32 s1, s0  }
0xbb: {  	s0 =	sadd.s32 $0x8F2B, s0  }
0xbc: {  	[sflag:s0] =	ssyncadd.remote.s32 $0x1  }
0xbd: {  	_ =	sfence.sel $0xFFFF  }
0xbe: {  	[dreg:$0x0] =	wrdreg $0xFFFFFFFF;
	(pc) =	sbr.abs _section_cstart, $3  }
0xbf: {  	[dreg:$0x1] =	wrdreg $0xFFFFFFFF  }
0xc0: {  	_ =	task.clear_ibuf [dreg:s6], $0x2FFFF;
	_ =	strace $0x9FFFFFFF  }
0xc1: {  	(tm) =	ssettm $0x7FFFFFFF  }
tec
execute0_lowered:
.L_overlay_start_1:
0x0: {  	(tag) =	ssettag $0x1  }
0x1: {  	s0 =	srdreg.scid  }
0x2: {  	s1 =	stileid.u32;
	s8 =	rddreg [dreg:$0x0]  }
0x3: {  	s2 =	simm.s32 $0x0;
	s19 =	simm.s32 $0x880;
	s20 =	simm.s32 $0x1080  }
0x4: {  	s21 =	simm.s32 $0x1880;
	s22 =	simm.s32 $0x2080;
	s23 =	simm.s32 $0x2880  }
0x5: {  	s24 =	simm.s32 $0x2C80;
	s26 =	simm.s32 $0x3480;
	s11 =	simm.s32 $0x2  }
0x6: {  	s12 =	simm.s32 $0x80;
	s13 =	simm.s32 $0x3C80;
	s14 =	simm.s32 $0x4480  }
0x7: {  	s15 =	simm.s32 $0x4C80;
	s16 =	simm.s32 $0x5480;
	[smem:$0x7FF] =	sst s2  }
0x8: {  	s17 =	simm.s32 $0x5880;
	_ =	strace $0x80000050;
	[dreg:$0x3] =	wrdreg s19  }
0x9: {  	s18 =	simm.s32 $0x6080;
	s28 =	simm.s32 $0xA480;
	[dreg:$0x4] =	wrdreg s20  }
0xa: {  	s29 =	simm.s32 $0xAC80;
	s30 =	simm.s32 $0x1;
	[dreg:$0x5] =	wrdreg s21  }
0xb: {  	s31 =	simm.s32 $0x0;
	s0 =	sand.u32 $0x1, s0;
	[dreg:$0x6] =	wrdreg s22  }
0xc: {  	s1 =	smul.u32 $0x2720, s1;
	s6 =	sadd.s32 $0x1972700, s8;
	[dreg:$0x7] =	wrdreg s23  }
0xd: {  	s7 =	sadd.s32 $0x1972800, s8;
	s3 =	smul.u32 $0x1390, s0;
	[dreg:$0x8] =	wrdreg s24  }
0xe: {  	s0 =	ssub.s32 $0x2, s0;
	[dreg:$0x9] =	wrdreg s26;
	s19 =	simm.s32 $0x6880  }
0xf: {  	s20 =	simm.s32 $0x7080;
	s21 =	simm.s32 $0x7880;
	s22 =	simm.s32 $0x8080  }
0x10: {  	s23 =	simm.s32 $0x8480;
	s24 =	simm.s32 $0x8C80;
	s1 =	sadd.s32 s3, s1  }
0x11: {  	s26 =	simm.s32 $0x9C80;
	s5 =	sshrl.u32 s0, $0x1;
	s1 =	sshrl.u32 s1, $0x3  }
0x12: {  	s3 =	sadd.s32 $0x1972400, s8;
	s0 =	ssub.s32 s0, s5;
	s4 =	smul.u32 $0x580, s1  }
0x13: {  	s5 =	sadd.s32 $0x1972600, s8;
	s0 =	smax.u32 s0, $0x1;
	s1 =	sadd.s32 s1, s8  }
0x14: {  	v2 =	vlaneseq.u32;
	[dreg:$0xa] =	wrdreg s0;
	s1 =	sadd.s32 $0xAC00, s1;
	s10 =	sadd.s32 s4, s8  }
0x15: {  	vm0 =	vmmov $0xffff;
	vm1 =	vmmov $0xff;
	v1 =	vshrl.u32 v2, $0x3;
	s4 =	sadd.s32 $0x1972500, s8;
	[dreg:$0x2] =	wrdreg s1;
	s25 =	sadd.s32 $0x21D6C00, s10  }
0x16: {  	v0 =	vand.u32 $0x7, v2;
	v2 =	vor.u32 $0x8, v2;
	v1 =	vmul.u32 $0x8, v1;
	s8 =	sadd.s32 $0x1972900, s8;
	[dreg:$0xb] =	wrdreg s25;
	s25 =	simm.s32 $0x9480  }
.LBB2_1:
0x17: {  	s1 =	simm.s32 $0x0;
	s10 =	rddreg [dreg:$0xb]  }
.LBB2_2:
0x18: {  	s9 =	rddreg [dreg:$0x2]  }
0x19: {  	s9 =	sadd.s32 s1, s9  }
0x1a: {  	[tilespmem:s2], [sflag:$0x2] =	stream.linear.gather [hbm4b:s9+s2], $0x20, $0x38;
	[tilespmem:$0xB080] =	vst v63  }
0x1b: {  	_ =	swait.ge [sflag:s11], $0x20  }
0x1c: {  	[sflag:s11] =	ssyncset.done $0x0  }
0x1d: {  	[sflag:s11] =	ssyncadd.s32 $0xFFFFFFE0  }
0x1e: {  	v3 =	vld [tilespmem:$0x0];
	_ =	sdelay $0x4  }
0x1f: {  	v4 =	vshrl.u32 v3, $0x3  }
0x20: {  	v4 =	vmul.u32 $0x58, v4  }
0x21: {  	v3 =	vand.u32 $0x7, v3  }
0x22: {  	v3 =	vor.u32 v3, v4  }
0x23: {  	v4 =	vperm.xlane v3, v0;
	_ =	sdelay $0x1  }
0x24: {  	v4 =	vadd.s32 v1, v4;
	_ =	sdelay $0x4  }
0x25: {  	[tilespmem:s12], [sflag:$0x1] =	stream.indirect_vreg.gather [hbm4b:s3+s2], $0x80, v4, vm0, $0xb8;
	[tilespmem:$0xB080] =	vst v63  }
0x26: {  	s9 =	rddreg [dreg:$0x3]  }
0x27: {  	[tilespmem:s9], [sflag:$0x1] =	stream.indirect_vreg.gather [hbm4b:s4+s2], $0x80, v4, vm0, $0xb8;
	[tilespmem:$0xB080] =	vst v63  }
0x28: {  	s0 =	rddreg [dreg:$0x4]  }
0x29: {  	[tilespmem:s0], [sflag:$0x1] =	stream.indirect_vreg.gather [hbm4b:s5+s2], $0x80, v4, vm0, $0xb8;
	[tilespmem:$0xB080] =	vst v63  }
0x2a: {  	v3 =	vperm.xlane v3, v2;
	s9 =	rddreg [dreg:$0x5]  }
0x2b: {  	[tilespmem:s9], [sflag:$0x1] =	stream.indirect_vreg.gather [hbm4b:s6+s2], $0x80, v4, vm0, $0xb8;
	[tilespmem:$0xB080] =	vst v63  }
0x2c: {  	v3 =	vadd.s32 v1, v3;
	s0 =	rddreg [dreg:$0x6]  }
0x2d: {  	[tilespmem:s0], [sflag:$0x1] =	stream.indirect_vreg.gather [hbm4b:s7+s2], $0x80, v4, vm0, $0xb8;
	[tilespmem:$0xB080] =	vst v63  }
0x2e: {  	s9 =	rddreg [dreg:$0x7]  }
0x2f: {  	[tilespmem:s9], [sflag:$0x1] =	stream.indirect_vreg.gather [hbm4b:s8+s2], $0x80, v4, vm1, $0xb8;
	[tilespmem:$0xB080] =	vst v63  }
0x30: {  	s0 =	rddreg [dreg:$0x8]  }
0x31: {  	[tilespmem:s0], [sflag:$0x1] =	stream.indirect_vreg.gather [hbm4b:s3+s2], $0x80, v3, vm0, $0xb8;
	[tilespmem:$0xB080] =	vst v63  }
0x32: {  	s9 =	rddreg [dreg:$0x9]  }
0x33: {  	[tilespmem:s9], [sflag:$0x1] =	stream.indirect_vreg.gather [hbm4b:s4+s2], $0x80, v3, vm0, $0xb8;
	[tilespmem:$0xB080] =	vst v63  }
0x34: {  	_ = 	snop  }
0x35: {  	[tilespmem:s13], [sflag:$0x1] =	stream.indirect_vreg.gather [hbm4b:s5+s2], $0x80, v3, vm0, $0xb8;
	[tilespmem:$0xB080] =	vst v63  }
0x36: {  	_ = 	snop  }
0x37: {  	[tilespmem:s14], [sflag:$0x1] =	stream.indirect_vreg.gather [hbm4b:s6+s2], $0x80, v3, vm0, $0xb8;
	[tilespmem:$0xB080] =	vst v63  }
0x38: {  	_ = 	snop  }
0x39: {  	[tilespmem:s15], [sflag:$0x1] =	stream.indirect_vreg.gather [hbm4b:s7+s2], $0x80, v3, vm0, $0xb8;
	[tilespmem:$0xB080] =	vst v63  }
0x3a: {  	_ = 	snop  }
0x3b: {  	[tilespmem:s16], [sflag:$0x1] =	stream.indirect_vreg.gather [hbm4b:s8+s2], $0x80, v3, vm1, $0xb8;
	[tilespmem:$0xB080] =	vst v63  }
0x3c: {  	v3 =	vld [tilespmem:$0x10];
	_ =	sdelay $0x4  }
0x3d: {  	v63 =	vshrl.u32 v3, $0x3  }
0x3e: {  	v4 =	vmul.u32 $0x58, v63  }
0x3f: {  	v3 =	vand.u32 $0x7, v3  }
0x40: {  	v3 =	vor.u32 v3, v4  }
0x41: {  	v4 =	vperm.xlane v3, v0;
	_ =	sdelay $0x1  }
0x42: {  	v4 =	vadd.s32 v1, v4;
	_ =	sdelay $0x4  }
0x43: {  	[tilespmem:s17], [sflag:$0x1] =	stream.indirect_vreg.gather [hbm4b:s3+s2], $0x80, v4, vm0, $0xb8;
	[tilespmem:$0xB080] =	vst v63  }
0x44: {  	_ = 	snop  }
0x45: {  	[tilespmem:s18], [sflag:$0x1] =	stream.indirect_vreg.gather [hbm4b:s4+s2], $0x80, v4, vm0, $0xb8;
	[tilespmem:$0xB080] =	vst v63  }
0x46: {  	_ = 	snop  }
0x47: {  	[tilespmem:s19], [sflag:$0x1] =	stream.indirect_vreg.gather [hbm4b:s5+s2], $0x80, v4, vm0, $0xb8;
	[tilespmem:$0xB080] =	vst v63  }
0x48: {  	v3 =	vperm.xlane v3, v2  }
0x49: {  	[tilespmem:s20], [sflag:$0x1] =	stream.indirect_vreg.gather [hbm4b:s6+s2], $0x80, v4, vm0, $0xb8;
	[tilespmem:$0xB080] =	vst v63  }
0x4a: {  	v3 =	vadd.s32 v1, v3  }
0x4b: {  	[tilespmem:s21], [sflag:$0x1] =	stream.indirect_vreg.gather [hbm4b:s7+s2], $0x80, v4, vm0, $0xb8;
	[tilespmem:$0xB080] =	vst v63  }
0x4c: {  	_ = 	snop  }
0x4d: {  	[tilespmem:s22], [sflag:$0x1] =	stream.indirect_vreg.gather [hbm4b:s8+s2], $0x80, v4, vm1, $0xb8;
	[tilespmem:$0xB080] =	vst v63  }
0x4e: {  	_ = 	snop  }
0x4f: {  	[tilespmem:s23], [sflag:$0x1] =	stream.indirect_vreg.gather [hbm4b:s3+s2], $0x80, v3, vm0, $0xb8;
	[tilespmem:$0xB080] =	vst v63  }
0x50: {  	_ = 	snop  }
0x51: {  	[tilespmem:s24], [sflag:$0x1] =	stream.indirect_vreg.gather [hbm4b:s4+s2], $0x80, v3, vm0, $0xb8;
	[tilespmem:$0xB080] =	vst v63  }
0x52: {  	_ = 	snop  }
0x53: {  	[tilespmem:s25], [sflag:$0x1] =	stream.indirect_vreg.gather [hbm4b:s5+s2], $0x80, v3, vm0, $0xb8;
	[tilespmem:$0xB080] =	vst v63  }
0x54: {  	_ = 	snop  }
0x55: {  	[tilespmem:s26], [sflag:$0x1] =	stream.indirect_vreg.gather [hbm4b:s6+s2], $0x80, v3, vm0, $0xb8;
	[tilespmem:$0xB080] =	vst v63  }
0x56: {  	_ = 	snop  }
0x57: {  	[tilespmem:s28], [sflag:$0x1] =	stream.indirect_vreg.gather [hbm4b:s7+s2], $0x80, v3, vm0, $0xb8;
	[tilespmem:$0xB080] =	vst v63  }
0x58: {  	_ = 	snop  }
0x59: {  	[tilespmem:s29], [sflag:$0x1] =	stream.indirect_vreg.gather [hbm4b:s8+s2], $0x80, v3, vm1, $0xb8;
	[tilespmem:$0xB080] =	vst v63  }
0x5a: {  	_ =	swait.ge [sflag:s30], $0xB000  }
0x5b: {  	p0 =	sne.s32 s1, $0x26C;
	[sflag:s30] =	ssyncset.done $0x0  }
.Ltmp0:
0x5c: {  	[sflag:s30] =	ssyncadd.s32 $0xFFFF5000;
	(pc) =	sbr.rel @p0 .LBB2_2-.Ltmp0, $4  }
0x5d: {  	[hbm4b:s10+s2] =	stream.linear.scatter [tilespmem:s12], [sflag:$0x2], $0xB000, $0x38;
	[tilespmem:$0xB080] =	vst v63  }
0x5e: {  	_ =	swait.ge [sflag:s11], $0xB000  }
0x5f: {  	[sflag:s11] =	ssyncset.done $0x0  }
0x60: {  	s1 =	sadd.s32 $0x4, s1;
	s10 =	sadd.s32 $0x1600, s10;
	[sflag:s11] =	ssyncadd.s32 $0xFFFF5000  }
0x61: {  	s31 =	sadd.s32 $0x1, s31;
	s0 =	rddreg [dreg:$0xa]  }
0x62: {  	p0 =	sne.s32 s31, s0  }
.Ltmp1:
0x63: {  	_ = 	snop;
	(pc) =	sbr.rel @p0 .LBB2_1-.Ltmp1, $1  }
0x64: {  	_ =	sdelay $0x3  }
0x65: {  	_ =	sfence.sel $0x180000  }
0x66: {  	[bflag:$0x0] =	sbarrier.arrive $0xFFFF  }
0x67: {  	_ =	strace $0x90000050  }
0x68: {  	s0 =	stileid.u32;
	[bflag:$0x2] =	sbarrier.arrive $0xFFFF  }
0x69: {  	p0 =	sne.s32 s0, $0x0;
	s0 =	rddreg [dreg:$0x1]  }
0x6a: {  	s0 =	sadd.s32 @!p0 $0x100000, s0  }
0x6b: {  	[sflag:s0] =	ssyncadd.tile.s32 @!p0 $0x1;
	_ =	shalt  }
.Lfunc_end2:
_tile_overlayer_lowered:
.L_overlay_start_2:
0x6c: {  	(tag) =	ssettag $0x2  }
0x6d: {  	s0 =	rddreg [dreg:$0x0];
	s2 =	stileid.u32  }
0x6e: {  	s1 =	rddreg [dreg:$0x1];
	p0 =	sne.s32 s2, $0x0  }
0x6f: {  	s3 =	rddreg [dreg:$0x2];
	[bflag:$0x3] =	sbarrier.arrive $0xFFFF;
	s2 =	simm.s32 @!p0 $0x1C02  }
0x70: {  	[timem:s3], [sflag:s2] =	dma.local @!p0 [hbm:s0], s1  }
0x71: {  	s0 =	simm.s32 @!p0 $0x2  }
0x72: {  	_ =	swait.ge @!p0 [sflag:s0], s1  }
0x73: {  	s1 =	ssub.s32 @!p0 $0x0, s1;
	[sflag:s0] =	ssyncset.done @!p0 $0x0  }
0x74: {  	[sflag:s0] =	ssyncadd.s32 @!p0 s1  }
0x75: {  	[bflag:$0x3] =	sbarrier.arrive $0xFFFF  }
0x76: {  	_ =	shalt  }

</sc_bundles>
